<compile_context>
chip_gen: v7x
topology: tpu7x:2x2x1
jax: 0.10.2.dev20260603
libtpu: 0.0.44.dev20260713+nightly
codegen_flags: <defaults>
</compile_context>

<pallas_src>
import functools

import jax
import jax.numpy as jnp
from jax import lax
from jax.experimental import pallas as pl
from jax.experimental.pallas import tpu as pltpu
from jax.experimental.pallas import tpu_sc as plsc

NC = 2
NS = 16
B = 256

_MESH = plsc.VectorSubcoreMesh(core_axis_name="c", subcore_axis_name="s")
_SC_PARAMS = pltpu.CompilerParams(use_tc_tiling_on_sc=False)


def _ceil_to(x, m):
    return -(-x // m) * m


def _deg_body(nblk, rpt, dst_h, out_h, idx_d, ones_v, zero_v, acc_sh, *sems):
    c = lax.axis_index("c")
    s = lax.axis_index("s")
    tile = c * NS + s
    for j in range(B // 16):
        ones_v[pl.ds(16 * j, 16)] = jnp.ones((16,), jnp.float32)
    @pl.loop(0, rpt // 16)
    def _(j):
        zero_v[pl.ds(16 * j, 16)] = jnp.zeros((16,), jnp.float32)
    pltpu.sync_copy(zero_v, acc_sh.at[pl.ds(s * rpt, rpt)])
    pltpu.sync_copy(dst_h.at[pl.ds(tile * nblk, nblk)], idx_d)
    plsc.subcore_barrier()

    @pl.loop(0, nblk // NBUF)
    def _(g):
        descs = [pltpu.async_copy(ones_v,
                                  acc_sh.at[idx_d.at[g * NBUF + b]],
                                  sems[b], add=True)
                 for b in range(NBUF)]
        for d in descs:
            d.wait()

    plsc.subcore_barrier()
    pltpu.sync_copy(acc_sh.at[pl.ds(s * rpt, rpt)],
                    out_h.at[c, pl.ds(s * rpt, rpt)])


def _degree(dst_r, np_, nblk):
    rpt = np_ // NS
    body = functools.partial(_deg_body, nblk, rpt)
    return pl.kernel(
        body,
        out_type=jax.ShapeDtypeStruct((NC, np_), jnp.float32),
        mesh=_MESH,
        scratch_types=[
            pltpu.VMEM((nblk, B), jnp.int32),
            pltpu.VMEM((B,), jnp.float32),
            pltpu.VMEM((rpt,), jnp.float32),
            pltpu.VMEM_SHARED((np_,), jnp.float32),
        ] + [pltpu.SemaphoreType.DMA] * NBUF,
        compiler_params=_SC_PARAMS,
    )(dst_r)


NBUF = 2


def _edge_loop(ch, nblk, row_base, tab_sh, tab_hbm, src_h, dst_h,
               idx_s, idx_d, rows, acc_sh, gsems, ssems):
    dummy_h = tab_hbm.at[pl.ds(0, B)]

    @pl.loop(0, nblk // ch)
    def _(cc):
        row0 = row_base + cc * ch
        pltpu.sync_copy(src_h.at[pl.ds(row0, ch)], idx_s)
        pltpu.sync_copy(dst_h.at[pl.ds(row0, ch)], idx_d)
        for b in range(NBUF):
            pltpu.async_copy(tab_sh.at[idx_s.at[b]], rows.at[b], gsems[b])

        @pl.loop(0, ch // NBUF)
        def _(g):
            j0 = g * NBUF
            descs = []
            for b in range(NBUF):
                pltpu.make_async_copy(dummy_h, rows.at[b], gsems[b]).wait()
                descs.append(pltpu.async_copy(
                    rows.at[b], acc_sh.at[idx_d.at[j0 + b]], ssems[b],
                    add=True))
            for b in range(NBUF):
                descs[b].wait()

                @pl.when(j0 + NBUF + b < ch)
                def _():
                    pltpu.async_copy(tab_sh.at[idx_s.at[j0 + NBUF + b]],
                                     rows.at[b], gsems[b])


def _edge_fs_body(tbt, rpt, ch, table_h, src_h, dst_h, out_h,
                  idx_s, idx_d, rows, tab_sh, acc_sh, *sems):
    c = lax.axis_index("c")
    s = lax.axis_index("s")
    sl = pl.ds(s * rpt, rpt)
    d1 = pltpu.async_copy(table_h.at[c, sl], tab_sh.at[sl], sems[0])
    d2 = pltpu.async_copy(table_h.at[c, sl], acc_sh.at[sl], sems[1])
    d1.wait()
    d2.wait()
    plsc.subcore_barrier()
    _edge_loop(ch, tbt, s * tbt, tab_sh, table_h.at[c], src_h, dst_h,
               idx_s, idx_d, rows, acc_sh, sems[:NBUF], sems[NBUF:])
    plsc.subcore_barrier()
    pltpu.sync_copy(acc_sh.at[sl], out_h.at[c, sl])


def _edge_es_body(nblk0, nblk1, rpt, ch, table_h, src_h, dst_h, out_h,
                  idx_s, idx_d, rows, tab_sh, acc_sh, *sems):
    c = lax.axis_index("c")
    s = lax.axis_index("s")
    sl = pl.ds(s * rpt, rpt)
    d1 = pltpu.async_copy(table_h.at[sl], tab_sh.at[sl], sems[0])
    d2 = pltpu.async_copy(table_h.at[sl], acc_sh.at[sl], sems[1])
    d1.wait()
    d2.wait()
    plsc.subcore_barrier()

    args = (tab_sh, table_h, src_h, dst_h, idx_s, idx_d,
            rows, acc_sh, sems[:NBUF], sems[NBUF:])

    @pl.when(c == 0)
    def _():
        _edge_loop(ch, nblk0, s * nblk0, *args)

    @pl.when(c == 1)
    def _():
        _edge_loop(ch, nblk1, NS * nblk0 + s * nblk1, *args)

    plsc.subcore_barrier()
    pltpu.sync_copy(acc_sh.at[sl], out_h.at[c, sl])


def _edge_scratch(ch, np_, f):
    return [
        pltpu.VMEM((ch, B), jnp.int32),
        pltpu.VMEM((ch, B), jnp.int32),
        pltpu.VMEM((NBUF, B, f), jnp.float32),
        pltpu.VMEM_SHARED((np_, f), jnp.float32),
        pltpu.VMEM_SHARED((np_, f), jnp.float32),
    ] + [pltpu.SemaphoreType.DMA] * (2 * NBUF)


def _edge_pass_fs(table2, src_r, dst_r, np_, f2, tbt):
    rpt = np_ // NS
    ch = 8
    body = functools.partial(_edge_fs_body, tbt, rpt, ch)
    return pl.kernel(
        body,
        out_type=jax.ShapeDtypeStruct((NC, np_, f2), jnp.float32),
        mesh=_MESH,
        scratch_types=_edge_scratch(ch, np_, f2),
        compiler_params=_SC_PARAMS,
    )(table2, src_r, dst_r)


def _edge_pass_es(table, src_r, dst_r, np_, f, nblk0, nblk1):
    rpt = np_ // NS
    ch = 8
    body = functools.partial(_edge_es_body, nblk0, nblk1, rpt, ch)
    return pl.kernel(
        body,
        out_type=jax.ShapeDtypeStruct((NC, np_, f), jnp.float32),
        mesh=_MESH,
        scratch_types=_edge_scratch(ch, np_, f),
        compiler_params=_SC_PARAMS,
    )(table, src_r, dst_r)


def _b_body(f2, x_ref, w_ref, degp_ref, out_ref):
    deg = degp_ref[0, :] + degp_ref[1, :] + 1.0
    dinv = lax.rsqrt(deg)
    h = jnp.dot(x_ref[...], w_ref[...], preferred_element_type=jnp.float32)
    hp = h * dinv[:, None]
    out_ref[0] = hp[:, :f2]
    out_ref[1] = hp[:, f2:]


def _d_body(acc_ref, degp_ref, b1_ref, w2_ref, out_ref):
    deg = degp_ref[0, :] + degp_ref[1, :] + 1.0
    dinv = lax.rsqrt(deg)
    ssum = jnp.concatenate([acc_ref[0], acc_ref[1]], axis=1)
    a1 = jnp.maximum(ssum * dinv[:, None] + b1_ref[...], 0.0)
    h2 = jnp.dot(a1, w2_ref[...], preferred_element_type=jnp.float32)
    out_ref[...] = h2 * dinv[:, None]


def _f_body(acc_ref, hp_ref, degt_ref, b2_ref, out_ref):
    d = degt_ref[...]
    dinv = lax.rsqrt(d[:, 0] + d[:, 1] + 1.0)
    out_ref[...] = (acc_ref[0] + acc_ref[1] - hp_ref[...]) * dinv[:, None] \
        + b2_ref[...]


def kernel(x, edge_index, W1, b1, W2, b2):
    n, d_in = x.shape
    hid = W1.shape[1]
    n_act = W2.shape[1]
    e = edge_index.shape[1]

    np_ = _ceil_to(n + 1, NS * 40)
    ep = _ceil_to(e, NC * NS * B * 8)
    nblk = ep // (NC * NS * B)
    tbt = ep // (NS * B)
    nblk0 = tbt // 2
    nblk1 = tbt - nblk0
    f2 = hid // NC
    rb = np_ // 16

    pad_idx = jnp.full((2, ep - e), n, dtype=edge_index.dtype)
    ei = jnp.concatenate([edge_index, pad_idx], axis=1)
    src_r = ei[0].reshape(NC * NS * nblk, B)
    dst_r = ei[1].reshape(NC * NS * nblk, B)
    xp = jnp.pad(x, ((0, np_ - n), (0, 0)))

    degp = _degree(dst_r, np_, nblk)

    h1t = pl.pallas_call(
        functools.partial(_b_body, f2),
        grid=(np_ // rb,),
        in_specs=[
            pl.BlockSpec((rb, d_in), lambda i: (i, 0)),
            pl.BlockSpec((d_in, hid), lambda i: (0, 0)),
            pl.BlockSpec((NC, rb), lambda i: (0, i)),
        ],
        out_specs=pl.BlockSpec((NC, rb, f2), lambda i: (0, i, 0)),
        out_shape=jax.ShapeDtypeStruct((NC, np_, f2), jnp.float32),
    )(xp, W1, degp)

    acc1 = _edge_pass_fs(h1t, src_r, dst_r, np_, f2, tbt)

    h2p = pl.pallas_call(
        _d_body,
        grid=(np_ // rb,),
        in_specs=[
            pl.BlockSpec((NC, rb, f2), lambda i: (0, i, 0)),
            pl.BlockSpec((NC, rb), lambda i: (0, i)),
            pl.BlockSpec((1, hid), lambda i: (0, 0)),
            pl.BlockSpec((hid, n_act), lambda i: (0, 0)),
        ],
        out_specs=pl.BlockSpec((rb, n_act), lambda i: (i, 0)),
        out_shape=jax.ShapeDtypeStruct((np_, n_act), jnp.float32),
    )(acc1, degp, b1.reshape(1, hid), W2)

    acc2 = _edge_pass_es(h2p, src_r, dst_r, np_, n_act, nblk0, nblk1)

    rbf = 400
    out = pl.pallas_call(
        _f_body,
        grid=(n // rbf,),
        in_specs=[
            pl.BlockSpec((NC, rbf, n_act), lambda i: (0, i, 0)),
            pl.BlockSpec((rbf, n_act), lambda i: (i, 0)),
            pl.BlockSpec((rbf, NC), lambda i: (i, 0)),
            pl.BlockSpec((1, n_act), lambda i: (0, 0)),
        ],
        out_specs=pl.BlockSpec((rbf, n_act), lambda i: (i, 0)),
        out_shape=jax.ShapeDtypeStruct((n, n_act), jnp.float32),
    )(acc2, h2p, degp.T, b2.reshape(1, n_act))

    return out

# --- scband reference (transcript-rebuilt; emitter-appended) ---
"""Pipeline reference for scband-gcn-15857019256946 (READ-ONLY COPY).

The authoritative reference and input builder live on the scoring server;
editing this copy changes nothing except your own understanding.
"""

import jax, jax.numpy as jnp
import numpy as np

N = 10000
E = 320000
D_IN = 128
HID = 128
N_ACT = 64


def setup_inputs(seed: int = 0) -> dict:
    key = jax.random.key(seed)
    k1, k2, k3, k4, k5, k6 = jax.random.split(key, 6)
    x = jax.random.normal(k1, (N, D_IN), dtype=jnp.float32)
    edge_index = jax.random.randint(k2, (2, E), 0, N, dtype=jnp.int32)
    W1 = jax.random.normal(k3, (D_IN, HID), dtype=jnp.float32) * (1.0 / np.sqrt(D_IN))
    b1 = jnp.zeros((HID,), dtype=jnp.float32)
    W2 = jax.random.normal(k4, (HID, N_ACT), dtype=jnp.float32) * (1.0 / np.sqrt(HID))
    b2 = jnp.zeros((N_ACT,), dtype=jnp.float32)
    return {"x": x, "edge_index": edge_index, "W1": W1, "b1": b1, "W2": W2, "b2": b2}


def _gcn_conv(x, edge_index, W, b):
    # GCNConv with normalize=True: A_hat = A + I, sym norm D^-1/2 A_hat D^-1/2
    n = x.shape[0]
    loop = jnp.arange(n, dtype=edge_index.dtype)
    src = jnp.concatenate([edge_index[0], loop])
    dst = jnp.concatenate([edge_index[1], loop])
    deg = jnp.zeros((n,), dtype=x.dtype).at[dst].add(jnp.ones_like(dst, dtype=x.dtype))
    dinv = jax.lax.rsqrt(jnp.maximum(deg, 1e-12))
    norm = dinv[src] * dinv[dst]
    h = x @ W
    msg = jnp.take(h, src, axis=0) * norm[:, None]
    out = jax.ops.segment_sum(msg, dst, num_segments=n)
    return out + b


def reference(x, edge_index, W1, b1, W2, b2):
    # eval mode: dropout is identity
    h = jax.nn.relu(_gcn_conv(x, edge_index, W1, b1))
    out = _gcn_conv(h, edge_index, W2, b2)
    return out

if __name__ == "__main__":
    import jax
    _d = setup_inputs()
    print(jax.jit(kernel)(*tuple(_d.values())))

</pallas_src>

<mosaic_0001>
#map = affine_map<(d0, d1) -> (0, 0)>
#map1 = affine_map<(d0, d1) -> (0, 0, 0)>
module attributes {stable_mosaic.version = 14 : i64} {
  func.func @_edge_es_body(%arg0: i32, %arg1: i32, %arg2: memref<10240x64xf32, #tpu.memory_space<hbm>>, %arg3: memref<1280x256xi32, #tpu.memory_space<hbm>>, %arg4: memref<1280x256xi32, #tpu.memory_space<hbm>>, %arg5: memref<2x10240x64xf32, #tpu.memory_space<hbm>>, %arg6: memref<8x256xi32, #tpu.memory_space<vmem>>, %arg7: memref<8x256xi32, #tpu.memory_space<vmem>>, %arg8: memref<2x256x64xf32, #tpu.memory_space<vmem>>, %arg9: memref<10240x64xf32, #tpu.memory_space<vmem_shared>>, %arg10: memref<10240x64xf32, #tpu.memory_space<vmem_shared>>, %arg11: memref<!tpu.dma_semaphore, #tpu.memory_space<semaphore_mem>>, %arg12: memref<!tpu.dma_semaphore, #tpu.memory_space<semaphore_mem>>, %arg13: memref<!tpu.dma_semaphore, #tpu.memory_space<semaphore_mem>>, %arg14: memref<!tpu.dma_semaphore, #tpu.memory_space<semaphore_mem>>) attributes {dimension_semantics = [#tpu.dimension_semantics<core_parallel>, #tpu.dimension_semantics<subcore_parallel>], iteration_bounds = array<i64: 2, 16>, scalar_prefetch = 0 : i64, scratch_operands = 9 : i64, tpu.core_type = #tpu.core_type<sc_vector_subcore>, window_params = [{transform_indices = #map}, {transform_indices = #map}, {transform_indices = #map}, {transform_indices = #map1}]} {
    %mul3A = arith.constant 640 : i32
    %mul3A_0 = arith.muli %arg1, %mul3A : i32
    %dma_start3A = arith.constant 0 : i32
    %dma_start3A_1 = tpu.memref_slice %arg9[%mul3A_0, %dma_start3A] : memref<10240x64xf32, #tpu.memory_space<vmem_shared>> -> memref<640x64xf32, #tpu.memory_space<vmem_shared>>
    %dma_start3A_2 = arith.constant 0 : i32
    %dma_start3A_3 = tpu.memref_slice %arg2[%mul3A_0, %dma_start3A_2] : memref<10240x64xf32, #tpu.memory_space<hbm>> -> memref<640x64xf32, #tpu.memory_space<hbm>>
    tpu.enqueue_dma source(%dma_start3A_3 : memref<640x64xf32, #tpu.memory_space<hbm>>) target(%dma_start3A_1 : memref<640x64xf32, #tpu.memory_space<vmem_shared>>) target_semaphore(%arg11 : memref<!tpu.dma_semaphore, #tpu.memory_space<semaphore_mem>>)
    %dma_start3A_4 = arith.constant 0 : i32
    %dma_start3A_5 = tpu.memref_slice %arg10[%mul3A_0, %dma_start3A_4] : memref<10240x64xf32, #tpu.memory_space<vmem_shared>> -> memref<640x64xf32, #tpu.memory_space<vmem_shared>>
    %dma_start3A_6 = arith.constant 0 : i32
    %dma_start3A_7 = tpu.memref_slice %arg2[%mul3A_0, %dma_start3A_6] : memref<10240x64xf32, #tpu.memory_space<hbm>> -> memref<640x64xf32, #tpu.memory_space<hbm>>
    tpu.enqueue_dma source(%dma_start3A_7 : memref<640x64xf32, #tpu.memory_space<hbm>>) target(%dma_start3A_5 : memref<640x64xf32, #tpu.memory_space<vmem_shared>>) target_semaphore(%arg12 : memref<!tpu.dma_semaphore, #tpu.memory_space<semaphore_mem>>)
    %dma_wait3A = arith.constant 0 : i32
    %dma_wait3A_8 = tpu.memref_slice %arg9[%mul3A_0, %dma_wait3A] : memref<10240x64xf32, #tpu.memory_space<vmem_shared>> -> memref<640x64xf32, #tpu.memory_space<vmem_shared>>
    %dma_wait3A_9 = arith.constant 0 : i32
    %dma_wait3A_10 = tpu.memref_slice %arg2[%mul3A_0, %dma_wait3A_9] : memref<10240x64xf32, #tpu.memory_space<hbm>> -> memref<640x64xf32, #tpu.memory_space<hbm>>
    tpu.wait_dma2 semaphore(%arg11 : memref<!tpu.dma_semaphore, #tpu.memory_space<semaphore_mem>>) src(%dma_wait3A_10 : memref<640x64xf32, #tpu.memory_space<hbm>>) dst(%dma_wait3A_8 : memref<640x64xf32, #tpu.memory_space<vmem_shared>>)
    %dma_wait3A_11 = arith.constant 0 : i32
    %dma_wait3A_12 = tpu.memref_slice %arg10[%mul3A_0, %dma_wait3A_11] : memref<10240x64xf32, #tpu.memory_space<vmem_shared>> -> memref<640x64xf32, #tpu.memory_space<vmem_shared>>
    %dma_wait3A_13 = arith.constant 0 : i32
    %dma_wait3A_14 = tpu.memref_slice %arg2[%mul3A_0, %dma_wait3A_13] : memref<10240x64xf32, #tpu.memory_space<hbm>> -> memref<640x64xf32, #tpu.memory_space<hbm>>
    tpu.wait_dma2 semaphore(%arg12 : memref<!tpu.dma_semaphore, #tpu.memory_space<semaphore_mem>>) src(%dma_wait3A_14 : memref<640x64xf32, #tpu.memory_space<hbm>>) dst(%dma_wait3A_12 : memref<640x64xf32, #tpu.memory_space<vmem_shared>>)
    %barrier3A = arith.constant 0 : index
    tpu.barrier barrier_id(%barrier3A)
    %eq3A = arith.constant 0 : i32
    %eq3A_15 = arith.cmpi eq, %arg0, %eq3A : i32
    %convert_element_type3A = arith.extui %eq3A_15 : i1 to i32
    %cond3A = arith.constant 0 : i32
    %cond3A_16 = arith.cmpi ne, %convert_element_type3A, %cond3A : i32
    scf.if %cond3A_16 {
      %mul3A_23 = arith.constant 40 : i32
      %mul3A_24 = arith.muli %arg1, %mul3A_23 : i32
      %scan3A = arith.constant 0 : i32
      %scan3A_25 = arith.constant 5 : i32
      %scan3A_26 = arith.addi %scan3A, %scan3A_25 : i32
      %scan3A_27 = arith.constant 1 : i32
      scf.for %scan3A_29 = %scan3A to %scan3A_26 step %scan3A_27  : i32 {
        %mul3A_30 = arith.constant 1 : i32
        %mul3A_31 = arith.muli %scan3A_29, %mul3A_30 : i32
        %add3A = arith.constant 0 : i32
        %add3A_32 = arith.addi %add3A, %mul3A_31 : i32
        %mul3A_33 = arith.constant 8 : i32
        %mul3A_34 = arith.muli %add3A_32, %mul3A_33 : i32
        %add3A_35 = arith.addi %mul3A_24, %mul3A_34 : i32
        "tpu.region"() ({
          %run_scoped3A = tpu.sem_alloc : memref<!tpu.dma_semaphore, #tpu.memory_space<semaphore_mem>>
          %dma_start3A_65 = arith.constant 0 : i32
          %dma_start3A_66 = tpu.memref_slice %arg3[%add3A_35, %dma_start3A_65] : memref<1280x256xi32, #tpu.memory_space<hbm>> -> memref<8x256xi32, #tpu.memory_space<hbm>>
          %dma_start3A_67 = arith.constant 0 : i32
          %dma_start3A_68 = tpu.memref_slice %arg3[%add3A_35, %dma_start3A_67] : memref<1280x256xi32, #tpu.memory_space<hbm>> -> memref<8x256xi32, #tpu.memory_space<hbm>>
          tpu.enqueue_dma source(%dma_start3A_68 : memref<8x256xi32, #tpu.memory_space<hbm>>) target(%arg6 : memref<8x256xi32, #tpu.memory_space<vmem>>) target_semaphore(%run_scoped3A : memref<!tpu.dma_semaphore, #tpu.memory_space<semaphore_mem>>)
          %dma_wait3A_69 = arith.constant 0 : i32
          %dma_wait3A_70 = tpu.memref_slice %arg3[%add3A_35, %dma_wait3A_69] : memref<1280x256xi32, #tpu.memory_space<hbm>> -> memref<8x256xi32, #tpu.memory_space<hbm>>
          %dma_wait3A_71 = arith.constant 0 : i32
          %dma_wait3A_72 = tpu.memref_slice %arg3[%add3A_35, %dma_wait3A_71] : memref<1280x256xi32, #tpu.memory_space<hbm>> -> memref<8x256xi32, #tpu.memory_space<hbm>>
          tpu.wait_dma2 semaphore(%run_scoped3A : memref<!tpu.dma_semaphore, #tpu.memory_space<semaphore_mem>>) src(%dma_wait3A_72 : memref<8x256xi32, #tpu.memory_space<hbm>>) dst(%arg6 : memref<8x256xi32, #tpu.memory_space<vmem>>)
          tpu.yield
        }) : () -> ()
        "tpu.region"() ({
          %run_scoped3A = tpu.sem_alloc : memref<!tpu.dma_semaphore, #tpu.memory_space<semaphore_mem>>
          %dma_start3A_65 = arith.constant 0 : i32
          %dma_start3A_66 = tpu.memref_slice %arg4[%add3A_35, %dma_start3A_65] : memref<1280x256xi32, #tpu.memory_space<hbm>> -> memref<8x256xi32, #tpu.memory_space<hbm>>
          %dma_start3A_67 = arith.constant 0 : i32
          %dma_start3A_68 = tpu.memref_slice %arg4[%add3A_35, %dma_start3A_67] : memref<1280x256xi32, #tpu.memory_space<hbm>> -> memref<8x256xi32, #tpu.memory_space<hbm>>
          tpu.enqueue_dma source(%dma_start3A_68 : memref<8x256xi32, #tpu.memory_space<hbm>>) target(%arg7 : memref<8x256xi32, #tpu.memory_space<vmem>>) target_semaphore(%run_scoped3A : memref<!tpu.dma_semaphore, #tpu.memory_space<semaphore_mem>>)
          %dma_wait3A_69 = arith.constant 0 : i32
          %dma_wait3A_70 = tpu.memref_slice %arg4[%add3A_35, %dma_wait3A_69] : memref<1280x256xi32, #tpu.memory_space<hbm>> -> memref<8x256xi32, #tpu.memory_space<hbm>>
          %dma_wait3A_71 = arith.constant 0 : i32
          %dma_wait3A_72 = tpu.memref_slice %arg4[%add3A_35, %dma_wait3A_71] : memref<1280x256xi32, #tpu.memory_space<hbm>> -> memref<8x256xi32, #tpu.memory_space<hbm>>
          tpu.wait_dma2 semaphore(%run_scoped3A : memref<!tpu.dma_semaphore, #tpu.memory_space<semaphore_mem>>) src(%dma_wait3A_72 : memref<8x256xi32, #tpu.memory_space<hbm>>) dst(%arg7 : memref<8x256xi32, #tpu.memory_space<vmem>>)
          tpu.yield
        }) : () -> ()
        %dma_start3A_36 = arith.constant 0 : i32
        %dma_start3A_37 = arith.constant 0 : i32
        %dma_start3A_38 = arith.constant 0 : i32
        %dma_start3A_39 = arith.constant 0 : i32
        %dma_start3A_40 = tpu.memref_slice %arg8[%dma_start3A_37, %dma_start3A_38, %dma_start3A_39] : memref<2x256x64xf32, #tpu.memory_space<vmem>> -> memref<1x256x64xf32, #tpu.memory_space<vmem>>
        %dma_start3A_41 = tpu.memref_squeeze %dma_start3A_40 : memref<1x256x64xf32, #tpu.memory_space<vmem>> -> memref<256x64xf32, #tpu.memory_space<vmem>>
        %dma_start3A_42 = arith.constant 0 : i32
        %dma_start3A_43 = tpu.memref_slice %arg6[%dma_start3A_36, %dma_start3A_42] : memref<8x256xi32, #tpu.memory_space<vmem>> -> memref<1x256xi32, #tpu.memory_space<vmem>>
        %dma_start3A_44 = tpu.memref_squeeze %dma_start3A_43 : memref<1x256xi32, #tpu.memory_space<vmem>> -> memref<256xi32, #tpu.memory_space<vmem>>
        %dma_start3A_45 = arith.constant 0 : i32
        %dma_start3A_46 = arith.constant 0 : i32
        %dma_start3A_47 = tpu.memref_slice %arg9[%dma_start3A_45, %dma_start3A_46] : memref<10240x64xf32, #tpu.memory_space<vmem_shared>> -> memref<10240x64xf32, #tpu.memory_space<vmem_shared>>
        tpu.enqueue_indirect_dma source(%dma_start3A_47 : memref<10240x64xf32, #tpu.memory_space<vmem_shared>>) target(%dma_start3A_41 : memref<256x64xf32, #tpu.memory_space<vmem>>) offsets(%dma_start3A_44 : memref<256xi32, #tpu.memory_space<vmem>>) semaphore(%arg11 : memref<!tpu.dma_semaphore, #tpu.memory_space<semaphore_mem>>)
        %dma_start3A_48 = arith.constant 1 : i32
        %dma_start3A_49 = arith.constant 1 : i32
        %dma_start3A_50 = arith.constant 0 : i32
        %dma_start3A_51 = arith.constant 0 : i32
        %dma_start3A_52 = tpu.memref_slice %arg8[%dma_start3A_49, %dma_start3A_50, %dma_start3A_51] : memref<2x256x64xf32, #tpu.memory_space<vmem>> -> memref<1x256x64xf32, #tpu.memory_space<vmem>>
        %dma_start3A_53 = tpu.memref_squeeze %dma_start3A_52 : memref<1x256x64xf32, #tpu.memory_space<vmem>> -> memref<256x64xf32, #tpu.memory_space<vmem>>
        %dma_start3A_54 = arith.constant 0 : i32
        %dma_start3A_55 = tpu.memref_slice %arg6[%dma_start3A_48, %dma_start3A_54] : memref<8x256xi32, #tpu.memory_space<vmem>> -> memref<1x256xi32, #tpu.memory_space<vmem>>
        %dma_start3A_56 = tpu.memref_squeeze %dma_start3A_55 : memref<1x256xi32, #tpu.memory_space<vmem>> -> memref<256xi32, #tpu.memory_space<vmem>>
        %dma_start3A_57 = arith.constant 0 : i32
        %dma_start3A_58 = arith.constant 0 : i32
        %dma_start3A_59 = tpu.memref_slice %arg9[%dma_start3A_57, %dma_start3A_58] : memref<10240x64xf32, #tpu.memory_space<vmem_shared>> -> memref<10240x64xf32, #tpu.memory_space<vmem_shared>>
        tpu.enqueue_indirect_dma source(%dma_start3A_59 : memref<10240x64xf32, #tpu.memory_space<vmem_shared>>) target(%dma_start3A_53 : memref<256x64xf32, #tpu.memory_space<vmem>>) offsets(%dma_start3A_56 : memref<256xi32, #tpu.memory_space<vmem>>) semaphore(%arg12 : memref<!tpu.dma_semaphore, #tpu.memory_space<semaphore_mem>>)
        %scan3A_60 = arith.constant 0 : i32
        %scan3A_61 = arith.constant 4 : i32
        %scan3A_62 = arith.addi %scan3A_60, %scan3A_61 : i32
        %scan3A_63 = arith.constant 1 : i32
        scf.for %scan3A_65 = %scan3A_60 to %scan3A_62 step %scan3A_63  : i32 {
          %mul3A_66 = arith.constant 1 : i32
          %mul3A_67 = arith.muli %scan3A_65, %mul3A_66 : i32
          %add3A_68 = arith.constant 0 : i32
          %add3A_69 = arith.addi %add3A_68, %mul3A_67 : i32
          %mul3A_70 = arith.constant 2 : i32
          %mul3A_71 = arith.muli %add3A_69, %mul3A_70 : i32
          %dma_wait3A_72 = arith.constant 0 : i32
          %dma_wait3A_73 = arith.constant 0 : i32
          %dma_wait3A_74 = arith.constant 0 : i32
          %dma_wait3A_75 = tpu.memref_slice %arg8[%dma_wait3A_72, %dma_wait3A_73, %dma_wait3A_74] : memref<2x256x64xf32, #tpu.memory_space<vmem>> -> memref<1x256x64xf32, #tpu.memory_space<vmem>>
          %dma_wait3A_76 = tpu.memref_squeeze %dma_wait3A_75 : memref<1x256x64xf32, #tpu.memory_space<vmem>> -> memref<256x64xf32, #tpu.memory_space<vmem>>
          %dma_wait3A_77 = arith.constant 0 : i32
          %dma_wait3A_78 = arith.constant 0 : i32
          %dma_wait3A_79 = tpu.memref_slice %arg2[%dma_wait3A_77, %dma_wait3A_78] : memref<10240x64xf32, #tpu.memory_space<hbm>> -> memref<256x64xf32, #tpu.memory_space<hbm>>
          %dma_wait3A_80 = arith.constant 0 : i32
          %dma_wait3A_81 = arith.constant 0 : i32
          %dma_wait3A_82 = tpu.memref_slice %arg8[%dma_wait3A_72, %dma_wait3A_80, %dma_wait3A_81] : memref<2x256x64xf32, #tpu.memory_space<vmem>> -> memref<1x256x64xf32, #tpu.memory_space<vmem>>
          %dma_wait3A_83 = tpu.memref_squeeze %dma_wait3A_82 : memref<1x256x64xf32, #tpu.memory_space<vmem>> -> memref<256x64xf32, #tpu.memory_space<vmem>>
          %dma_wait3A_84 = arith.constant 0 : i32
          %dma_wait3A_85 = arith.constant 0 : i32
          %dma_wait3A_86 = tpu.memref_slice %arg2[%dma_wait3A_84, %dma_wait3A_85] : memref<10240x64xf32, #tpu.memory_space<hbm>> -> memref<256x64xf32, #tpu.memory_space<hbm>>
          tpu.wait_dma2 semaphore(%arg11 : memref<!tpu.dma_semaphore, #tpu.memory_space<semaphore_mem>>) src(%dma_wait3A_86 : memref<256x64xf32, #tpu.memory_space<hbm>>) dst(%dma_wait3A_83 : memref<256x64xf32, #tpu.memory_space<vmem>>)
          %add3A_87 = arith.constant 0 : i32
          %add3A_88 = arith.addi %mul3A_71, %add3A_87 : i32
          %dma_start3A_89 = arith.constant 0 : i32
          %dma_start3A_90 = arith.constant 0 : i32
          %dma_start3A_91 = arith.constant 0 : i32
          %dma_start3A_92 = tpu.memref_slice %arg8[%dma_start3A_89, %dma_start3A_90, %dma_start3A_91] : memref<2x256x64xf32, #tpu.memory_space<vmem>> -> memref<1x256x64xf32, #tpu.memory_space<vmem>>
          %dma_start3A_93 = tpu.memref_squeeze %dma_start3A_92 : memref<1x256x64xf32, #tpu.memory_space<vmem>> -> memref<256x64xf32, #tpu.memory_space<vmem>>
          %dma_start3A_94 = arith.constant 0 : i32
          %dma_start3A_95 = tpu.memref_slice %arg7[%add3A_88, %dma_start3A_94] : memref<8x256xi32, #tpu.memory_space<vmem>> -> memref<1x256xi32, #tpu.memory_space<vmem>>
          %dma_start3A_96 = tpu.memref_squeeze %dma_start3A_95 : memref<1x256xi32, #tpu.memory_space<vmem>> -> memref<256xi32, #tpu.memory_space<vmem>>
          %dma_start3A_97 = arith.constant 0 : i32
          %dma_start3A_98 = arith.constant 0 : i32
          %dma_start3A_99 = tpu.memref_slice %arg10[%dma_start3A_97, %dma_start3A_98] : memref<10240x64xf32, #tpu.memory_space<vmem_shared>> -> memref<10240x64xf32, #tpu.memory_space<vmem_shared>>
          tpu.enqueue_indirect_dma source(%dma_start3A_93 : memref<256x64xf32, #tpu.memory_space<vmem>>) target(%dma_start3A_99 : memref<10240x64xf32, #tpu.memory_space<vmem_shared>>) offsets(%dma_start3A_96 : memref<256xi32, #tpu.memory_space<vmem>>) semaphore(%arg13 : memref<!tpu.dma_semaphore, #tpu.memory_space<semaphore_mem>>) {add = true}
          %dma_wait3A_100 = arith.constant 1 : i32
          %dma_wait3A_101 = arith.constant 0 : i32
          %dma_wait3A_102 = arith.constant 0 : i32
          %dma_wait3A_103 = tpu.memref_slice %arg8[%dma_wait3A_100, %dma_wait3A_101, %dma_wait3A_102] : memref<2x256x64xf32, #tpu.memory_space<vmem>> -> memref<1x256x64xf32, #tpu.memory_space<vmem>>
          %dma_wait3A_104 = tpu.memref_squeeze %dma_wait3A_103 : memref<1x256x64xf32, #tpu.memory_space<vmem>> -> memref<256x64xf32, #tpu.memory_space<vmem>>
          %dma_wait3A_105 = arith.constant 0 : i32
          %dma_wait3A_106 = arith.constant 0 : i32
          %dma_wait3A_107 = tpu.memref_slice %arg2[%dma_wait3A_105, %dma_wait3A_106] : memref<10240x64xf32, #tpu.memory_space<hbm>> -> memref<256x64xf32, #tpu.memory_space<hbm>>
          %dma_wait3A_108 = arith.constant 0 : i32
          %dma_wait3A_109 = arith.constant 0 : i32
          %dma_wait3A_110 = tpu.memref_slice %arg8[%dma_wait3A_100, %dma_wait3A_108, %dma_wait3A_109] : memref<2x256x64xf32, #tpu.memory_space<vmem>> -> memref<1x256x64xf32, #tpu.memory_space<vmem>>
          %dma_wait3A_111 = tpu.memref_squeeze %dma_wait3A_110 : memref<1x256x64xf32, #tpu.memory_space<vmem>> -> memref<256x64xf32, #tpu.memory_space<vmem>>
          %dma_wait3A_112 = arith.constant 0 : i32
          %dma_wait3A_113 = arith.constant 0 : i32
          %dma_wait3A_114 = tpu.memref_slice %arg2[%dma_wait3A_112, %dma_wait3A_113] : memref<10240x64xf32, #tpu.memory_space<hbm>> -> memref<256x64xf32, #tpu.memory_space<hbm>>
          tpu.wait_dma2 semaphore(%arg12 : memref<!tpu.dma_semaphore, #tpu.memory_space<semaphore_mem>>) src(%dma_wait3A_114 : memref<256x64xf32, #tpu.memory_space<hbm>>) dst(%dma_wait3A_111 : memref<256x64xf32, #tpu.memory_space<vmem>>)
          %add3A_115 = arith.constant 1 : i32
          %add3A_116 = arith.addi %mul3A_71, %add3A_115 : i32
          %dma_start3A_117 = arith.constant 1 : i32
          %dma_start3A_118 = arith.constant 0 : i32
          %dma_start3A_119 = arith.constant 0 : i32
          %dma_start3A_120 = tpu.memref_slice %arg8[%dma_start3A_117, %dma_start3A_118, %dma_start3A_119] : memref<2x256x64xf32, #tpu.memory_space<vmem>> -> memref<1x256x64xf32, #tpu.memory_space<vmem>>
          %dma_start3A_121 = tpu.memref_squeeze %dma_start3A_120 : memref<1x256x64xf32, #tpu.memory_space<vmem>> -> memref<256x64xf32, #tpu.memory_space<vmem>>
          %dma_start3A_122 = arith.constant 0 : i32
          %dma_start3A_123 = tpu.memref_slice %arg7[%add3A_116, %dma_start3A_122] : memref<8x256xi32, #tpu.memory_space<vmem>> -> memref<1x256xi32, #tpu.memory_space<vmem>>
          %dma_start3A_124 = tpu.memref_squeeze %dma_start3A_123 : memref<1x256xi32, #tpu.memory_space<vmem>> -> memref<256xi32, #tpu.memory_space<vmem>>
          %dma_start3A_125 = arith.constant 0 : i32
          %dma_start3A_126 = arith.constant 0 : i32
          %dma_start3A_127 = tpu.memref_slice %arg10[%dma_start3A_125, %dma_start3A_126] : memref<10240x64xf32, #tpu.memory_space<vmem_shared>> -> memref<10240x64xf32, #tpu.memory_space<vmem_shared>>
          tpu.enqueue_indirect_dma source(%dma_start3A_121 : memref<256x64xf32, #tpu.memory_space<vmem>>) target(%dma_start3A_127 : memref<10240x64xf32, #tpu.memory_space<vmem_shared>>) offsets(%dma_start3A_124 : memref<256xi32, #tpu.memory_space<vmem>>) semaphore(%arg14 : memref<!tpu.dma_semaphore, #tpu.memory_space<semaphore_mem>>) {add = true}
          %dma_wait3A_128 = arith.constant 0 : i32
          %dma_wait3A_129 = arith.constant 0 : i32
          %dma_wait3A_130 = arith.constant 0 : i32
          %dma_wait3A_131 = tpu.memref_slice %arg8[%dma_wait3A_128, %dma_wait3A_129, %dma_wait3A_130] : memref<2x256x64xf32, #tpu.memory_space<vmem>> -> memref<1x256x64xf32, #tpu.memory_space<vmem>>
          %dma_wait3A_132 = tpu.memref_squeeze %dma_wait3A_131 : memref<1x256x64xf32, #tpu.memory_space<vmem>> -> memref<256x64xf32, #tpu.memory_space<vmem>>
          %dma_wait3A_133 = arith.constant 0 : i32
          %dma_wait3A_134 = tpu.memref_slice %arg7[%add3A_88, %dma_wait3A_133] : memref<8x256xi32, #tpu.memory_space<vmem>> -> memref<1x256xi32, #tpu.memory_space<vmem>>
          %dma_wait3A_135 = tpu.memref_squeeze %dma_wait3A_134 : memref<1x256xi32, #tpu.memory_space<vmem>> -> memref<256xi32, #tpu.memory_space<vmem>>
          %dma_wait3A_136 = arith.constant 0 : i32
          %dma_wait3A_137 = arith.constant 0 : i32
          %dma_wait3A_138 = tpu.memref_slice %arg10[%dma_wait3A_136, %dma_wait3A_137] : memref<10240x64xf32, #tpu.memory_space<vmem_shared>> -> memref<10240x64xf32, #tpu.memory_space<vmem_shared>>
          tpu.wait_indirect_dma semaphore(%arg13 : memref<!tpu.dma_semaphore, #tpu.memory_space<semaphore_mem>>) src(%dma_wait3A_132 : memref<256x64xf32, #tpu.memory_space<vmem>>) dst(%dma_wait3A_138 : memref<10240x64xf32, #tpu.memory_space<vmem_shared>>)
          %add3A_139 = arith.constant 2 : i32
          %add3A_140 = arith.addi %mul3A_71, %add3A_139 : i32
          %add3A_141 = arith.constant 0 : i32
          %add3A_142 = arith.addi %add3A_140, %add3A_141 : i32
          %lt3A = arith.constant 8 : i32
          %lt3A_143 = arith.cmpi slt, %add3A_142, %lt3A : i32
          %convert_element_type3A_144 = arith.extui %lt3A_143 : i1 to i32
          %cond3A_145 = arith.constant 0 : i32
          %cond3A_146 = arith.cmpi ne, %convert_element_type3A_144, %cond3A_145 : i32
          scf.if %cond3A_146 {
            %add3A_167 = arith.constant 2 : i32
            %add3A_168 = arith.addi %mul3A_71, %add3A_167 : i32
            %add3A_169 = arith.constant 0 : i32
            %add3A_170 = arith.addi %add3A_168, %add3A_169 : i32
            %dma_start3A_171 = arith.constant 0 : i32
            %dma_start3A_172 = arith.constant 0 : i32
            %dma_start3A_173 = arith.constant 0 : i32
            %dma_start3A_174 = tpu.memref_slice %arg8[%dma_start3A_171, %dma_start3A_172, %dma_start3A_173] : memref<2x256x64xf32, #tpu.memory_space<vmem>> -> memref<1x256x64xf32, #tpu.memory_space<vmem>>
            %dma_start3A_175 = tpu.memref_squeeze %dma_start3A_174 : memref<1x256x64xf32, #tpu.memory_space<vmem>> -> memref<256x64xf32, #tpu.memory_space<vmem>>
            %dma_start3A_176 = arith.constant 0 : i32
            %dma_start3A_177 = tpu.memref_slice %arg6[%add3A_170, %dma_start3A_176] : memref<8x256xi32, #tpu.memory_space<vmem>> -> memref<1x256xi32, #tpu.memory_space<vmem>>
            %dma_start3A_178 = tpu.memref_squeeze %dma_start3A_177 : memref<1x256xi32, #tpu.memory_space<vmem>> -> memref<256xi32, #tpu.memory_space<vmem>>
            %dma_start3A_179 = arith.constant 0 : i32
            %dma_start3A_180 = arith.constant 0 : i32
            %dma_start3A_181 = tpu.memref_slice %arg9[%dma_start3A_179, %dma_start3A_180] : memref<10240x64xf32, #tpu.memory_space<vmem_shared>> -> memref<10240x64xf32, #tpu.memory_space<vmem_shared>>
            tpu.enqueue_indirect_dma source(%dma_start3A_181 : memref<10240x64xf32, #tpu.memory_space<vmem_shared>>) target(%dma_start3A_175 : memref<256x64xf32, #tpu.memory_space<vmem>>) offsets(%dma_start3A_178 : memref<256xi32, #tpu.memory_space<vmem>>) semaphore(%arg11 : memref<!tpu.dma_semaphore, #tpu.memory_space<semaphore_mem>>)
          } else {
          }
          %dma_wait3A_147 = arith.constant 1 : i32
          %dma_wait3A_148 = arith.constant 0 : i32
          %dma_wait3A_149 = arith.constant 0 : i32
          %dma_wait3A_150 = tpu.memref_slice %arg8[%dma_wait3A_147, %dma_wait3A_148, %dma_wait3A_149] : memref<2x256x64xf32, #tpu.memory_space<vmem>> -> memref<1x256x64xf32, #tpu.memory_space<vmem>>
          %dma_wait3A_151 = tpu.memref_squeeze %dma_wait3A_150 : memref<1x256x64xf32, #tpu.memory_space<vmem>> -> memref<256x64xf32, #tpu.memory_space<vmem>>
          %dma_wait3A_152 = arith.constant 0 : i32
          %dma_wait3A_153 = tpu.memref_slice %arg7[%add3A_116, %dma_wait3A_152] : memref<8x256xi32, #tpu.memory_space<vmem>> -> memref<1x256xi32, #tpu.memory_space<vmem>>
          %dma_wait3A_154 = tpu.memref_squeeze %dma_wait3A_153 : memref<1x256xi32, #tpu.memory_space<vmem>> -> memref<256xi32, #tpu.memory_space<vmem>>
          %dma_wait3A_155 = arith.constant 0 : i32
          %dma_wait3A_156 = arith.constant 0 : i32
          %dma_wait3A_157 = tpu.memref_slice %arg10[%dma_wait3A_155, %dma_wait3A_156] : memref<10240x64xf32, #tpu.memory_space<vmem_shared>> -> memref<10240x64xf32, #tpu.memory_space<vmem_shared>>
          tpu.wait_indirect_dma semaphore(%arg14 : memref<!tpu.dma_semaphore, #tpu.memory_space<semaphore_mem>>) src(%dma_wait3A_151 : memref<256x64xf32, #tpu.memory_space<vmem>>) dst(%dma_wait3A_157 : memref<10240x64xf32, #tpu.memory_space<vmem_shared>>)
          %add3A_158 = arith.constant 2 : i32
          %add3A_159 = arith.addi %mul3A_71, %add3A_158 : i32
          %add3A_160 = arith.constant 1 : i32
          %add3A_161 = arith.addi %add3A_159, %add3A_160 : i32
          %lt3A_162 = arith.constant 8 : i32
          %lt3A_163 = arith.cmpi slt, %add3A_161, %lt3A_162 : i32
          %convert_element_type3A_164 = arith.extui %lt3A_163 : i1 to i32
          %cond3A_165 = arith.constant 0 : i32
          %cond3A_166 = arith.cmpi ne, %convert_element_type3A_164, %cond3A_165 : i32
          scf.if %cond3A_166 {
            %add3A_167 = arith.constant 2 : i32
            %add3A_168 = arith.addi %mul3A_71, %add3A_167 : i32
            %add3A_169 = arith.constant 1 : i32
            %add3A_170 = arith.addi %add3A_168, %add3A_169 : i32
            %dma_start3A_171 = arith.constant 1 : i32
            %dma_start3A_172 = arith.constant 0 : i32
            %dma_start3A_173 = arith.constant 0 : i32
            %dma_start3A_174 = tpu.memref_slice %arg8[%dma_start3A_171, %dma_start3A_172, %dma_start3A_173] : memref<2x256x64xf32, #tpu.memory_space<vmem>> -> memref<1x256x64xf32, #tpu.memory_space<vmem>>
            %dma_start3A_175 = tpu.memref_squeeze %dma_start3A_174 : memref<1x256x64xf32, #tpu.memory_space<vmem>> -> memref<256x64xf32, #tpu.memory_space<vmem>>
            %dma_start3A_176 = arith.constant 0 : i32
            %dma_start3A_177 = tpu.memref_slice %arg6[%add3A_170, %dma_start3A_176] : memref<8x256xi32, #tpu.memory_space<vmem>> -> memref<1x256xi32, #tpu.memory_space<vmem>>
            %dma_start3A_178 = tpu.memref_squeeze %dma_start3A_177 : memref<1x256xi32, #tpu.memory_space<vmem>> -> memref<256xi32, #tpu.memory_space<vmem>>
            %dma_start3A_179 = arith.constant 0 : i32
            %dma_start3A_180 = arith.constant 0 : i32
            %dma_start3A_181 = tpu.memref_slice %arg9[%dma_start3A_179, %dma_start3A_180] : memref<10240x64xf32, #tpu.memory_space<vmem_shared>> -> memref<10240x64xf32, #tpu.memory_space<vmem_shared>>
            tpu.enqueue_indirect_dma source(%dma_start3A_181 : memref<10240x64xf32, #tpu.memory_space<vmem_shared>>) target(%dma_start3A_175 : memref<256x64xf32, #tpu.memory_space<vmem>>) offsets(%dma_start3A_178 : memref<256xi32, #tpu.memory_space<vmem>>) semaphore(%arg12 : memref<!tpu.dma_semaphore, #tpu.memory_space<semaphore_mem>>)
          } else {
          }
        }
        %scan3A_64 = arith.constant 4 : i32
      }
      %scan3A_28 = arith.constant 5 : i32
    } else {
    }
    %eq3A_17 = arith.constant 1 : i32
    %eq3A_18 = arith.cmpi eq, %arg0, %eq3A_17 : i32
    %convert_element_type3A_19 = arith.extui %eq3A_18 : i1 to i32
    %cond3A_20 = arith.constant 0 : i32
    %cond3A_21 = arith.cmpi ne, %convert_element_type3A_19, %cond3A_20 : i32
    scf.if %cond3A_21 {
      %mul3A_23 = arith.constant 40 : i32
      %mul3A_24 = arith.muli %arg1, %mul3A_23 : i32
      %add3A = arith.constant 640 : i32
      %add3A_25 = arith.addi %add3A, %mul3A_24 : i32
      %scan3A = arith.constant 0 : i32
      %scan3A_26 = arith.constant 5 : i32
      %scan3A_27 = arith.addi %scan3A, %scan3A_26 : i32
      %scan3A_28 = arith.constant 1 : i32
      scf.for %scan3A_30 = %scan3A to %scan3A_27 step %scan3A_28  : i32 {
        %mul3A_31 = arith.constant 1 : i32
        %mul3A_32 = arith.muli %scan3A_30, %mul3A_31 : i32
        %add3A_33 = arith.constant 0 : i32
        %add3A_34 = arith.addi %add3A_33, %mul3A_32 : i32
        %mul3A_35 = arith.constant 8 : i32
        %mul3A_36 = arith.muli %add3A_34, %mul3A_35 : i32
        %add3A_37 = arith.addi %add3A_25, %mul3A_36 : i32
        "tpu.region"() ({
          %run_scoped3A = tpu.sem_alloc : memref<!tpu.dma_semaphore, #tpu.memory_space<semaphore_mem>>
          %dma_start3A_67 = arith.constant 0 : i32
          %dma_start3A_68 = tpu.memref_slice %arg3[%add3A_37, %dma_start3A_67] : memref<1280x256xi32, #tpu.memory_space<hbm>> -> memref<8x256xi32, #tpu.memory_space<hbm>>
          %dma_start3A_69 = arith.constant 0 : i32
          %dma_start3A_70 = tpu.memref_slice %arg3[%add3A_37, %dma_start3A_69] : memref<1280x256xi32, #tpu.memory_space<hbm>> -> memref<8x256xi32, #tpu.memory_space<hbm>>
          tpu.enqueue_dma source(%dma_start3A_70 : memref<8x256xi32, #tpu.memory_space<hbm>>) target(%arg6 : memref<8x256xi32, #tpu.memory_space<vmem>>) target_semaphore(%run_scoped3A : memref<!tpu.dma_semaphore, #tpu.memory_space<semaphore_mem>>)
          %dma_wait3A_71 = arith.constant 0 : i32
          %dma_wait3A_72 = tpu.memref_slice %arg3[%add3A_37, %dma_wait3A_71] : memref<1280x256xi32, #tpu.memory_space<hbm>> -> memref<8x256xi32, #tpu.memory_space<hbm>>
          %dma_wait3A_73 = arith.constant 0 : i32
          %dma_wait3A_74 = tpu.memref_slice %arg3[%add3A_37, %dma_wait3A_73] : memref<1280x256xi32, #tpu.memory_space<hbm>> -> memref<8x256xi32, #tpu.memory_space<hbm>>
          tpu.wait_dma2 semaphore(%run_scoped3A : memref<!tpu.dma_semaphore, #tpu.memory_space<semaphore_mem>>) src(%dma_wait3A_74 : memref<8x256xi32, #tpu.memory_space<hbm>>) dst(%arg6 : memref<8x256xi32, #tpu.memory_space<vmem>>)
          tpu.yield
        }) : () -> ()
        "tpu.region"() ({
          %run_scoped3A = tpu.sem_alloc : memref<!tpu.dma_semaphore, #tpu.memory_space<semaphore_mem>>
          %dma_start3A_67 = arith.constant 0 : i32
          %dma_start3A_68 = tpu.memref_slice %arg4[%add3A_37, %dma_start3A_67] : memref<1280x256xi32, #tpu.memory_space<hbm>> -> memref<8x256xi32, #tpu.memory_space<hbm>>
          %dma_start3A_69 = arith.constant 0 : i32
          %dma_start3A_70 = tpu.memref_slice %arg4[%add3A_37, %dma_start3A_69] : memref<1280x256xi32, #tpu.memory_space<hbm>> -> memref<8x256xi32, #tpu.memory_space<hbm>>
          tpu.enqueue_dma source(%dma_start3A_70 : memref<8x256xi32, #tpu.memory_space<hbm>>) target(%arg7 : memref<8x256xi32, #tpu.memory_space<vmem>>) target_semaphore(%run_scoped3A : memref<!tpu.dma_semaphore, #tpu.memory_space<semaphore_mem>>)
          %dma_wait3A_71 = arith.constant 0 : i32
          %dma_wait3A_72 = tpu.memref_slice %arg4[%add3A_37, %dma_wait3A_71] : memref<1280x256xi32, #tpu.memory_space<hbm>> -> memref<8x256xi32, #tpu.memory_space<hbm>>
          %dma_wait3A_73 = arith.constant 0 : i32
          %dma_wait3A_74 = tpu.memref_slice %arg4[%add3A_37, %dma_wait3A_73] : memref<1280x256xi32, #tpu.memory_space<hbm>> -> memref<8x256xi32, #tpu.memory_space<hbm>>
          tpu.wait_dma2 semaphore(%run_scoped3A : memref<!tpu.dma_semaphore, #tpu.memory_space<semaphore_mem>>) src(%dma_wait3A_74 : memref<8x256xi32, #tpu.memory_space<hbm>>) dst(%arg7 : memref<8x256xi32, #tpu.memory_space<vmem>>)
          tpu.yield
        }) : () -> ()
        %dma_start3A_38 = arith.constant 0 : i32
        %dma_start3A_39 = arith.constant 0 : i32
        %dma_start3A_40 = arith.constant 0 : i32
        %dma_start3A_41 = arith.constant 0 : i32
        %dma_start3A_42 = tpu.memref_slice %arg8[%dma_start3A_39, %dma_start3A_40, %dma_start3A_41] : memref<2x256x64xf32, #tpu.memory_space<vmem>> -> memref<1x256x64xf32, #tpu.memory_space<vmem>>
        %dma_start3A_43 = tpu.memref_squeeze %dma_start3A_42 : memref<1x256x64xf32, #tpu.memory_space<vmem>> -> memref<256x64xf32, #tpu.memory_space<vmem>>
        %dma_start3A_44 = arith.constant 0 : i32
        %dma_start3A_45 = tpu.memref_slice %arg6[%dma_start3A_38, %dma_start3A_44] : memref<8x256xi32, #tpu.memory_space<vmem>> -> memref<1x256xi32, #tpu.memory_space<vmem>>
        %dma_start3A_46 = tpu.memref_squeeze %dma_start3A_45 : memref<1x256xi32, #tpu.memory_space<vmem>> -> memref<256xi32, #tpu.memory_space<vmem>>
        %dma_start3A_47 = arith.constant 0 : i32
        %dma_start3A_48 = arith.constant 0 : i32
        %dma_start3A_49 = tpu.memref_slice %arg9[%dma_start3A_47, %dma_start3A_48] : memref<10240x64xf32, #tpu.memory_space<vmem_shared>> -> memref<10240x64xf32, #tpu.memory_space<vmem_shared>>
        tpu.enqueue_indirect_dma source(%dma_start3A_49 : memref<10240x64xf32, #tpu.memory_space<vmem_shared>>) target(%dma_start3A_43 : memref<256x64xf32, #tpu.memory_space<vmem>>) offsets(%dma_start3A_46 : memref<256xi32, #tpu.memory_space<vmem>>) semaphore(%arg11 : memref<!tpu.dma_semaphore, #tpu.memory_space<semaphore_mem>>)
        %dma_start3A_50 = arith.constant 1 : i32
        %dma_start3A_51 = arith.constant 1 : i32
        %dma_start3A_52 = arith.constant 0 : i32
        %dma_start3A_53 = arith.constant 0 : i32
        %dma_start3A_54 = tpu.memref_slice %arg8[%dma_start3A_51, %dma_start3A_52, %dma_start3A_53] : memref<2x256x64xf32, #tpu.memory_space<vmem>> -> memref<1x256x64xf32, #tpu.memory_space<vmem>>
        %dma_start3A_55 = tpu.memref_squeeze %dma_start3A_54 : memref<1x256x64xf32, #tpu.memory_space<vmem>> -> memref<256x64xf32, #tpu.memory_space<vmem>>
        %dma_start3A_56 = arith.constant 0 : i32
        %dma_start3A_57 = tpu.memref_slice %arg6[%dma_start3A_50, %dma_start3A_56] : memref<8x256xi32, #tpu.memory_space<vmem>> -> memref<1x256xi32, #tpu.memory_space<vmem>>
        %dma_start3A_58 = tpu.memref_squeeze %dma_start3A_57 : memref<1x256xi32, #tpu.memory_space<vmem>> -> memref<256xi32, #tpu.memory_space<vmem>>
        %dma_start3A_59 = arith.constant 0 : i32
        %dma_start3A_60 = arith.constant 0 : i32
        %dma_start3A_61 = tpu.memref_slice %arg9[%dma_start3A_59, %dma_start3A_60] : memref<10240x64xf32, #tpu.memory_space<vmem_shared>> -> memref<10240x64xf32, #tpu.memory_space<vmem_shared>>
        tpu.enqueue_indirect_dma source(%dma_start3A_61 : memref<10240x64xf32, #tpu.memory_space<vmem_shared>>) target(%dma_start3A_55 : memref<256x64xf32, #tpu.memory_space<vmem>>) offsets(%dma_start3A_58 : memref<256xi32, #tpu.memory_space<vmem>>) semaphore(%arg12 : memref<!tpu.dma_semaphore, #tpu.memory_space<semaphore_mem>>)
        %scan3A_62 = arith.constant 0 : i32
        %scan3A_63 = arith.constant 4 : i32
        %scan3A_64 = arith.addi %scan3A_62, %scan3A_63 : i32
        %scan3A_65 = arith.constant 1 : i32
        scf.for %scan3A_67 = %scan3A_62 to %scan3A_64 step %scan3A_65  : i32 {
          %mul3A_68 = arith.constant 1 : i32
          %mul3A_69 = arith.muli %scan3A_67, %mul3A_68 : i32
          %add3A_70 = arith.constant 0 : i32
          %add3A_71 = arith.addi %add3A_70, %mul3A_69 : i32
          %mul3A_72 = arith.constant 2 : i32
          %mul3A_73 = arith.muli %add3A_71, %mul3A_72 : i32
          %dma_wait3A_74 = arith.constant 0 : i32
          %dma_wait3A_75 = arith.constant 0 : i32
          %dma_wait3A_76 = arith.constant 0 : i32
          %dma_wait3A_77 = tpu.memref_slice %arg8[%dma_wait3A_74, %dma_wait3A_75, %dma_wait3A_76] : memref<2x256x64xf32, #tpu.memory_space<vmem>> -> memref<1x256x64xf32, #tpu.memory_space<vmem>>
          %dma_wait3A_78 = tpu.memref_squeeze %dma_wait3A_77 : memref<1x256x64xf32, #tpu.memory_space<vmem>> -> memref<256x64xf32, #tpu.memory_space<vmem>>
          %dma_wait3A_79 = arith.constant 0 : i32
          %dma_wait3A_80 = arith.constant 0 : i32
          %dma_wait3A_81 = tpu.memref_slice %arg2[%dma_wait3A_79, %dma_wait3A_80] : memref<10240x64xf32, #tpu.memory_space<hbm>> -> memref<256x64xf32, #tpu.memory_space<hbm>>
          %dma_wait3A_82 = arith.constant 0 : i32
          %dma_wait3A_83 = arith.constant 0 : i32
          %dma_wait3A_84 = tpu.memref_slice %arg8[%dma_wait3A_74, %dma_wait3A_82, %dma_wait3A_83] : memref<2x256x64xf32, #tpu.memory_space<vmem>> -> memref<1x256x64xf32, #tpu.memory_space<vmem>>
          %dma_wait3A_85 = tpu.memref_squeeze %dma_wait3A_84 : memref<1x256x64xf32, #tpu.memory_space<vmem>> -> memref<256x64xf32, #tpu.memory_space<vmem>>
          %dma_wait3A_86 = arith.constant 0 : i32
          %dma_wait3A_87 = arith.constant 0 : i32
          %dma_wait3A_88 = tpu.memref_slice %arg2[%dma_wait3A_86, %dma_wait3A_87] : memref<10240x64xf32, #tpu.memory_space<hbm>> -> memref<256x64xf32, #tpu.memory_space<hbm>>
          tpu.wait_dma2 semaphore(%arg11 : memref<!tpu.dma_semaphore, #tpu.memory_space<semaphore_mem>>) src(%dma_wait3A_88 : memref<256x64xf32, #tpu.memory_space<hbm>>) dst(%dma_wait3A_85 : memref<256x64xf32, #tpu.memory_space<vmem>>)
          %add3A_89 = arith.constant 0 : i32
          %add3A_90 = arith.addi %mul3A_73, %add3A_89 : i32
          %dma_start3A_91 = arith.constant 0 : i32
          %dma_start3A_92 = arith.constant 0 : i32
          %dma_start3A_93 = arith.constant 0 : i32
          %dma_start3A_94 = tpu.memref_slice %arg8[%dma_start3A_91, %dma_start3A_92, %dma_start3A_93] : memref<2x256x64xf32, #tpu.memory_space<vmem>> -> memref<1x256x64xf32, #tpu.memory_space<vmem>>
          %dma_start3A_95 = tpu.memref_squeeze %dma_start3A_94 : memref<1x256x64xf32, #tpu.memory_space<vmem>> -> memref<256x64xf32, #tpu.memory_space<vmem>>
          %dma_start3A_96 = arith.constant 0 : i32
          %dma_start3A_97 = tpu.memref_slice %arg7[%add3A_90, %dma_start3A_96] : memref<8x256xi32, #tpu.memory_space<vmem>> -> memref<1x256xi32, #tpu.memory_space<vmem>>
          %dma_start3A_98 = tpu.memref_squeeze %dma_start3A_97 : memref<1x256xi32, #tpu.memory_space<vmem>> -> memref<256xi32, #tpu.memory_space<vmem>>
          %dma_start3A_99 = arith.constant 0 : i32
          %dma_start3A_100 = arith.constant 0 : i32
          %dma_start3A_101 = tpu.memref_slice %arg10[%dma_start3A_99, %dma_start3A_100] : memref<10240x64xf32, #tpu.memory_space<vmem_shared>> -> memref<10240x64xf32, #tpu.memory_space<vmem_shared>>
          tpu.enqueue_indirect_dma source(%dma_start3A_95 : memref<256x64xf32, #tpu.memory_space<vmem>>) target(%dma_start3A_101 : memref<10240x64xf32, #tpu.memory_space<vmem_shared>>) offsets(%dma_start3A_98 : memref<256xi32, #tpu.memory_space<vmem>>) semaphore(%arg13 : memref<!tpu.dma_semaphore, #tpu.memory_space<semaphore_mem>>) {add = true}
          %dma_wait3A_102 = arith.constant 1 : i32
          %dma_wait3A_103 = arith.constant 0 : i32
          %dma_wait3A_104 = arith.constant 0 : i32
          %dma_wait3A_105 = tpu.memref_slice %arg8[%dma_wait3A_102, %dma_wait3A_103, %dma_wait3A_104] : memref<2x256x64xf32, #tpu.memory_space<vmem>> -> memref<1x256x64xf32, #tpu.memory_space<vmem>>
          %dma_wait3A_106 = tpu.memref_squeeze %dma_wait3A_105 : memref<1x256x64xf32, #tpu.memory_space<vmem>> -> memref<256x64xf32, #tpu.memory_space<vmem>>
          %dma_wait3A_107 = arith.constant 0 : i32
          %dma_wait3A_108 = arith.constant 0 : i32
          %dma_wait3A_109 = tpu.memref_slice %arg2[%dma_wait3A_107, %dma_wait3A_108] : memref<10240x64xf32, #tpu.memory_space<hbm>> -> memref<256x64xf32, #tpu.memory_space<hbm>>
          %dma_wait3A_110 = arith.constant 0 : i32
          %dma_wait3A_111 = arith.constant 0 : i32
          %dma_wait3A_112 = tpu.memref_slice %arg8[%dma_wait3A_102, %dma_wait3A_110, %dma_wait3A_111] : memref<2x256x64xf32, #tpu.memory_space<vmem>> -> memref<1x256x64xf32, #tpu.memory_space<vmem>>
          %dma_wait3A_113 = tpu.memref_squeeze %dma_wait3A_112 : memref<1x256x64xf32, #tpu.memory_space<vmem>> -> memref<256x64xf32, #tpu.memory_space<vmem>>
          %dma_wait3A_114 = arith.constant 0 : i32
          %dma_wait3A_115 = arith.constant 0 : i32
          %dma_wait3A_116 = tpu.memref_slice %arg2[%dma_wait3A_114, %dma_wait3A_115] : memref<10240x64xf32, #tpu.memory_space<hbm>> -> memref<256x64xf32, #tpu.memory_space<hbm>>
          tpu.wait_dma2 semaphore(%arg12 : memref<!tpu.dma_semaphore, #tpu.memory_space<semaphore_mem>>) src(%dma_wait3A_116 : memref<256x64xf32, #tpu.memory_space<hbm>>) dst(%dma_wait3A_113 : memref<256x64xf32, #tpu.memory_space<vmem>>)
          %add3A_117 = arith.constant 1 : i32
          %add3A_118 = arith.addi %mul3A_73, %add3A_117 : i32
          %dma_start3A_119 = arith.constant 1 : i32
          %dma_start3A_120 = arith.constant 0 : i32
          %dma_start3A_121 = arith.constant 0 : i32
          %dma_start3A_122 = tpu.memref_slice %arg8[%dma_start3A_119, %dma_start3A_120, %dma_start3A_121] : memref<2x256x64xf32, #tpu.memory_space<vmem>> -> memref<1x256x64xf32, #tpu.memory_space<vmem>>
          %dma_start3A_123 = tpu.memref_squeeze %dma_start3A_122 : memref<1x256x64xf32, #tpu.memory_space<vmem>> -> memref<256x64xf32, #tpu.memory_space<vmem>>
          %dma_start3A_124 = arith.constant 0 : i32
          %dma_start3A_125 = tpu.memref_slice %arg7[%add3A_118, %dma_start3A_124] : memref<8x256xi32, #tpu.memory_space<vmem>> -> memref<1x256xi32, #tpu.memory_space<vmem>>
          %dma_start3A_126 = tpu.memref_squeeze %dma_start3A_125 : memref<1x256xi32, #tpu.memory_space<vmem>> -> memref<256xi32, #tpu.memory_space<vmem>>
          %dma_start3A_127 = arith.constant 0 : i32
          %dma_start3A_128 = arith.constant 0 : i32
          %dma_start3A_129 = tpu.memref_slice %arg10[%dma_start3A_127, %dma_start3A_128] : memref<10240x64xf32, #tpu.memory_space<vmem_shared>> -> memref<10240x64xf32, #tpu.memory_space<vmem_shared>>
          tpu.enqueue_indirect_dma source(%dma_start3A_123 : memref<256x64xf32, #tpu.memory_space<vmem>>) target(%dma_start3A_129 : memref<10240x64xf32, #tpu.memory_space<vmem_shared>>) offsets(%dma_start3A_126 : memref<256xi32, #tpu.memory_space<vmem>>) semaphore(%arg14 : memref<!tpu.dma_semaphore, #tpu.memory_space<semaphore_mem>>) {add = true}
          %dma_wait3A_130 = arith.constant 0 : i32
          %dma_wait3A_131 = arith.constant 0 : i32
          %dma_wait3A_132 = arith.constant 0 : i32
          %dma_wait3A_133 = tpu.memref_slice %arg8[%dma_wait3A_130, %dma_wait3A_131, %dma_wait3A_132] : memref<2x256x64xf32, #tpu.memory_space<vmem>> -> memref<1x256x64xf32, #tpu.memory_space<vmem>>
          %dma_wait3A_134 = tpu.memref_squeeze %dma_wait3A_133 : memref<1x256x64xf32, #tpu.memory_space<vmem>> -> memref<256x64xf32, #tpu.memory_space<vmem>>
          %dma_wait3A_135 = arith.constant 0 : i32
          %dma_wait3A_136 = tpu.memref_slice %arg7[%add3A_90, %dma_wait3A_135] : memref<8x256xi32, #tpu.memory_space<vmem>> -> memref<1x256xi32, #tpu.memory_space<vmem>>
          %dma_wait3A_137 = tpu.memref_squeeze %dma_wait3A_136 : memref<1x256xi32, #tpu.memory_space<vmem>> -> memref<256xi32, #tpu.memory_space<vmem>>
          %dma_wait3A_138 = arith.constant 0 : i32
          %dma_wait3A_139 = arith.constant 0 : i32
          %dma_wait3A_140 = tpu.memref_slice %arg10[%dma_wait3A_138, %dma_wait3A_139] : memref<10240x64xf32, #tpu.memory_space<vmem_shared>> -> memref<10240x64xf32, #tpu.memory_space<vmem_shared>>
          tpu.wait_indirect_dma semaphore(%arg13 : memref<!tpu.dma_semaphore, #tpu.memory_space<semaphore_mem>>) src(%dma_wait3A_134 : memref<256x64xf32, #tpu.memory_space<vmem>>) dst(%dma_wait3A_140 : memref<10240x64xf32, #tpu.memory_space<vmem_shared>>)
          %add3A_141 = arith.constant 2 : i32
          %add3A_142 = arith.addi %mul3A_73, %add3A_141 : i32
          %add3A_143 = arith.constant 0 : i32
          %add3A_144 = arith.addi %add3A_142, %add3A_143 : i32
          %lt3A = arith.constant 8 : i32
          %lt3A_145 = arith.cmpi slt, %add3A_144, %lt3A : i32
          %convert_element_type3A_146 = arith.extui %lt3A_145 : i1 to i32
          %cond3A_147 = arith.constant 0 : i32
          %cond3A_148 = arith.cmpi ne, %convert_element_type3A_146, %cond3A_147 : i32
          scf.if %cond3A_148 {
            %add3A_169 = arith.constant 2 : i32
            %add3A_170 = arith.addi %mul3A_73, %add3A_169 : i32
            %add3A_171 = arith.constant 0 : i32
            %add3A_172 = arith.addi %add3A_170, %add3A_171 : i32
            %dma_start3A_173 = arith.constant 0 : i32
            %dma_start3A_174 = arith.constant 0 : i32
            %dma_start3A_175 = arith.constant 0 : i32
            %dma_start3A_176 = tpu.memref_slice %arg8[%dma_start3A_173, %dma_start3A_174, %dma_start3A_175] : memref<2x256x64xf32, #tpu.memory_space<vmem>> -> memref<1x256x64xf32, #tpu.memory_space<vmem>>
            %dma_start3A_177 = tpu.memref_squeeze %dma_start3A_176 : memref<1x256x64xf32, #tpu.memory_space<vmem>> -> memref<256x64xf32, #tpu.memory_space<vmem>>
            %dma_start3A_178 = arith.constant 0 : i32
            %dma_start3A_179 = tpu.memref_slice %arg6[%add3A_172, %dma_start3A_178] : memref<8x256xi32, #tpu.memory_space<vmem>> -> memref<1x256xi32, #tpu.memory_space<vmem>>
            %dma_start3A_180 = tpu.memref_squeeze %dma_start3A_179 : memref<1x256xi32, #tpu.memory_space<vmem>> -> memref<256xi32, #tpu.memory_space<vmem>>
            %dma_start3A_181 = arith.constant 0 : i32
            %dma_start3A_182 = arith.constant 0 : i32
            %dma_start3A_183 = tpu.memref_slice %arg9[%dma_start3A_181, %dma_start3A_182] : memref<10240x64xf32, #tpu.memory_space<vmem_shared>> -> memref<10240x64xf32, #tpu.memory_space<vmem_shared>>
            tpu.enqueue_indirect_dma source(%dma_start3A_183 : memref<10240x64xf32, #tpu.memory_space<vmem_shared>>) target(%dma_start3A_177 : memref<256x64xf32, #tpu.memory_space<vmem>>) offsets(%dma_start3A_180 : memref<256xi32, #tpu.memory_space<vmem>>) semaphore(%arg11 : memref<!tpu.dma_semaphore, #tpu.memory_space<semaphore_mem>>)
          } else {
          }
          %dma_wait3A_149 = arith.constant 1 : i32
          %dma_wait3A_150 = arith.constant 0 : i32
          %dma_wait3A_151 = arith.constant 0 : i32
          %dma_wait3A_152 = tpu.memref_slice %arg8[%dma_wait3A_149, %dma_wait3A_150, %dma_wait3A_151] : memref<2x256x64xf32, #tpu.memory_space<vmem>> -> memref<1x256x64xf32, #tpu.memory_space<vmem>>
          %dma_wait3A_153 = tpu.memref_squeeze %dma_wait3A_152 : memref<1x256x64xf32, #tpu.memory_space<vmem>> -> memref<256x64xf32, #tpu.memory_space<vmem>>
          %dma_wait3A_154 = arith.constant 0 : i32
          %dma_wait3A_155 = tpu.memref_slice %arg7[%add3A_118, %dma_wait3A_154] : memref<8x256xi32, #tpu.memory_space<vmem>> -> memref<1x256xi32, #tpu.memory_space<vmem>>
          %dma_wait3A_156 = tpu.memref_squeeze %dma_wait3A_155 : memref<1x256xi32, #tpu.memory_space<vmem>> -> memref<256xi32, #tpu.memory_space<vmem>>
          %dma_wait3A_157 = arith.constant 0 : i32
          %dma_wait3A_158 = arith.constant 0 : i32
          %dma_wait3A_159 = tpu.memref_slice %arg10[%dma_wait3A_157, %dma_wait3A_158] : memref<10240x64xf32, #tpu.memory_space<vmem_shared>> -> memref<10240x64xf32, #tpu.memory_space<vmem_shared>>
          tpu.wait_indirect_dma semaphore(%arg14 : memref<!tpu.dma_semaphore, #tpu.memory_space<semaphore_mem>>) src(%dma_wait3A_153 : memref<256x64xf32, #tpu.memory_space<vmem>>) dst(%dma_wait3A_159 : memref<10240x64xf32, #tpu.memory_space<vmem_shared>>)
          %add3A_160 = arith.constant 2 : i32
          %add3A_161 = arith.addi %mul3A_73, %add3A_160 : i32
          %add3A_162 = arith.constant 1 : i32
          %add3A_163 = arith.addi %add3A_161, %add3A_162 : i32
          %lt3A_164 = arith.constant 8 : i32
          %lt3A_165 = arith.cmpi slt, %add3A_163, %lt3A_164 : i32
          %convert_element_type3A_166 = arith.extui %lt3A_165 : i1 to i32
          %cond3A_167 = arith.constant 0 : i32
          %cond3A_168 = arith.cmpi ne, %convert_element_type3A_166, %cond3A_167 : i32
          scf.if %cond3A_168 {
            %add3A_169 = arith.constant 2 : i32
            %add3A_170 = arith.addi %mul3A_73, %add3A_169 : i32
            %add3A_171 = arith.constant 1 : i32
            %add3A_172 = arith.addi %add3A_170, %add3A_171 : i32
            %dma_start3A_173 = arith.constant 1 : i32
            %dma_start3A_174 = arith.constant 0 : i32
            %dma_start3A_175 = arith.constant 0 : i32
            %dma_start3A_176 = tpu.memref_slice %arg8[%dma_start3A_173, %dma_start3A_174, %dma_start3A_175] : memref<2x256x64xf32, #tpu.memory_space<vmem>> -> memref<1x256x64xf32, #tpu.memory_space<vmem>>
            %dma_start3A_177 = tpu.memref_squeeze %dma_start3A_176 : memref<1x256x64xf32, #tpu.memory_space<vmem>> -> memref<256x64xf32, #tpu.memory_space<vmem>>
            %dma_start3A_178 = arith.constant 0 : i32
            %dma_start3A_179 = tpu.memref_slice %arg6[%add3A_172, %dma_start3A_178] : memref<8x256xi32, #tpu.memory_space<vmem>> -> memref<1x256xi32, #tpu.memory_space<vmem>>
            %dma_start3A_180 = tpu.memref_squeeze %dma_start3A_179 : memref<1x256xi32, #tpu.memory_space<vmem>> -> memref<256xi32, #tpu.memory_space<vmem>>
            %dma_start3A_181 = arith.constant 0 : i32
            %dma_start3A_182 = arith.constant 0 : i32
            %dma_start3A_183 = tpu.memref_slice %arg9[%dma_start3A_181, %dma_start3A_182] : memref<10240x64xf32, #tpu.memory_space<vmem_shared>> -> memref<10240x64xf32, #tpu.memory_space<vmem_shared>>
            tpu.enqueue_indirect_dma source(%dma_start3A_183 : memref<10240x64xf32, #tpu.memory_space<vmem_shared>>) target(%dma_start3A_177 : memref<256x64xf32, #tpu.memory_space<vmem>>) offsets(%dma_start3A_180 : memref<256xi32, #tpu.memory_space<vmem>>) semaphore(%arg12 : memref<!tpu.dma_semaphore, #tpu.memory_space<semaphore_mem>>)
          } else {
          }
        }
        %scan3A_66 = arith.constant 4 : i32
      }
      %scan3A_29 = arith.constant 5 : i32
    } else {
    }
    %barrier3A_22 = arith.constant 0 : index
    tpu.barrier barrier_id(%barrier3A_22)
    "tpu.region"() ({
      %run_scoped3A = tpu.sem_alloc : memref<!tpu.dma_semaphore, #tpu.memory_space<semaphore_mem>>
      %dma_start3A_23 = arith.constant 0 : i32
      %dma_start3A_24 = tpu.memref_slice %arg5[%arg0, %mul3A_0, %dma_start3A_23] : memref<2x10240x64xf32, #tpu.memory_space<hbm>> -> memref<1x640x64xf32, #tpu.memory_space<hbm>>
      %dma_start3A_25 = tpu.memref_squeeze %dma_start3A_24 : memref<1x640x64xf32, #tpu.memory_space<hbm>> -> memref<640x64xf32, #tpu.memory_space<hbm>>
      %dma_start3A_26 = arith.constant 0 : i32
      %dma_start3A_27 = tpu.memref_slice %arg10[%mul3A_0, %dma_start3A_26] : memref<10240x64xf32, #tpu.memory_space<vmem_shared>> -> memref<640x64xf32, #tpu.memory_space<vmem_shared>>
      tpu.enqueue_dma source(%dma_start3A_27 : memref<640x64xf32, #tpu.memory_space<vmem_shared>>) target(%dma_start3A_25 : memref<640x64xf32, #tpu.memory_space<hbm>>) target_semaphore(%run_scoped3A : memref<!tpu.dma_semaphore, #tpu.memory_space<semaphore_mem>>)
      %dma_wait3A_28 = arith.constant 0 : i32
      %dma_wait3A_29 = tpu.memref_slice %arg5[%arg0, %mul3A_0, %dma_wait3A_28] : memref<2x10240x64xf32, #tpu.memory_space<hbm>> -> memref<1x640x64xf32, #tpu.memory_space<hbm>>
      %dma_wait3A_30 = tpu.memref_squeeze %dma_wait3A_29 : memref<1x640x64xf32, #tpu.memory_space<hbm>> -> memref<640x64xf32, #tpu.memory_space<hbm>>
      %dma_wait3A_31 = arith.constant 0 : i32
      %dma_wait3A_32 = tpu.memref_slice %arg10[%mul3A_0, %dma_wait3A_31] : memref<10240x64xf32, #tpu.memory_space<vmem_shared>> -> memref<640x64xf32, #tpu.memory_space<vmem_shared>>
      tpu.wait_dma2 semaphore(%run_scoped3A : memref<!tpu.dma_semaphore, #tpu.memory_space<semaphore_mem>>) src(%dma_wait3A_32 : memref<640x64xf32, #tpu.memory_space<vmem_shared>>) dst(%dma_wait3A_30 : memref<640x64xf32, #tpu.memory_space<hbm>>)
      tpu.yield
    }) : () -> ()
    return
  }
}

#map = affine_map<(d0, d1) -> (0, 0)>
module attributes {stable_mosaic.version = 14 : i64} {
  func.func @_deg_body(%arg0: i32, %arg1: i32, %arg2: memref<1280x256xi32, #tpu.memory_space<hbm>>, %arg3: memref<2x10240xf32, #tpu.memory_space<hbm>>, %arg4: memref<40x256xi32, #tpu.memory_space<vmem>>, %arg5: memref<256xf32, #tpu.memory_space<vmem>>, %arg6: memref<640xf32, #tpu.memory_space<vmem>>, %arg7: memref<10240xf32, #tpu.memory_space<vmem_shared>>, %arg8: memref<!tpu.dma_semaphore, #tpu.memory_space<semaphore_mem>>, %arg9: memref<!tpu.dma_semaphore, #tpu.memory_space<semaphore_mem>>) attributes {dimension_semantics = [#tpu.dimension_semantics<core_parallel>, #tpu.dimension_semantics<subcore_parallel>], iteration_bounds = array<i64: 2, 16>, scalar_prefetch = 0 : i64, scratch_operands = 6 : i64, tpu.core_type = #tpu.core_type<sc_vector_subcore>, window_params = [{transform_indices = #map}, {transform_indices = #map}]} {
    %mul3A = arith.constant 16 : i32
    %mul3A_0 = arith.muli %arg0, %mul3A : i32
    %add3A = arith.addi %mul3A_0, %arg1 : i32
    %broadcast_in_dim3A = arith.constant 1.000000e+00 : f32
    %broadcast_in_dim3A_1 = vector.broadcast %broadcast_in_dim3A : f32 to vector<16xf32>
    %swap3A = arith.constant 0 : index
    %swap3A_2 = tpu.vector_load %arg5[%swap3A] {strides = array<i32>} : memref<256xf32, #tpu.memory_space<vmem>>, vector<16xf32>,
    %swap3A_3 = vector.shape_cast %swap3A_2 : vector<16xf32> to vector<16xf32>
    %swap3A_4 = vector.shape_cast %broadcast_in_dim3A_1 : vector<16xf32> to vector<16xf32>
    tpu.vector_store %arg5[%swap3A], %swap3A_4 {strides = array<i32>} : memref<256xf32, #tpu.memory_space<vmem>>, vector<16xf32>,
    %broadcast_in_dim3A_5 = arith.constant 1.000000e+00 : f32
    %broadcast_in_dim3A_6 = vector.broadcast %broadcast_in_dim3A_5 : f32 to vector<16xf32>
    %swap3A_7 = arith.constant 16 : index
    %swap3A_8 = tpu.vector_load %arg5[%swap3A_7] {strides = array<i32>} : memref<256xf32, #tpu.memory_space<vmem>>, vector<16xf32>,
    %swap3A_9 = vector.shape_cast %swap3A_8 : vector<16xf32> to vector<16xf32>
    %swap3A_10 = vector.shape_cast %broadcast_in_dim3A_6 : vector<16xf32> to vector<16xf32>
    tpu.vector_store %arg5[%swap3A_7], %swap3A_10 {strides = array<i32>} : memref<256xf32, #tpu.memory_space<vmem>>, vector<16xf32>,
    %broadcast_in_dim3A_11 = arith.constant 1.000000e+00 : f32
    %broadcast_in_dim3A_12 = vector.broadcast %broadcast_in_dim3A_11 : f32 to vector<16xf32>
    %swap3A_13 = arith.constant 32 : index
    %swap3A_14 = tpu.vector_load %arg5[%swap3A_13] {strides = array<i32>} : memref<256xf32, #tpu.memory_space<vmem>>, vector<16xf32>,
    %swap3A_15 = vector.shape_cast %swap3A_14 : vector<16xf32> to vector<16xf32>
    %swap3A_16 = vector.shape_cast %broadcast_in_dim3A_12 : vector<16xf32> to vector<16xf32>
    tpu.vector_store %arg5[%swap3A_13], %swap3A_16 {strides = array<i32>} : memref<256xf32, #tpu.memory_space<vmem>>, vector<16xf32>,
    %broadcast_in_dim3A_17 = arith.constant 1.000000e+00 : f32
    %broadcast_in_dim3A_18 = vector.broadcast %broadcast_in_dim3A_17 : f32 to vector<16xf32>
    %swap3A_19 = arith.constant 48 : index
    %swap3A_20 = tpu.vector_load %arg5[%swap3A_19] {strides = array<i32>} : memref<256xf32, #tpu.memory_space<vmem>>, vector<16xf32>,
    %swap3A_21 = vector.shape_cast %swap3A_20 : vector<16xf32> to vector<16xf32>
    %swap3A_22 = vector.shape_cast %broadcast_in_dim3A_18 : vector<16xf32> to vector<16xf32>
    tpu.vector_store %arg5[%swap3A_19], %swap3A_22 {strides = array<i32>} : memref<256xf32, #tpu.memory_space<vmem>>, vector<16xf32>,
    %broadcast_in_dim3A_23 = arith.constant 1.000000e+00 : f32
    %broadcast_in_dim3A_24 = vector.broadcast %broadcast_in_dim3A_23 : f32 to vector<16xf32>
    %swap3A_25 = arith.constant 64 : index
    %swap3A_26 = tpu.vector_load %arg5[%swap3A_25] {strides = array<i32>} : memref<256xf32, #tpu.memory_space<vmem>>, vector<16xf32>,
    %swap3A_27 = vector.shape_cast %swap3A_26 : vector<16xf32> to vector<16xf32>
    %swap3A_28 = vector.shape_cast %broadcast_in_dim3A_24 : vector<16xf32> to vector<16xf32>
    tpu.vector_store %arg5[%swap3A_25], %swap3A_28 {strides = array<i32>} : memref<256xf32, #tpu.memory_space<vmem>>, vector<16xf32>,
    %broadcast_in_dim3A_29 = arith.constant 1.000000e+00 : f32
    %broadcast_in_dim3A_30 = vector.broadcast %broadcast_in_dim3A_29 : f32 to vector<16xf32>
    %swap3A_31 = arith.constant 80 : index
    %swap3A_32 = tpu.vector_load %arg5[%swap3A_31] {strides = array<i32>} : memref<256xf32, #tpu.memory_space<vmem>>, vector<16xf32>,
    %swap3A_33 = vector.shape_cast %swap3A_32 : vector<16xf32> to vector<16xf32>
    %swap3A_34 = vector.shape_cast %broadcast_in_dim3A_30 : vector<16xf32> to vector<16xf32>
    tpu.vector_store %arg5[%swap3A_31], %swap3A_34 {strides = array<i32>} : memref<256xf32, #tpu.memory_space<vmem>>, vector<16xf32>,
    %broadcast_in_dim3A_35 = arith.constant 1.000000e+00 : f32
    %broadcast_in_dim3A_36 = vector.broadcast %broadcast_in_dim3A_35 : f32 to vector<16xf32>
    %swap3A_37 = arith.constant 96 : index
    %swap3A_38 = tpu.vector_load %arg5[%swap3A_37] {strides = array<i32>} : memref<256xf32, #tpu.memory_space<vmem>>, vector<16xf32>,
    %swap3A_39 = vector.shape_cast %swap3A_38 : vector<16xf32> to vector<16xf32>
    %swap3A_40 = vector.shape_cast %broadcast_in_dim3A_36 : vector<16xf32> to vector<16xf32>
    tpu.vector_store %arg5[%swap3A_37], %swap3A_40 {strides = array<i32>} : memref<256xf32, #tpu.memory_space<vmem>>, vector<16xf32>,
    %broadcast_in_dim3A_41 = arith.constant 1.000000e+00 : f32
    %broadcast_in_dim3A_42 = vector.broadcast %broadcast_in_dim3A_41 : f32 to vector<16xf32>
    %swap3A_43 = arith.constant 112 : index
    %swap3A_44 = tpu.vector_load %arg5[%swap3A_43] {strides = array<i32>} : memref<256xf32, #tpu.memory_space<vmem>>, vector<16xf32>,
    %swap3A_45 = vector.shape_cast %swap3A_44 : vector<16xf32> to vector<16xf32>
    %swap3A_46 = vector.shape_cast %broadcast_in_dim3A_42 : vector<16xf32> to vector<16xf32>
    tpu.vector_store %arg5[%swap3A_43], %swap3A_46 {strides = array<i32>} : memref<256xf32, #tpu.memory_space<vmem>>, vector<16xf32>,
    %broadcast_in_dim3A_47 = arith.constant 1.000000e+00 : f32
    %broadcast_in_dim3A_48 = vector.broadcast %broadcast_in_dim3A_47 : f32 to vector<16xf32>
    %swap3A_49 = arith.constant 128 : index
    %swap3A_50 = tpu.vector_load %arg5[%swap3A_49] {strides = array<i32>} : memref<256xf32, #tpu.memory_space<vmem>>, vector<16xf32>,
    %swap3A_51 = vector.shape_cast %swap3A_50 : vector<16xf32> to vector<16xf32>
    %swap3A_52 = vector.shape_cast %broadcast_in_dim3A_48 : vector<16xf32> to vector<16xf32>
    tpu.vector_store %arg5[%swap3A_49], %swap3A_52 {strides = array<i32>} : memref<256xf32, #tpu.memory_space<vmem>>, vector<16xf32>,
    %broadcast_in_dim3A_53 = arith.constant 1.000000e+00 : f32
    %broadcast_in_dim3A_54 = vector.broadcast %broadcast_in_dim3A_53 : f32 to vector<16xf32>
    %swap3A_55 = arith.constant 144 : index
    %swap3A_56 = tpu.vector_load %arg5[%swap3A_55] {strides = array<i32>} : memref<256xf32, #tpu.memory_space<vmem>>, vector<16xf32>,
    %swap3A_57 = vector.shape_cast %swap3A_56 : vector<16xf32> to vector<16xf32>
    %swap3A_58 = vector.shape_cast %broadcast_in_dim3A_54 : vector<16xf32> to vector<16xf32>
    tpu.vector_store %arg5[%swap3A_55], %swap3A_58 {strides = array<i32>} : memref<256xf32, #tpu.memory_space<vmem>>, vector<16xf32>,
    %broadcast_in_dim3A_59 = arith.constant 1.000000e+00 : f32
    %broadcast_in_dim3A_60 = vector.broadcast %broadcast_in_dim3A_59 : f32 to vector<16xf32>
    %swap3A_61 = arith.constant 160 : index
    %swap3A_62 = tpu.vector_load %arg5[%swap3A_61] {strides = array<i32>} : memref<256xf32, #tpu.memory_space<vmem>>, vector<16xf32>,
    %swap3A_63 = vector.shape_cast %swap3A_62 : vector<16xf32> to vector<16xf32>
    %swap3A_64 = vector.shape_cast %broadcast_in_dim3A_60 : vector<16xf32> to vector<16xf32>
    tpu.vector_store %arg5[%swap3A_61], %swap3A_64 {strides = array<i32>} : memref<256xf32, #tpu.memory_space<vmem>>, vector<16xf32>,
    %broadcast_in_dim3A_65 = arith.constant 1.000000e+00 : f32
    %broadcast_in_dim3A_66 = vector.broadcast %broadcast_in_dim3A_65 : f32 to vector<16xf32>
    %swap3A_67 = arith.constant 176 : index
    %swap3A_68 = tpu.vector_load %arg5[%swap3A_67] {strides = array<i32>} : memref<256xf32, #tpu.memory_space<vmem>>, vector<16xf32>,
    %swap3A_69 = vector.shape_cast %swap3A_68 : vector<16xf32> to vector<16xf32>
    %swap3A_70 = vector.shape_cast %broadcast_in_dim3A_66 : vector<16xf32> to vector<16xf32>
    tpu.vector_store %arg5[%swap3A_67], %swap3A_70 {strides = array<i32>} : memref<256xf32, #tpu.memory_space<vmem>>, vector<16xf32>,
    %broadcast_in_dim3A_71 = arith.constant 1.000000e+00 : f32
    %broadcast_in_dim3A_72 = vector.broadcast %broadcast_in_dim3A_71 : f32 to vector<16xf32>
    %swap3A_73 = arith.constant 192 : index
    %swap3A_74 = tpu.vector_load %arg5[%swap3A_73] {strides = array<i32>} : memref<256xf32, #tpu.memory_space<vmem>>, vector<16xf32>,
    %swap3A_75 = vector.shape_cast %swap3A_74 : vector<16xf32> to vector<16xf32>
    %swap3A_76 = vector.shape_cast %broadcast_in_dim3A_72 : vector<16xf32> to vector<16xf32>
    tpu.vector_store %arg5[%swap3A_73], %swap3A_76 {strides = array<i32>} : memref<256xf32, #tpu.memory_space<vmem>>, vector<16xf32>,
    %broadcast_in_dim3A_77 = arith.constant 1.000000e+00 : f32
    %broadcast_in_dim3A_78 = vector.broadcast %broadcast_in_dim3A_77 : f32 to vector<16xf32>
    %swap3A_79 = arith.constant 208 : index
    %swap3A_80 = tpu.vector_load %arg5[%swap3A_79] {strides = array<i32>} : memref<256xf32, #tpu.memory_space<vmem>>, vector<16xf32>,
    %swap3A_81 = vector.shape_cast %swap3A_80 : vector<16xf32> to vector<16xf32>
    %swap3A_82 = vector.shape_cast %broadcast_in_dim3A_78 : vector<16xf32> to vector<16xf32>
    tpu.vector_store %arg5[%swap3A_79], %swap3A_82 {strides = array<i32>} : memref<256xf32, #tpu.memory_space<vmem>>, vector<16xf32>,
    %broadcast_in_dim3A_83 = arith.constant 1.000000e+00 : f32
    %broadcast_in_dim3A_84 = vector.broadcast %broadcast_in_dim3A_83 : f32 to vector<16xf32>
    %swap3A_85 = arith.constant 224 : index
    %swap3A_86 = tpu.vector_load %arg5[%swap3A_85] {strides = array<i32>} : memref<256xf32, #tpu.memory_space<vmem>>, vector<16xf32>,
    %swap3A_87 = vector.shape_cast %swap3A_86 : vector<16xf32> to vector<16xf32>
    %swap3A_88 = vector.shape_cast %broadcast_in_dim3A_84 : vector<16xf32> to vector<16xf32>
    tpu.vector_store %arg5[%swap3A_85], %swap3A_88 {strides = array<i32>} : memref<256xf32, #tpu.memory_space<vmem>>, vector<16xf32>,
    %broadcast_in_dim3A_89 = arith.constant 1.000000e+00 : f32
    %broadcast_in_dim3A_90 = vector.broadcast %broadcast_in_dim3A_89 : f32 to vector<16xf32>
    %swap3A_91 = arith.constant 240 : index
    %swap3A_92 = tpu.vector_load %arg5[%swap3A_91] {strides = array<i32>} : memref<256xf32, #tpu.memory_space<vmem>>, vector<16xf32>,
    %swap3A_93 = vector.shape_cast %swap3A_92 : vector<16xf32> to vector<16xf32>
    %swap3A_94 = vector.shape_cast %broadcast_in_dim3A_90 : vector<16xf32> to vector<16xf32>
    tpu.vector_store %arg5[%swap3A_91], %swap3A_94 {strides = array<i32>} : memref<256xf32, #tpu.memory_space<vmem>>, vector<16xf32>,
    %scan3A = arith.constant 0 : i32
    %scan3A_95 = arith.constant 40 : i32
    %scan3A_96 = arith.addi %scan3A, %scan3A_95 : i32
    %scan3A_97 = arith.constant 1 : i32
    scf.for %scan3A_113 = %scan3A to %scan3A_96 step %scan3A_97  : i32 {
      %mul3A_114 = arith.constant 1 : i32
      %mul3A_115 = arith.muli %scan3A_113, %mul3A_114 : i32
      %add3A_116 = arith.constant 0 : i32
      %add3A_117 = arith.addi %add3A_116, %mul3A_115 : i32
      %broadcast_in_dim3A_118 = arith.constant 0.000000e+00 : f32
      %broadcast_in_dim3A_119 = vector.broadcast %broadcast_in_dim3A_118 : f32 to vector<16xf32>
      %mul3A_120 = arith.constant 16 : i32
      %mul3A_121 = arith.muli %mul3A_120, %add3A_117 : i32
      %swap3A_122 = arith.index_cast %mul3A_121 : i32 to index
      %swap3A_123 = tpu.vector_load %arg6[%swap3A_122] {strides = array<i32>} : memref<640xf32, #tpu.memory_space<vmem>>, vector<16xf32>,
      %swap3A_124 = vector.shape_cast %swap3A_123 : vector<16xf32> to vector<16xf32>
      %swap3A_125 = vector.shape_cast %broadcast_in_dim3A_119 : vector<16xf32> to vector<16xf32>
      tpu.vector_store %arg6[%swap3A_122], %swap3A_125 {strides = array<i32>} : memref<640xf32, #tpu.memory_space<vmem>>, vector<16xf32>,
    }
    %scan3A_98 = arith.constant 40 : i32
    %mul3A_99 = arith.constant 640 : i32
    %mul3A_100 = arith.muli %arg1, %mul3A_99 : i32
    "tpu.region"() ({
      %run_scoped3A = tpu.sem_alloc : memref<!tpu.dma_semaphore, #tpu.memory_space<semaphore_mem>>
      %dma_start3A = tpu.memref_slice %arg7[%mul3A_100] : memref<10240xf32, #tpu.memory_space<vmem_shared>> -> memref<640xf32, #tpu.memory_space<vmem_shared>>
      %dma_start3A_113 = tpu.memref_slice %arg7[%mul3A_100] : memref<10240xf32, #tpu.memory_space<vmem_shared>> -> memref<640xf32, #tpu.memory_space<vmem_shared>>
      tpu.enqueue_dma source(%arg6 : memref<640xf32, #tpu.memory_space<vmem>>) target(%dma_start3A_113 : memref<640xf32, #tpu.memory_space<vmem_shared>>) target_semaphore(%run_scoped3A : memref<!tpu.dma_semaphore, #tpu.memory_space<semaphore_mem>>)
      %dma_wait3A = tpu.memref_slice %arg7[%mul3A_100] : memref<10240xf32, #tpu.memory_space<vmem_shared>> -> memref<640xf32, #tpu.memory_space<vmem_shared>>
      %dma_wait3A_114 = tpu.memref_slice %arg7[%mul3A_100] : memref<10240xf32, #tpu.memory_space<vmem_shared>> -> memref<640xf32, #tpu.memory_space<vmem_shared>>
      tpu.wait_dma2 semaphore(%run_scoped3A : memref<!tpu.dma_semaphore, #tpu.memory_space<semaphore_mem>>) src(%arg6 : memref<640xf32, #tpu.memory_space<vmem>>) dst(%dma_wait3A_114 : memref<640xf32, #tpu.memory_space<vmem_shared>>)
      tpu.yield
    }) : () -> ()
    %mul3A_101 = arith.constant 40 : i32
    %mul3A_102 = arith.muli %add3A, %mul3A_101 : i32
    "tpu.region"() ({
      %run_scoped3A = tpu.sem_alloc : memref<!tpu.dma_semaphore, #tpu.memory_space<semaphore_mem>>
      %dma_start3A = arith.constant 0 : i32
      %dma_start3A_113 = tpu.memref_slice %arg2[%mul3A_102, %dma_start3A] : memref<1280x256xi32, #tpu.memory_space<hbm>> -> memref<40x256xi32, #tpu.memory_space<hbm>>
      %dma_start3A_114 = arith.constant 0 : i32
      %dma_start3A_115 = tpu.memref_slice %arg2[%mul3A_102, %dma_start3A_114] : memref<1280x256xi32, #tpu.memory_space<hbm>> -> memref<40x256xi32, #tpu.memory_space<hbm>>
      tpu.enqueue_dma source(%dma_start3A_115 : memref<40x256xi32, #tpu.memory_space<hbm>>) target(%arg4 : memref<40x256xi32, #tpu.memory_space<vmem>>) target_semaphore(%run_scoped3A : memref<!tpu.dma_semaphore, #tpu.memory_space<semaphore_mem>>)
      %dma_wait3A = arith.constant 0 : i32
      %dma_wait3A_116 = tpu.memref_slice %arg2[%mul3A_102, %dma_wait3A] : memref<1280x256xi32, #tpu.memory_space<hbm>> -> memref<40x256xi32, #tpu.memory_space<hbm>>
      %dma_wait3A_117 = arith.constant 0 : i32
      %dma_wait3A_118 = tpu.memref_slice %arg2[%mul3A_102, %dma_wait3A_117] : memref<1280x256xi32, #tpu.memory_space<hbm>> -> memref<40x256xi32, #tpu.memory_space<hbm>>
      tpu.wait_dma2 semaphore(%run_scoped3A : memref<!tpu.dma_semaphore, #tpu.memory_space<semaphore_mem>>) src(%dma_wait3A_118 : memref<40x256xi32, #tpu.memory_space<hbm>>) dst(%arg4 : memref<40x256xi32, #tpu.memory_space<vmem>>)
      tpu.yield
    }) : () -> ()
    %barrier3A = arith.constant 0 : index
    tpu.barrier barrier_id(%barrier3A)
    %scan3A_103 = arith.constant 0 : i32
    %scan3A_104 = arith.constant 20 : i32
    %scan3A_105 = arith.addi %scan3A_103, %scan3A_104 : i32
    %scan3A_106 = arith.constant 1 : i32
    scf.for %scan3A_113 = %scan3A_103 to %scan3A_105 step %scan3A_106  : i32 {
      %mul3A_114 = arith.constant 1 : i32
      %mul3A_115 = arith.muli %scan3A_113, %mul3A_114 : i32
      %add3A_116 = arith.constant 0 : i32
      %add3A_117 = arith.addi %add3A_116, %mul3A_115 : i32
      %mul3A_118 = arith.constant 2 : i32
      %mul3A_119 = arith.muli %add3A_117, %mul3A_118 : i32
      %add3A_120 = arith.constant 0 : i32
      %add3A_121 = arith.addi %mul3A_119, %add3A_120 : i32
      %dma_start3A = arith.constant 0 : i32
      %dma_start3A_122 = tpu.memref_slice %arg4[%add3A_121, %dma_start3A] : memref<40x256xi32, #tpu.memory_space<vmem>> -> memref<1x256xi32, #tpu.memory_space<vmem>>
      %dma_start3A_123 = tpu.memref_squeeze %dma_start3A_122 : memref<1x256xi32, #tpu.memory_space<vmem>> -> memref<256xi32, #tpu.memory_space<vmem>>
      %dma_start3A_124 = arith.constant 0 : i32
      %dma_start3A_125 = tpu.memref_slice %arg7[%dma_start3A_124] : memref<10240xf32, #tpu.memory_space<vmem_shared>> -> memref<10240xf32, #tpu.memory_space<vmem_shared>>
      tpu.enqueue_indirect_dma source(%arg5 : memref<256xf32, #tpu.memory_space<vmem>>) target(%dma_start3A_125 : memref<10240xf32, #tpu.memory_space<vmem_shared>>) offsets(%dma_start3A_123 : memref<256xi32, #tpu.memory_space<vmem>>) semaphore(%arg8 : memref<!tpu.dma_semaphore, #tpu.memory_space<semaphore_mem>>) {add = true}
      %mul3A_126 = arith.constant 2 : i32
      %mul3A_127 = arith.muli %add3A_117, %mul3A_126 : i32
      %add3A_128 = arith.constant 1 : i32
      %add3A_129 = arith.addi %mul3A_127, %add3A_128 : i32
      %dma_start3A_130 = arith.constant 0 : i32
      %dma_start3A_131 = tpu.memref_slice %arg4[%add3A_129, %dma_start3A_130] : memref<40x256xi32, #tpu.memory_space<vmem>> -> memref<1x256xi32, #tpu.memory_space<vmem>>
      %dma_start3A_132 = tpu.memref_squeeze %dma_start3A_131 : memref<1x256xi32, #tpu.memory_space<vmem>> -> memref<256xi32, #tpu.memory_space<vmem>>
      %dma_start3A_133 = arith.constant 0 : i32
      %dma_start3A_134 = tpu.memref_slice %arg7[%dma_start3A_133] : memref<10240xf32, #tpu.memory_space<vmem_shared>> -> memref<10240xf32, #tpu.memory_space<vmem_shared>>
      tpu.enqueue_indirect_dma source(%arg5 : memref<256xf32, #tpu.memory_space<vmem>>) target(%dma_start3A_134 : memref<10240xf32, #tpu.memory_space<vmem_shared>>) offsets(%dma_start3A_132 : memref<256xi32, #tpu.memory_space<vmem>>) semaphore(%arg9 : memref<!tpu.dma_semaphore, #tpu.memory_space<semaphore_mem>>) {add = true}
      %dma_wait3A = arith.constant 0 : i32
      %dma_wait3A_135 = tpu.memref_slice %arg4[%add3A_121, %dma_wait3A] : memref<40x256xi32, #tpu.memory_space<vmem>> -> memref<1x256xi32, #tpu.memory_space<vmem>>
      %dma_wait3A_136 = tpu.memref_squeeze %dma_wait3A_135 : memref<1x256xi32, #tpu.memory_space<vmem>> -> memref<256xi32, #tpu.memory_space<vmem>>
      %dma_wait3A_137 = arith.constant 0 : i32
      %dma_wait3A_138 = tpu.memref_slice %arg7[%dma_wait3A_137] : memref<10240xf32, #tpu.memory_space<vmem_shared>> -> memref<10240xf32, #tpu.memory_space<vmem_shared>>
      tpu.wait_indirect_dma semaphore(%arg8 : memref<!tpu.dma_semaphore, #tpu.memory_space<semaphore_mem>>) src(%arg5 : memref<256xf32, #tpu.memory_space<vmem>>) dst(%dma_wait3A_138 : memref<10240xf32, #tpu.memory_space<vmem_shared>>)
      %dma_wait3A_139 = arith.constant 0 : i32
      %dma_wait3A_140 = tpu.memref_slice %arg4[%add3A_129, %dma_wait3A_139] : memref<40x256xi32, #tpu.memory_space<vmem>> -> memref<1x256xi32, #tpu.memory_space<vmem>>
      %dma_wait3A_141 = tpu.memref_squeeze %dma_wait3A_140 : memref<1x256xi32, #tpu.memory_space<vmem>> -> memref<256xi32, #tpu.memory_space<vmem>>
      %dma_wait3A_142 = arith.constant 0 : i32
      %dma_wait3A_143 = tpu.memref_slice %arg7[%dma_wait3A_142] : memref<10240xf32, #tpu.memory_space<vmem_shared>> -> memref<10240xf32, #tpu.memory_space<vmem_shared>>
      tpu.wait_indirect_dma semaphore(%arg9 : memref<!tpu.dma_semaphore, #tpu.memory_space<semaphore_mem>>) src(%arg5 : memref<256xf32, #tpu.memory_space<vmem>>) dst(%dma_wait3A_143 : memref<10240xf32, #tpu.memory_space<vmem_shared>>)
    }
    %scan3A_107 = arith.constant 20 : i32
    %barrier3A_108 = arith.constant 0 : index
    tpu.barrier barrier_id(%barrier3A_108)
    %mul3A_109 = arith.constant 640 : i32
    %mul3A_110 = arith.muli %arg1, %mul3A_109 : i32
    %mul3A_111 = arith.constant 640 : i32
    %mul3A_112 = arith.muli %arg1, %mul3A_111 : i32
    "tpu.region"() ({
      %run_scoped3A = tpu.sem_alloc : memref<!tpu.dma_semaphore, #tpu.memory_space<semaphore_mem>>
      %dma_start3A = tpu.memref_slice %arg3[%arg0, %mul3A_112] : memref<2x10240xf32, #tpu.memory_space<hbm>> -> memref<1x640xf32, #tpu.memory_space<hbm>>
      %dma_start3A_113 = tpu.memref_squeeze %dma_start3A : memref<1x640xf32, #tpu.memory_space<hbm>> -> memref<640xf32, #tpu.memory_space<hbm>>
      %dma_start3A_114 = tpu.memref_slice %arg7[%mul3A_110] : memref<10240xf32, #tpu.memory_space<vmem_shared>> -> memref<640xf32, #tpu.memory_space<vmem_shared>>
      tpu.enqueue_dma source(%dma_start3A_114 : memref<640xf32, #tpu.memory_space<vmem_shared>>) target(%dma_start3A_113 : memref<640xf32, #tpu.memory_space<hbm>>) target_semaphore(%run_scoped3A : memref<!tpu.dma_semaphore, #tpu.memory_space<semaphore_mem>>)
      %dma_wait3A = tpu.memref_slice %arg3[%arg0, %mul3A_112] : memref<2x10240xf32, #tpu.memory_space<hbm>> -> memref<1x640xf32, #tpu.memory_space<hbm>>
      %dma_wait3A_115 = tpu.memref_squeeze %dma_wait3A : memref<1x640xf32, #tpu.memory_space<hbm>> -> memref<640xf32, #tpu.memory_space<hbm>>
      %dma_wait3A_116 = tpu.memref_slice %arg7[%mul3A_110] : memref<10240xf32, #tpu.memory_space<vmem_shared>> -> memref<640xf32, #tpu.memory_space<vmem_shared>>
      tpu.wait_dma2 semaphore(%run_scoped3A : memref<!tpu.dma_semaphore, #tpu.memory_space<semaphore_mem>>) src(%dma_wait3A_116 : memref<640xf32, #tpu.memory_space<vmem_shared>>) dst(%dma_wait3A_115 : memref<640xf32, #tpu.memory_space<hbm>>)
      tpu.yield
    }) : () -> ()
    return
  }
}

#map = affine_map<(d0, d1) -> (0, 0, 0)>
#map1 = affine_map<(d0, d1) -> (0, 0)>
module attributes {stable_mosaic.version = 14 : i64} {
  func.func @_edge_fs_body(%arg0: i32, %arg1: i32, %arg2: memref<2x10240x64xf32, #tpu.memory_space<hbm>>, %arg3: memref<1280x256xi32, #tpu.memory_space<hbm>>, %arg4: memref<1280x256xi32, #tpu.memory_space<hbm>>, %arg5: memref<2x10240x64xf32, #tpu.memory_space<hbm>>, %arg6: memref<8x256xi32, #tpu.memory_space<vmem>>, %arg7: memref<8x256xi32, #tpu.memory_space<vmem>>, %arg8: memref<2x256x64xf32, #tpu.memory_space<vmem>>, %arg9: memref<10240x64xf32, #tpu.memory_space<vmem_shared>>, %arg10: memref<10240x64xf32, #tpu.memory_space<vmem_shared>>, %arg11: memref<!tpu.dma_semaphore, #tpu.memory_space<semaphore_mem>>, %arg12: memref<!tpu.dma_semaphore, #tpu.memory_space<semaphore_mem>>, %arg13: memref<!tpu.dma_semaphore, #tpu.memory_space<semaphore_mem>>, %arg14: memref<!tpu.dma_semaphore, #tpu.memory_space<semaphore_mem>>) attributes {dimension_semantics = [#tpu.dimension_semantics<core_parallel>, #tpu.dimension_semantics<subcore_parallel>], iteration_bounds = array<i64: 2, 16>, scalar_prefetch = 0 : i64, scratch_operands = 9 : i64, tpu.core_type = #tpu.core_type<sc_vector_subcore>, window_params = [{transform_indices = #map}, {transform_indices = #map1}, {transform_indices = #map1}, {transform_indices = #map}]} {
    %mul3A = arith.constant 640 : i32
    %mul3A_0 = arith.muli %arg1, %mul3A : i32
    %dma_start3A = arith.constant 0 : i32
    %dma_start3A_1 = tpu.memref_slice %arg9[%mul3A_0, %dma_start3A] : memref<10240x64xf32, #tpu.memory_space<vmem_shared>> -> memref<640x64xf32, #tpu.memory_space<vmem_shared>>
    %dma_start3A_2 = arith.constant 0 : i32
    %dma_start3A_3 = tpu.memref_slice %arg2[%arg0, %mul3A_0, %dma_start3A_2] : memref<2x10240x64xf32, #tpu.memory_space<hbm>> -> memref<1x640x64xf32, #tpu.memory_space<hbm>>
    %dma_start3A_4 = tpu.memref_squeeze %dma_start3A_3 : memref<1x640x64xf32, #tpu.memory_space<hbm>> -> memref<640x64xf32, #tpu.memory_space<hbm>>
    tpu.enqueue_dma source(%dma_start3A_4 : memref<640x64xf32, #tpu.memory_space<hbm>>) target(%dma_start3A_1 : memref<640x64xf32, #tpu.memory_space<vmem_shared>>) target_semaphore(%arg11 : memref<!tpu.dma_semaphore, #tpu.memory_space<semaphore_mem>>)
    %dma_start3A_5 = arith.constant 0 : i32
    %dma_start3A_6 = tpu.memref_slice %arg10[%mul3A_0, %dma_start3A_5] : memref<10240x64xf32, #tpu.memory_space<vmem_shared>> -> memref<640x64xf32, #tpu.memory_space<vmem_shared>>
    %dma_start3A_7 = arith.constant 0 : i32
    %dma_start3A_8 = tpu.memref_slice %arg2[%arg0, %mul3A_0, %dma_start3A_7] : memref<2x10240x64xf32, #tpu.memory_space<hbm>> -> memref<1x640x64xf32, #tpu.memory_space<hbm>>
    %dma_start3A_9 = tpu.memref_squeeze %dma_start3A_8 : memref<1x640x64xf32, #tpu.memory_space<hbm>> -> memref<640x64xf32, #tpu.memory_space<hbm>>
    tpu.enqueue_dma source(%dma_start3A_9 : memref<640x64xf32, #tpu.memory_space<hbm>>) target(%dma_start3A_6 : memref<640x64xf32, #tpu.memory_space<vmem_shared>>) target_semaphore(%arg12 : memref<!tpu.dma_semaphore, #tpu.memory_space<semaphore_mem>>)
    %dma_wait3A = arith.constant 0 : i32
    %dma_wait3A_10 = tpu.memref_slice %arg9[%mul3A_0, %dma_wait3A] : memref<10240x64xf32, #tpu.memory_space<vmem_shared>> -> memref<640x64xf32, #tpu.memory_space<vmem_shared>>
    %dma_wait3A_11 = arith.constant 0 : i32
    %dma_wait3A_12 = tpu.memref_slice %arg2[%arg0, %mul3A_0, %dma_wait3A_11] : memref<2x10240x64xf32, #tpu.memory_space<hbm>> -> memref<1x640x64xf32, #tpu.memory_space<hbm>>
    %dma_wait3A_13 = tpu.memref_squeeze %dma_wait3A_12 : memref<1x640x64xf32, #tpu.memory_space<hbm>> -> memref<640x64xf32, #tpu.memory_space<hbm>>
    tpu.wait_dma2 semaphore(%arg11 : memref<!tpu.dma_semaphore, #tpu.memory_space<semaphore_mem>>) src(%dma_wait3A_13 : memref<640x64xf32, #tpu.memory_space<hbm>>) dst(%dma_wait3A_10 : memref<640x64xf32, #tpu.memory_space<vmem_shared>>)
    %dma_wait3A_14 = arith.constant 0 : i32
    %dma_wait3A_15 = tpu.memref_slice %arg10[%mul3A_0, %dma_wait3A_14] : memref<10240x64xf32, #tpu.memory_space<vmem_shared>> -> memref<640x64xf32, #tpu.memory_space<vmem_shared>>
    %dma_wait3A_16 = arith.constant 0 : i32
    %dma_wait3A_17 = tpu.memref_slice %arg2[%arg0, %mul3A_0, %dma_wait3A_16] : memref<2x10240x64xf32, #tpu.memory_space<hbm>> -> memref<1x640x64xf32, #tpu.memory_space<hbm>>
    %dma_wait3A_18 = tpu.memref_squeeze %dma_wait3A_17 : memref<1x640x64xf32, #tpu.memory_space<hbm>> -> memref<640x64xf32, #tpu.memory_space<hbm>>
    tpu.wait_dma2 semaphore(%arg12 : memref<!tpu.dma_semaphore, #tpu.memory_space<semaphore_mem>>) src(%dma_wait3A_18 : memref<640x64xf32, #tpu.memory_space<hbm>>) dst(%dma_wait3A_15 : memref<640x64xf32, #tpu.memory_space<vmem_shared>>)
    %barrier3A = arith.constant 0 : index
    tpu.barrier barrier_id(%barrier3A)
    %mul3A_19 = arith.constant 80 : i32
    %mul3A_20 = arith.muli %arg1, %mul3A_19 : i32
    %scan3A = arith.constant 0 : i32
    %scan3A_21 = arith.constant 10 : i32
    %scan3A_22 = arith.addi %scan3A, %scan3A_21 : i32
    %scan3A_23 = arith.constant 1 : i32
    scf.for %scan3A_26 = %scan3A to %scan3A_22 step %scan3A_23  : i32 {
      %mul3A_27 = arith.constant 1 : i32
      %mul3A_28 = arith.muli %scan3A_26, %mul3A_27 : i32
      %add3A = arith.constant 0 : i32
      %add3A_29 = arith.addi %add3A, %mul3A_28 : i32
      %mul3A_30 = arith.constant 8 : i32
      %mul3A_31 = arith.muli %add3A_29, %mul3A_30 : i32
      %add3A_32 = arith.addi %mul3A_20, %mul3A_31 : i32
      "tpu.region"() ({
        %run_scoped3A = tpu.sem_alloc : memref<!tpu.dma_semaphore, #tpu.memory_space<semaphore_mem>>
        %dma_start3A_62 = arith.constant 0 : i32
        %dma_start3A_63 = tpu.memref_slice %arg3[%add3A_32, %dma_start3A_62] : memref<1280x256xi32, #tpu.memory_space<hbm>> -> memref<8x256xi32, #tpu.memory_space<hbm>>
        %dma_start3A_64 = arith.constant 0 : i32
        %dma_start3A_65 = tpu.memref_slice %arg3[%add3A_32, %dma_start3A_64] : memref<1280x256xi32, #tpu.memory_space<hbm>> -> memref<8x256xi32, #tpu.memory_space<hbm>>
        tpu.enqueue_dma source(%dma_start3A_65 : memref<8x256xi32, #tpu.memory_space<hbm>>) target(%arg6 : memref<8x256xi32, #tpu.memory_space<vmem>>) target_semaphore(%run_scoped3A : memref<!tpu.dma_semaphore, #tpu.memory_space<semaphore_mem>>)
        %dma_wait3A_66 = arith.constant 0 : i32
        %dma_wait3A_67 = tpu.memref_slice %arg3[%add3A_32, %dma_wait3A_66] : memref<1280x256xi32, #tpu.memory_space<hbm>> -> memref<8x256xi32, #tpu.memory_space<hbm>>
        %dma_wait3A_68 = arith.constant 0 : i32
        %dma_wait3A_69 = tpu.memref_slice %arg3[%add3A_32, %dma_wait3A_68] : memref<1280x256xi32, #tpu.memory_space<hbm>> -> memref<8x256xi32, #tpu.memory_space<hbm>>
        tpu.wait_dma2 semaphore(%run_scoped3A : memref<!tpu.dma_semaphore, #tpu.memory_space<semaphore_mem>>) src(%dma_wait3A_69 : memref<8x256xi32, #tpu.memory_space<hbm>>) dst(%arg6 : memref<8x256xi32, #tpu.memory_space<vmem>>)
        tpu.yield
      }) : () -> ()
      "tpu.region"() ({
        %run_scoped3A = tpu.sem_alloc : memref<!tpu.dma_semaphore, #tpu.memory_space<semaphore_mem>>
        %dma_start3A_62 = arith.constant 0 : i32
        %dma_start3A_63 = tpu.memref_slice %arg4[%add3A_32, %dma_start3A_62] : memref<1280x256xi32, #tpu.memory_space<hbm>> -> memref<8x256xi32, #tpu.memory_space<hbm>>
        %dma_start3A_64 = arith.constant 0 : i32
        %dma_start3A_65 = tpu.memref_slice %arg4[%add3A_32, %dma_start3A_64] : memref<1280x256xi32, #tpu.memory_space<hbm>> -> memref<8x256xi32, #tpu.memory_space<hbm>>
        tpu.enqueue_dma source(%dma_start3A_65 : memref<8x256xi32, #tpu.memory_space<hbm>>) target(%arg7 : memref<8x256xi32, #tpu.memory_space<vmem>>) target_semaphore(%run_scoped3A : memref<!tpu.dma_semaphore, #tpu.memory_space<semaphore_mem>>)
        %dma_wait3A_66 = arith.constant 0 : i32
        %dma_wait3A_67 = tpu.memref_slice %arg4[%add3A_32, %dma_wait3A_66] : memref<1280x256xi32, #tpu.memory_space<hbm>> -> memref<8x256xi32, #tpu.memory_space<hbm>>
        %dma_wait3A_68 = arith.constant 0 : i32
        %dma_wait3A_69 = tpu.memref_slice %arg4[%add3A_32, %dma_wait3A_68] : memref<1280x256xi32, #tpu.memory_space<hbm>> -> memref<8x256xi32, #tpu.memory_space<hbm>>
        tpu.wait_dma2 semaphore(%run_scoped3A : memref<!tpu.dma_semaphore, #tpu.memory_space<semaphore_mem>>) src(%dma_wait3A_69 : memref<8x256xi32, #tpu.memory_space<hbm>>) dst(%arg7 : memref<8x256xi32, #tpu.memory_space<vmem>>)
        tpu.yield
      }) : () -> ()
      %dma_start3A_33 = arith.constant 0 : i32
      %dma_start3A_34 = arith.constant 0 : i32
      %dma_start3A_35 = arith.constant 0 : i32
      %dma_start3A_36 = arith.constant 0 : i32
      %dma_start3A_37 = tpu.memref_slice %arg8[%dma_start3A_34, %dma_start3A_35, %dma_start3A_36] : memref<2x256x64xf32, #tpu.memory_space<vmem>> -> memref<1x256x64xf32, #tpu.memory_space<vmem>>
      %dma_start3A_38 = tpu.memref_squeeze %dma_start3A_37 : memref<1x256x64xf32, #tpu.memory_space<vmem>> -> memref<256x64xf32, #tpu.memory_space<vmem>>
      %dma_start3A_39 = arith.constant 0 : i32
      %dma_start3A_40 = tpu.memref_slice %arg6[%dma_start3A_33, %dma_start3A_39] : memref<8x256xi32, #tpu.memory_space<vmem>> -> memref<1x256xi32, #tpu.memory_space<vmem>>
      %dma_start3A_41 = tpu.memref_squeeze %dma_start3A_40 : memref<1x256xi32, #tpu.memory_space<vmem>> -> memref<256xi32, #tpu.memory_space<vmem>>
      %dma_start3A_42 = arith.constant 0 : i32
      %dma_start3A_43 = arith.constant 0 : i32
      %dma_start3A_44 = tpu.memref_slice %arg9[%dma_start3A_42, %dma_start3A_43] : memref<10240x64xf32, #tpu.memory_space<vmem_shared>> -> memref<10240x64xf32, #tpu.memory_space<vmem_shared>>
      tpu.enqueue_indirect_dma source(%dma_start3A_44 : memref<10240x64xf32, #tpu.memory_space<vmem_shared>>) target(%dma_start3A_38 : memref<256x64xf32, #tpu.memory_space<vmem>>) offsets(%dma_start3A_41 : memref<256xi32, #tpu.memory_space<vmem>>) semaphore(%arg11 : memref<!tpu.dma_semaphore, #tpu.memory_space<semaphore_mem>>)
      %dma_start3A_45 = arith.constant 1 : i32
      %dma_start3A_46 = arith.constant 1 : i32
      %dma_start3A_47 = arith.constant 0 : i32
      %dma_start3A_48 = arith.constant 0 : i32
      %dma_start3A_49 = tpu.memref_slice %arg8[%dma_start3A_46, %dma_start3A_47, %dma_start3A_48] : memref<2x256x64xf32, #tpu.memory_space<vmem>> -> memref<1x256x64xf32, #tpu.memory_space<vmem>>
      %dma_start3A_50 = tpu.memref_squeeze %dma_start3A_49 : memref<1x256x64xf32, #tpu.memory_space<vmem>> -> memref<256x64xf32, #tpu.memory_space<vmem>>
      %dma_start3A_51 = arith.constant 0 : i32
      %dma_start3A_52 = tpu.memref_slice %arg6[%dma_start3A_45, %dma_start3A_51] : memref<8x256xi32, #tpu.memory_space<vmem>> -> memref<1x256xi32, #tpu.memory_space<vmem>>
      %dma_start3A_53 = tpu.memref_squeeze %dma_start3A_52 : memref<1x256xi32, #tpu.memory_space<vmem>> -> memref<256xi32, #tpu.memory_space<vmem>>
      %dma_start3A_54 = arith.constant 0 : i32
      %dma_start3A_55 = arith.constant 0 : i32
      %dma_start3A_56 = tpu.memref_slice %arg9[%dma_start3A_54, %dma_start3A_55] : memref<10240x64xf32, #tpu.memory_space<vmem_shared>> -> memref<10240x64xf32, #tpu.memory_space<vmem_shared>>
      tpu.enqueue_indirect_dma source(%dma_start3A_56 : memref<10240x64xf32, #tpu.memory_space<vmem_shared>>) target(%dma_start3A_50 : memref<256x64xf32, #tpu.memory_space<vmem>>) offsets(%dma_start3A_53 : memref<256xi32, #tpu.memory_space<vmem>>) semaphore(%arg12 : memref<!tpu.dma_semaphore, #tpu.memory_space<semaphore_mem>>)
      %scan3A_57 = arith.constant 0 : i32
      %scan3A_58 = arith.constant 4 : i32
      %scan3A_59 = arith.addi %scan3A_57, %scan3A_58 : i32
      %scan3A_60 = arith.constant 1 : i32
      scf.for %scan3A_62 = %scan3A_57 to %scan3A_59 step %scan3A_60  : i32 {
        %mul3A_63 = arith.constant 1 : i32
        %mul3A_64 = arith.muli %scan3A_62, %mul3A_63 : i32
        %add3A_65 = arith.constant 0 : i32
        %add3A_66 = arith.addi %add3A_65, %mul3A_64 : i32
        %mul3A_67 = arith.constant 2 : i32
        %mul3A_68 = arith.muli %add3A_66, %mul3A_67 : i32
        %dma_wait3A_69 = arith.constant 0 : i32
        %dma_wait3A_70 = arith.constant 0 : i32
        %dma_wait3A_71 = arith.constant 0 : i32
        %dma_wait3A_72 = tpu.memref_slice %arg8[%dma_wait3A_69, %dma_wait3A_70, %dma_wait3A_71] : memref<2x256x64xf32, #tpu.memory_space<vmem>> -> memref<1x256x64xf32, #tpu.memory_space<vmem>>
        %dma_wait3A_73 = tpu.memref_squeeze %dma_wait3A_72 : memref<1x256x64xf32, #tpu.memory_space<vmem>> -> memref<256x64xf32, #tpu.memory_space<vmem>>
        %dma_wait3A_74 = arith.constant 0 : i32
        %dma_wait3A_75 = arith.constant 0 : i32
        %dma_wait3A_76 = tpu.memref_slice %arg2[%arg0, %dma_wait3A_74, %dma_wait3A_75] : memref<2x10240x64xf32, #tpu.memory_space<hbm>> -> memref<1x10240x64xf32, #tpu.memory_space<hbm>>
        %dma_wait3A_77 = tpu.memref_squeeze %dma_wait3A_76 : memref<1x10240x64xf32, #tpu.memory_space<hbm>> -> memref<10240x64xf32, #tpu.memory_space<hbm>>
        %dma_wait3A_78 = arith.constant 0 : i32
        %dma_wait3A_79 = arith.constant 0 : i32
        %dma_wait3A_80 = tpu.memref_slice %dma_wait3A_77[%dma_wait3A_78, %dma_wait3A_79] : memref<10240x64xf32, #tpu.memory_space<hbm>> -> memref<256x64xf32, #tpu.memory_space<hbm>>
        %dma_wait3A_81 = arith.constant 0 : i32
        %dma_wait3A_82 = arith.constant 0 : i32
        %dma_wait3A_83 = tpu.memref_slice %arg8[%dma_wait3A_69, %dma_wait3A_81, %dma_wait3A_82] : memref<2x256x64xf32, #tpu.memory_space<vmem>> -> memref<1x256x64xf32, #tpu.memory_space<vmem>>
        %dma_wait3A_84 = tpu.memref_squeeze %dma_wait3A_83 : memref<1x256x64xf32, #tpu.memory_space<vmem>> -> memref<256x64xf32, #tpu.memory_space<vmem>>
        %dma_wait3A_85 = arith.constant 0 : i32
        %dma_wait3A_86 = arith.constant 0 : i32
        %dma_wait3A_87 = tpu.memref_slice %arg2[%arg0, %dma_wait3A_85, %dma_wait3A_86] : memref<2x10240x64xf32, #tpu.memory_space<hbm>> -> memref<1x10240x64xf32, #tpu.memory_space<hbm>>
        %dma_wait3A_88 = tpu.memref_squeeze %dma_wait3A_87 : memref<1x10240x64xf32, #tpu.memory_space<hbm>> -> memref<10240x64xf32, #tpu.memory_space<hbm>>
        %dma_wait3A_89 = arith.constant 0 : i32
        %dma_wait3A_90 = arith.constant 0 : i32
        %dma_wait3A_91 = tpu.memref_slice %dma_wait3A_88[%dma_wait3A_89, %dma_wait3A_90] : memref<10240x64xf32, #tpu.memory_space<hbm>> -> memref<256x64xf32, #tpu.memory_space<hbm>>
        tpu.wait_dma2 semaphore(%arg11 : memref<!tpu.dma_semaphore, #tpu.memory_space<semaphore_mem>>) src(%dma_wait3A_91 : memref<256x64xf32, #tpu.memory_space<hbm>>) dst(%dma_wait3A_84 : memref<256x64xf32, #tpu.memory_space<vmem>>)
        %add3A_92 = arith.constant 0 : i32
        %add3A_93 = arith.addi %mul3A_68, %add3A_92 : i32
        %dma_start3A_94 = arith.constant 0 : i32
        %dma_start3A_95 = arith.constant 0 : i32
        %dma_start3A_96 = arith.constant 0 : i32
        %dma_start3A_97 = tpu.memref_slice %arg8[%dma_start3A_94, %dma_start3A_95, %dma_start3A_96] : memref<2x256x64xf32, #tpu.memory_space<vmem>> -> memref<1x256x64xf32, #tpu.memory_space<vmem>>
        %dma_start3A_98 = tpu.memref_squeeze %dma_start3A_97 : memref<1x256x64xf32, #tpu.memory_space<vmem>> -> memref<256x64xf32, #tpu.memory_space<vmem>>
        %dma_start3A_99 = arith.constant 0 : i32
        %dma_start3A_100 = tpu.memref_slice %arg7[%add3A_93, %dma_start3A_99] : memref<8x256xi32, #tpu.memory_space<vmem>> -> memref<1x256xi32, #tpu.memory_space<vmem>>
        %dma_start3A_101 = tpu.memref_squeeze %dma_start3A_100 : memref<1x256xi32, #tpu.memory_space<vmem>> -> memref<256xi32, #tpu.memory_space<vmem>>
        %dma_start3A_102 = arith.constant 0 : i32
        %dma_start3A_103 = arith.constant 0 : i32
        %dma_start3A_104 = tpu.memref_slice %arg10[%dma_start3A_102, %dma_start3A_103] : memref<10240x64xf32, #tpu.memory_space<vmem_shared>> -> memref<10240x64xf32, #tpu.memory_space<vmem_shared>>
        tpu.enqueue_indirect_dma source(%dma_start3A_98 : memref<256x64xf32, #tpu.memory_space<vmem>>) target(%dma_start3A_104 : memref<10240x64xf32, #tpu.memory_space<vmem_shared>>) offsets(%dma_start3A_101 : memref<256xi32, #tpu.memory_space<vmem>>) semaphore(%arg13 : memref<!tpu.dma_semaphore, #tpu.memory_space<semaphore_mem>>) {add = true}
        %dma_wait3A_105 = arith.constant 1 : i32
        %dma_wait3A_106 = arith.constant 0 : i32
        %dma_wait3A_107 = arith.constant 0 : i32
        %dma_wait3A_108 = tpu.memref_slice %arg8[%dma_wait3A_105, %dma_wait3A_106, %dma_wait3A_107] : memref<2x256x64xf32, #tpu.memory_space<vmem>> -> memref<1x256x64xf32, #tpu.memory_space<vmem>>
        %dma_wait3A_109 = tpu.memref_squeeze %dma_wait3A_108 : memref<1x256x64xf32, #tpu.memory_space<vmem>> -> memref<256x64xf32, #tpu.memory_space<vmem>>
        %dma_wait3A_110 = arith.constant 0 : i32
        %dma_wait3A_111 = arith.constant 0 : i32
        %dma_wait3A_112 = tpu.memref_slice %arg2[%arg0, %dma_wait3A_110, %dma_wait3A_111] : memref<2x10240x64xf32, #tpu.memory_space<hbm>> -> memref<1x10240x64xf32, #tpu.memory_space<hbm>>
        %dma_wait3A_113 = tpu.memref_squeeze %dma_wait3A_112 : memref<1x10240x64xf32, #tpu.memory_space<hbm>> -> memref<10240x64xf32, #tpu.memory_space<hbm>>
        %dma_wait3A_114 = arith.constant 0 : i32
        %dma_wait3A_115 = arith.constant 0 : i32
        %dma_wait3A_116 = tpu.memref_slice %dma_wait3A_113[%dma_wait3A_114, %dma_wait3A_115] : memref<10240x64xf32, #tpu.memory_space<hbm>> -> memref<256x64xf32, #tpu.memory_space<hbm>>
        %dma_wait3A_117 = arith.constant 0 : i32
        %dma_wait3A_118 = arith.constant 0 : i32
        %dma_wait3A_119 = tpu.memref_slice %arg8[%dma_wait3A_105, %dma_wait3A_117, %dma_wait3A_118] : memref<2x256x64xf32, #tpu.memory_space<vmem>> -> memref<1x256x64xf32, #tpu.memory_space<vmem>>
        %dma_wait3A_120 = tpu.memref_squeeze %dma_wait3A_119 : memref<1x256x64xf32, #tpu.memory_space<vmem>> -> memref<256x64xf32, #tpu.memory_space<vmem>>
        %dma_wait3A_121 = arith.constant 0 : i32
        %dma_wait3A_122 = arith.constant 0 : i32
        %dma_wait3A_123 = tpu.memref_slice %arg2[%arg0, %dma_wait3A_121, %dma_wait3A_122] : memref<2x10240x64xf32, #tpu.memory_space<hbm>> -> memref<1x10240x64xf32, #tpu.memory_space<hbm>>
        %dma_wait3A_124 = tpu.memref_squeeze %dma_wait3A_123 : memref<1x10240x64xf32, #tpu.memory_space<hbm>> -> memref<10240x64xf32, #tpu.memory_space<hbm>>
        %dma_wait3A_125 = arith.constant 0 : i32
        %dma_wait3A_126 = arith.constant 0 : i32
        %dma_wait3A_127 = tpu.memref_slice %dma_wait3A_124[%dma_wait3A_125, %dma_wait3A_126] : memref<10240x64xf32, #tpu.memory_space<hbm>> -> memref<256x64xf32, #tpu.memory_space<hbm>>
        tpu.wait_dma2 semaphore(%arg12 : memref<!tpu.dma_semaphore, #tpu.memory_space<semaphore_mem>>) src(%dma_wait3A_127 : memref<256x64xf32, #tpu.memory_space<hbm>>) dst(%dma_wait3A_120 : memref<256x64xf32, #tpu.memory_space<vmem>>)
        %add3A_128 = arith.constant 1 : i32
        %add3A_129 = arith.addi %mul3A_68, %add3A_128 : i32
        %dma_start3A_130 = arith.constant 1 : i32
        %dma_start3A_131 = arith.constant 0 : i32
        %dma_start3A_132 = arith.constant 0 : i32
        %dma_start3A_133 = tpu.memref_slice %arg8[%dma_start3A_130, %dma_start3A_131, %dma_start3A_132] : memref<2x256x64xf32, #tpu.memory_space<vmem>> -> memref<1x256x64xf32, #tpu.memory_space<vmem>>
        %dma_start3A_134 = tpu.memref_squeeze %dma_start3A_133 : memref<1x256x64xf32, #tpu.memory_space<vmem>> -> memref<256x64xf32, #tpu.memory_space<vmem>>
        %dma_start3A_135 = arith.constant 0 : i32
        %dma_start3A_136 = tpu.memref_slice %arg7[%add3A_129, %dma_start3A_135] : memref<8x256xi32, #tpu.memory_space<vmem>> -> memref<1x256xi32, #tpu.memory_space<vmem>>
        %dma_start3A_137 = tpu.memref_squeeze %dma_start3A_136 : memref<1x256xi32, #tpu.memory_space<vmem>> -> memref<256xi32, #tpu.memory_space<vmem>>
        %dma_start3A_138 = arith.constant 0 : i32
        %dma_start3A_139 = arith.constant 0 : i32
        %dma_start3A_140 = tpu.memref_slice %arg10[%dma_start3A_138, %dma_start3A_139] : memref<10240x64xf32, #tpu.memory_space<vmem_shared>> -> memref<10240x64xf32, #tpu.memory_space<vmem_shared>>
        tpu.enqueue_indirect_dma source(%dma_start3A_134 : memref<256x64xf32, #tpu.memory_space<vmem>>) target(%dma_start3A_140 : memref<10240x64xf32, #tpu.memory_space<vmem_shared>>) offsets(%dma_start3A_137 : memref<256xi32, #tpu.memory_space<vmem>>) semaphore(%arg14 : memref<!tpu.dma_semaphore, #tpu.memory_space<semaphore_mem>>) {add = true}
        %dma_wait3A_141 = arith.constant 0 : i32
        %dma_wait3A_142 = arith.constant 0 : i32
        %dma_wait3A_143 = arith.constant 0 : i32
        %dma_wait3A_144 = tpu.memref_slice %arg8[%dma_wait3A_141, %dma_wait3A_142, %dma_wait3A_143] : memref<2x256x64xf32, #tpu.memory_space<vmem>> -> memref<1x256x64xf32, #tpu.memory_space<vmem>>
        %dma_wait3A_145 = tpu.memref_squeeze %dma_wait3A_144 : memref<1x256x64xf32, #tpu.memory_space<vmem>> -> memref<256x64xf32, #tpu.memory_space<vmem>>
        %dma_wait3A_146 = arith.constant 0 : i32
        %dma_wait3A_147 = tpu.memref_slice %arg7[%add3A_93, %dma_wait3A_146] : memref<8x256xi32, #tpu.memory_space<vmem>> -> memref<1x256xi32, #tpu.memory_space<vmem>>
        %dma_wait3A_148 = tpu.memref_squeeze %dma_wait3A_147 : memref<1x256xi32, #tpu.memory_space<vmem>> -> memref<256xi32, #tpu.memory_space<vmem>>
        %dma_wait3A_149 = arith.constant 0 : i32
        %dma_wait3A_150 = arith.constant 0 : i32
        %dma_wait3A_151 = tpu.memref_slice %arg10[%dma_wait3A_149, %dma_wait3A_150] : memref<10240x64xf32, #tpu.memory_space<vmem_shared>> -> memref<10240x64xf32, #tpu.memory_space<vmem_shared>>
        tpu.wait_indirect_dma semaphore(%arg13 : memref<!tpu.dma_semaphore, #tpu.memory_space<semaphore_mem>>) src(%dma_wait3A_145 : memref<256x64xf32, #tpu.memory_space<vmem>>) dst(%dma_wait3A_151 : memref<10240x64xf32, #tpu.memory_space<vmem_shared>>)
        %add3A_152 = arith.constant 2 : i32
        %add3A_153 = arith.addi %mul3A_68, %add3A_152 : i32
        %add3A_154 = arith.constant 0 : i32
        %add3A_155 = arith.addi %add3A_153, %add3A_154 : i32
        %lt3A = arith.constant 8 : i32
        %lt3A_156 = arith.cmpi slt, %add3A_155, %lt3A : i32
        %convert_element_type3A = arith.extui %lt3A_156 : i1 to i32
        %cond3A = arith.constant 0 : i32
        %cond3A_157 = arith.cmpi ne, %convert_element_type3A, %cond3A : i32
        scf.if %cond3A_157 {
          %add3A_178 = arith.constant 2 : i32
          %add3A_179 = arith.addi %mul3A_68, %add3A_178 : i32
          %add3A_180 = arith.constant 0 : i32
          %add3A_181 = arith.addi %add3A_179, %add3A_180 : i32
          %dma_start3A_182 = arith.constant 0 : i32
          %dma_start3A_183 = arith.constant 0 : i32
          %dma_start3A_184 = arith.constant 0 : i32
          %dma_start3A_185 = tpu.memref_slice %arg8[%dma_start3A_182, %dma_start3A_183, %dma_start3A_184] : memref<2x256x64xf32, #tpu.memory_space<vmem>> -> memref<1x256x64xf32, #tpu.memory_space<vmem>>
          %dma_start3A_186 = tpu.memref_squeeze %dma_start3A_185 : memref<1x256x64xf32, #tpu.memory_space<vmem>> -> memref<256x64xf32, #tpu.memory_space<vmem>>
          %dma_start3A_187 = arith.constant 0 : i32
          %dma_start3A_188 = tpu.memref_slice %arg6[%add3A_181, %dma_start3A_187] : memref<8x256xi32, #tpu.memory_space<vmem>> -> memref<1x256xi32, #tpu.memory_space<vmem>>
          %dma_start3A_189 = tpu.memref_squeeze %dma_start3A_188 : memref<1x256xi32, #tpu.memory_space<vmem>> -> memref<256xi32, #tpu.memory_space<vmem>>
          %dma_start3A_190 = arith.constant 0 : i32
          %dma_start3A_191 = arith.constant 0 : i32
          %dma_start3A_192 = tpu.memref_slice %arg9[%dma_start3A_190, %dma_start3A_191] : memref<10240x64xf32, #tpu.memory_space<vmem_shared>> -> memref<10240x64xf32, #tpu.memory_space<vmem_shared>>
          tpu.enqueue_indirect_dma source(%dma_start3A_192 : memref<10240x64xf32, #tpu.memory_space<vmem_shared>>) target(%dma_start3A_186 : memref<256x64xf32, #tpu.memory_space<vmem>>) offsets(%dma_start3A_189 : memref<256xi32, #tpu.memory_space<vmem>>) semaphore(%arg11 : memref<!tpu.dma_semaphore, #tpu.memory_space<semaphore_mem>>)
        } else {
        }
        %dma_wait3A_158 = arith.constant 1 : i32
        %dma_wait3A_159 = arith.constant 0 : i32
        %dma_wait3A_160 = arith.constant 0 : i32
        %dma_wait3A_161 = tpu.memref_slice %arg8[%dma_wait3A_158, %dma_wait3A_159, %dma_wait3A_160] : memref<2x256x64xf32, #tpu.memory_space<vmem>> -> memref<1x256x64xf32, #tpu.memory_space<vmem>>
        %dma_wait3A_162 = tpu.memref_squeeze %dma_wait3A_161 : memref<1x256x64xf32, #tpu.memory_space<vmem>> -> memref<256x64xf32, #tpu.memory_space<vmem>>
        %dma_wait3A_163 = arith.constant 0 : i32
        %dma_wait3A_164 = tpu.memref_slice %arg7[%add3A_129, %dma_wait3A_163] : memref<8x256xi32, #tpu.memory_space<vmem>> -> memref<1x256xi32, #tpu.memory_space<vmem>>
        %dma_wait3A_165 = tpu.memref_squeeze %dma_wait3A_164 : memref<1x256xi32, #tpu.memory_space<vmem>> -> memref<256xi32, #tpu.memory_space<vmem>>
        %dma_wait3A_166 = arith.constant 0 : i32
        %dma_wait3A_167 = arith.constant 0 : i32
        %dma_wait3A_168 = tpu.memref_slice %arg10[%dma_wait3A_166, %dma_wait3A_167] : memref<10240x64xf32, #tpu.memory_space<vmem_shared>> -> memref<10240x64xf32, #tpu.memory_space<vmem_shared>>
        tpu.wait_indirect_dma semaphore(%arg14 : memref<!tpu.dma_semaphore, #tpu.memory_space<semaphore_mem>>) src(%dma_wait3A_162 : memref<256x64xf32, #tpu.memory_space<vmem>>) dst(%dma_wait3A_168 : memref<10240x64xf32, #tpu.memory_space<vmem_shared>>)
        %add3A_169 = arith.constant 2 : i32
        %add3A_170 = arith.addi %mul3A_68, %add3A_169 : i32
        %add3A_171 = arith.constant 1 : i32
        %add3A_172 = arith.addi %add3A_170, %add3A_171 : i32
        %lt3A_173 = arith.constant 8 : i32
        %lt3A_174 = arith.cmpi slt, %add3A_172, %lt3A_173 : i32
        %convert_element_type3A_175 = arith.extui %lt3A_174 : i1 to i32
        %cond3A_176 = arith.constant 0 : i32
        %cond3A_177 = arith.cmpi ne, %convert_element_type3A_175, %cond3A_176 : i32
        scf.if %cond3A_177 {
          %add3A_178 = arith.constant 2 : i32
          %add3A_179 = arith.addi %mul3A_68, %add3A_178 : i32
          %add3A_180 = arith.constant 1 : i32
          %add3A_181 = arith.addi %add3A_179, %add3A_180 : i32
          %dma_start3A_182 = arith.constant 1 : i32
          %dma_start3A_183 = arith.constant 0 : i32
          %dma_start3A_184 = arith.constant 0 : i32
          %dma_start3A_185 = tpu.memref_slice %arg8[%dma_start3A_182, %dma_start3A_183, %dma_start3A_184] : memref<2x256x64xf32, #tpu.memory_space<vmem>> -> memref<1x256x64xf32, #tpu.memory_space<vmem>>
          %dma_start3A_186 = tpu.memref_squeeze %dma_start3A_185 : memref<1x256x64xf32, #tpu.memory_space<vmem>> -> memref<256x64xf32, #tpu.memory_space<vmem>>
          %dma_start3A_187 = arith.constant 0 : i32
          %dma_start3A_188 = tpu.memref_slice %arg6[%add3A_181, %dma_start3A_187] : memref<8x256xi32, #tpu.memory_space<vmem>> -> memref<1x256xi32, #tpu.memory_space<vmem>>
          %dma_start3A_189 = tpu.memref_squeeze %dma_start3A_188 : memref<1x256xi32, #tpu.memory_space<vmem>> -> memref<256xi32, #tpu.memory_space<vmem>>
          %dma_start3A_190 = arith.constant 0 : i32
          %dma_start3A_191 = arith.constant 0 : i32
          %dma_start3A_192 = tpu.memref_slice %arg9[%dma_start3A_190, %dma_start3A_191] : memref<10240x64xf32, #tpu.memory_space<vmem_shared>> -> memref<10240x64xf32, #tpu.memory_space<vmem_shared>>
          tpu.enqueue_indirect_dma source(%dma_start3A_192 : memref<10240x64xf32, #tpu.memory_space<vmem_shared>>) target(%dma_start3A_186 : memref<256x64xf32, #tpu.memory_space<vmem>>) offsets(%dma_start3A_189 : memref<256xi32, #tpu.memory_space<vmem>>) semaphore(%arg12 : memref<!tpu.dma_semaphore, #tpu.memory_space<semaphore_mem>>)
        } else {
        }
      }
      %scan3A_61 = arith.constant 4 : i32
    }
    %scan3A_24 = arith.constant 10 : i32
    %barrier3A_25 = arith.constant 0 : index
    tpu.barrier barrier_id(%barrier3A_25)
    "tpu.region"() ({
      %run_scoped3A = tpu.sem_alloc : memref<!tpu.dma_semaphore, #tpu.memory_space<semaphore_mem>>
      %dma_start3A_26 = arith.constant 0 : i32
      %dma_start3A_27 = tpu.memref_slice %arg5[%arg0, %mul3A_0, %dma_start3A_26] : memref<2x10240x64xf32, #tpu.memory_space<hbm>> -> memref<1x640x64xf32, #tpu.memory_space<hbm>>
      %dma_start3A_28 = tpu.memref_squeeze %dma_start3A_27 : memref<1x640x64xf32, #tpu.memory_space<hbm>> -> memref<640x64xf32, #tpu.memory_space<hbm>>
      %dma_start3A_29 = arith.constant 0 : i32
      %dma_start3A_30 = tpu.memref_slice %arg10[%mul3A_0, %dma_start3A_29] : memref<10240x64xf32, #tpu.memory_space<vmem_shared>> -> memref<640x64xf32, #tpu.memory_space<vmem_shared>>
      tpu.enqueue_dma source(%dma_start3A_30 : memref<640x64xf32, #tpu.memory_space<vmem_shared>>) target(%dma_start3A_28 : memref<640x64xf32, #tpu.memory_space<hbm>>) target_semaphore(%run_scoped3A : memref<!tpu.dma_semaphore, #tpu.memory_space<semaphore_mem>>)
      %dma_wait3A_31 = arith.constant 0 : i32
      %dma_wait3A_32 = tpu.memref_slice %arg5[%arg0, %mul3A_0, %dma_wait3A_31] : memref<2x10240x64xf32, #tpu.memory_space<hbm>> -> memref<1x640x64xf32, #tpu.memory_space<hbm>>
      %dma_wait3A_33 = tpu.memref_squeeze %dma_wait3A_32 : memref<1x640x64xf32, #tpu.memory_space<hbm>> -> memref<640x64xf32, #tpu.memory_space<hbm>>
      %dma_wait3A_34 = arith.constant 0 : i32
      %dma_wait3A_35 = tpu.memref_slice %arg10[%mul3A_0, %dma_wait3A_34] : memref<10240x64xf32, #tpu.memory_space<vmem_shared>> -> memref<640x64xf32, #tpu.memory_space<vmem_shared>>
      tpu.wait_dma2 semaphore(%run_scoped3A : memref<!tpu.dma_semaphore, #tpu.memory_space<semaphore_mem>>) src(%dma_wait3A_35 : memref<640x64xf32, #tpu.memory_space<vmem_shared>>) dst(%dma_wait3A_33 : memref<640x64xf32, #tpu.memory_space<hbm>>)
      tpu.yield
    }) : () -> ()
    return
  }
}

module attributes {stable_mosaic.version = 14 : i64} {
  func.func @_b_body(%arg0: i32, %arg1: memref<640x128xf32, #tpu.memory_space<vmem>>, %arg2: memref<128x128xf32, #tpu.memory_space<vmem>>, %arg3: memref<2x640xf32, #tpu.memory_space<vmem>>, %arg4: memref<2x640x64xf32, #tpu.memory_space<vmem>>) attributes {dimension_semantics = [#tpu.dimension_semantics<arbitrary>], iteration_bounds = array<i64: 16>, scalar_prefetch = 0 : i64, scratch_operands = 0 : i64, tpu.core_type = #tpu.core_type<tc>, window_params = [{transform_indices = @transform_0, window_bounds = array<i64: 640, 128>}, {pipeline_mode = #tpu.pipeline_mode<synchronous>, transform_indices = @transform_1, window_bounds = array<i64: 128, 128>}, {transform_indices = @transform_2, window_bounds = array<i64: 2, 640>}, {transform_indices = @transform_3, window_bounds = array<i64: 2, 640, 64>}]} {
    %get3A = arith.constant 0 : index
    %get3A_0 = arith.constant 0 : index
    %get3A_1 = vector.load %arg3[%get3A, %get3A_0] : memref<2x640xf32, #tpu.memory_space<vmem>>, vector<1x640xf32>
    %get3A_2 = vector.shape_cast %get3A_1 : vector<1x640xf32> to vector<640xf32>
    %get3A_3 = arith.constant 1 : index
    %get3A_4 = arith.constant 0 : index
    %get3A_5 = vector.load %arg3[%get3A_3, %get3A_4] : memref<2x640xf32, #tpu.memory_space<vmem>>, vector<1x640xf32>
    %get3A_6 = vector.shape_cast %get3A_5 : vector<1x640xf32> to vector<640xf32>
    %add3A = arith.addf %get3A_2, %get3A_6 : vector<640xf32>
    %add3A_7 = arith.constant 1.000000e+00 : f32
    %add3A_8 = vector.broadcast %add3A_7 : f32 to vector<640xf32>
    %add3A_9 = arith.addf %add3A, %add3A_8 : vector<640xf32>
    %rsqrt3A = math.rsqrt %add3A_9 : vector<640xf32>
    %get3A_10 = arith.constant 0 : index
    %get3A_11 = arith.constant 0 : index
    %get3A_12 = vector.load %arg1[%get3A_10, %get3A_11] : memref<640x128xf32, #tpu.memory_space<vmem>>, vector<640x128xf32>
    %get3A_13 = arith.constant 0 : index
    %get3A_14 = arith.constant 0 : index
    %get3A_15 = vector.load %arg2[%get3A_13, %get3A_14] : memref<128x128xf32, #tpu.memory_space<vmem>>, vector<128x128xf32>
    %dot_general3A = arith.constant dense<0.000000e+00> : vector<640x128xf32>
    %dot_general3A_16 = tpu.matmul %get3A_12, %get3A_15, %dot_general3A {dimension_numbers = #tpu.dot_dimension_numbers<[1], [0], [0], [1], [0, 0, 1, 1], [], []>, transpose_lhs_hint = false} : vector<640x128xf32>, vector<128x128xf32>, vector<640x128xf32> -> vector<640x128xf32>
    %broadcast_in_dim3A = vector.shape_cast %rsqrt3A : vector<640xf32> to vector<640x1xf32>
    %mul3A = vector.broadcast %broadcast_in_dim3A : vector<640x1xf32> to vector<640x128xf32>
    %mul3A_17 = arith.mulf %dot_general3A_16, %mul3A : vector<640x128xf32>
    %slice3A = vector.extract_strided_slice %mul3A_17 {offsets = [0, 0], sizes = [640, 64], strides = [1, 1]} : vector<640x128xf32> to vector<640x64xf32>
    %swap3A = arith.constant 0 : index
    %swap3A_18 = arith.constant 0 : index
    %swap3A_19 = arith.constant 0 : index
    %swap3A_20 = vector.load %arg4[%swap3A, %swap3A_18, %swap3A_19] : memref<2x640x64xf32, #tpu.memory_space<vmem>>, vector<1x640x64xf32>
    %swap3A_21 = vector.shape_cast %swap3A_20 : vector<1x640x64xf32> to vector<640x64xf32>
    %swap3A_22 = vector.shape_cast %slice3A : vector<640x64xf32> to vector<1x640x64xf32>
    tpu.vector_store %arg4[%swap3A, %swap3A_18, %swap3A_19], %swap3A_22 {strides = array<i32>} : memref<2x640x64xf32, #tpu.memory_space<vmem>>, vector<1x640x64xf32>,
    %slice3A_23 = vector.extract_strided_slice %mul3A_17 {offsets = [0, 64], sizes = [640, 64], strides = [1, 1]} : vector<640x128xf32> to vector<640x64xf32>
    %swap3A_24 = arith.constant 1 : index
    %swap3A_25 = arith.constant 0 : index
    %swap3A_26 = arith.constant 0 : index
    %swap3A_27 = vector.load %arg4[%swap3A_24, %swap3A_25, %swap3A_26] : memref<2x640x64xf32, #tpu.memory_space<vmem>>, vector<1x640x64xf32>
    %swap3A_28 = vector.shape_cast %swap3A_27 : vector<1x640x64xf32> to vector<640x64xf32>
    %swap3A_29 = vector.shape_cast %slice3A_23 : vector<640x64xf32> to vector<1x640x64xf32>
    tpu.vector_store %arg4[%swap3A_24, %swap3A_25, %swap3A_26], %swap3A_29 {strides = array<i32>} : memref<2x640x64xf32, #tpu.memory_space<vmem>>, vector<1x640x64xf32>,
    return
  }
  func.func @transform_0(%arg0: i32) -> (i32, i32) {
    %c0_i32 = arith.constant 0 : i32
    %c0_i32_0 = arith.constant 0 : i32
    return %arg0, %c0_i32 : i32, i32
  }
  func.func @transform_1(%arg0: i32) -> (i32, i32) {
    %c0_i32 = arith.constant 0 : i32
    %c0_i32_0 = arith.constant 0 : i32
    %c0_i32_1 = arith.constant 0 : i32
    return %c0_i32, %c0_i32_0 : i32, i32
  }
  func.func @transform_2(%arg0: i32) -> (i32, i32) {
    %c0_i32 = arith.constant 0 : i32
    %c0_i32_0 = arith.constant 0 : i32
    return %c0_i32, %arg0 : i32, i32
  }
  func.func @transform_3(%arg0: i32) -> (i32, i32, i32) {
    %c0_i32 = arith.constant 0 : i32
    %c0_i32_0 = arith.constant 0 : i32
    %c0_i32_1 = arith.constant 0 : i32
    return %c0_i32, %arg0, %c0_i32_0 : i32, i32, i32
  }
}

module attributes {stable_mosaic.version = 14 : i64} {
  func.func @_d_body(%arg0: i32, %arg1: memref<2x640x64xf32, #tpu.memory_space<vmem>>, %arg2: memref<2x640xf32, #tpu.memory_space<vmem>>, %arg3: memref<1x128xf32, #tpu.memory_space<vmem>>, %arg4: memref<128x64xf32, #tpu.memory_space<vmem>>, %arg5: memref<640x64xf32, #tpu.memory_space<vmem>>) attributes {dimension_semantics = [#tpu.dimension_semantics<arbitrary>], iteration_bounds = array<i64: 16>, scalar_prefetch = 0 : i64, scratch_operands = 0 : i64, tpu.core_type = #tpu.core_type<tc>, window_params = [{transform_indices = @transform_0, window_bounds = array<i64: 2, 640, 64>}, {transform_indices = @transform_1, window_bounds = array<i64: 2, 640>}, {pipeline_mode = #tpu.pipeline_mode<synchronous>, transform_indices = @transform_2, window_bounds = array<i64: 1, 128>}, {pipeline_mode = #tpu.pipeline_mode<synchronous>, transform_indices = @transform_3, window_bounds = array<i64: 128, 64>}, {transform_indices = @transform_4, window_bounds = array<i64: 640, 64>}]} {
    %get3A = arith.constant 0 : index
    %get3A_0 = arith.constant 0 : index
    %get3A_1 = vector.load %arg2[%get3A, %get3A_0] : memref<2x640xf32, #tpu.memory_space<vmem>>, vector<1x640xf32>
    %get3A_2 = vector.shape_cast %get3A_1 : vector<1x640xf32> to vector<640xf32>
    %get3A_3 = arith.constant 1 : index
    %get3A_4 = arith.constant 0 : index
    %get3A_5 = vector.load %arg2[%get3A_3, %get3A_4] : memref<2x640xf32, #tpu.memory_space<vmem>>, vector<1x640xf32>
    %get3A_6 = vector.shape_cast %get3A_5 : vector<1x640xf32> to vector<640xf32>
    %add3A = arith.addf %get3A_2, %get3A_6 : vector<640xf32>
    %add3A_7 = arith.constant 1.000000e+00 : f32
    %add3A_8 = vector.broadcast %add3A_7 : f32 to vector<640xf32>
    %add3A_9 = arith.addf %add3A, %add3A_8 : vector<640xf32>
    %rsqrt3A = math.rsqrt %add3A_9 : vector<640xf32>
    %get3A_10 = arith.constant 0 : index
    %get3A_11 = arith.constant 0 : index
    %get3A_12 = arith.constant 0 : index
    %get3A_13 = vector.load %arg1[%get3A_10, %get3A_11, %get3A_12] : memref<2x640x64xf32, #tpu.memory_space<vmem>>, vector<1x640x64xf32>
    %get3A_14 = vector.shape_cast %get3A_13 : vector<1x640x64xf32> to vector<640x64xf32>
    %get3A_15 = arith.constant 1 : index
    %get3A_16 = arith.constant 0 : index
    %get3A_17 = arith.constant 0 : index
    %get3A_18 = vector.load %arg1[%get3A_15, %get3A_16, %get3A_17] : memref<2x640x64xf32, #tpu.memory_space<vmem>>, vector<1x640x64xf32>
    %get3A_19 = vector.shape_cast %get3A_18 : vector<1x640x64xf32> to vector<640x64xf32>
    %concatenate3A = tpu.concatenate %get3A_14, %get3A_19 in 1 : vector<640x64xf32>, vector<640x64xf32> -> vector<640x128xf32>
    %broadcast_in_dim3A = vector.shape_cast %rsqrt3A : vector<640xf32> to vector<640x1xf32>
    %mul3A = vector.broadcast %broadcast_in_dim3A : vector<640x1xf32> to vector<640x128xf32>
    %mul3A_20 = arith.mulf %concatenate3A, %mul3A : vector<640x128xf32>
    %get3A_21 = arith.constant 0 : index
    %get3A_22 = arith.constant 0 : index
    %get3A_23 = vector.load %arg3[%get3A_21, %get3A_22] : memref<1x128xf32, #tpu.memory_space<vmem>>, vector<1x128xf32>
    %add3A_24 = vector.broadcast %get3A_23 : vector<1x128xf32> to vector<640x128xf32>
    %add3A_25 = arith.addf %mul3A_20, %add3A_24 : vector<640x128xf32>
    %max3A = arith.constant 0.000000e+00 : f32
    %max3A_26 = vector.broadcast %max3A : f32 to vector<640x128xf32>
    %max3A_27 = arith.maximumf %add3A_25, %max3A_26 : vector<640x128xf32>
    %get3A_28 = arith.constant 0 : index
    %get3A_29 = arith.constant 0 : index
    %get3A_30 = vector.load %arg4[%get3A_28, %get3A_29] : memref<128x64xf32, #tpu.memory_space<vmem>>, vector<128x64xf32>
    %dot_general3A = arith.constant dense<0.000000e+00> : vector<640x64xf32>
    %dot_general3A_31 = tpu.matmul %max3A_27, %get3A_30, %dot_general3A {dimension_numbers = #tpu.dot_dimension_numbers<[1], [0], [0], [1], [0, 0, 1, 1], [], []>, transpose_lhs_hint = false} : vector<640x128xf32>, vector<128x64xf32>, vector<640x64xf32> -> vector<640x64xf32>
    %broadcast_in_dim3A_32 = vector.shape_cast %rsqrt3A : vector<640xf32> to vector<640x1xf32>
    %mul3A_33 = vector.broadcast %broadcast_in_dim3A_32 : vector<640x1xf32> to vector<640x64xf32>
    %mul3A_34 = arith.mulf %dot_general3A_31, %mul3A_33 : vector<640x64xf32>
    %swap3A = arith.constant 0 : index
    %swap3A_35 = arith.constant 0 : index
    %swap3A_36 = vector.load %arg5[%swap3A, %swap3A_35] : memref<640x64xf32, #tpu.memory_space<vmem>>, vector<640x64xf32>
    tpu.vector_store %arg5[%swap3A, %swap3A_35], %mul3A_34 {strides = array<i32>} : memref<640x64xf32, #tpu.memory_space<vmem>>, vector<640x64xf32>,
    return
  }
  func.func @transform_0(%arg0: i32) -> (i32, i32, i32) {
    %c0_i32 = arith.constant 0 : i32
    %c0_i32_0 = arith.constant 0 : i32
    %c0_i32_1 = arith.constant 0 : i32
    return %c0_i32, %arg0, %c0_i32_0 : i32, i32, i32
  }
  func.func @transform_1(%arg0: i32) -> (i32, i32) {
    %c0_i32 = arith.constant 0 : i32
    %c0_i32_0 = arith.constant 0 : i32
    return %c0_i32, %arg0 : i32, i32
  }
  func.func @transform_2(%arg0: i32) -> (i32, i32) {
    %c0_i32 = arith.constant 0 : i32
    %c0_i32_0 = arith.constant 0 : i32
    %c0_i32_1 = arith.constant 0 : i32
    return %c0_i32, %c0_i32_0 : i32, i32
  }
  func.func @transform_3(%arg0: i32) -> (i32, i32) {
    %c0_i32 = arith.constant 0 : i32
    %c0_i32_0 = arith.constant 0 : i32
    %c0_i32_1 = arith.constant 0 : i32
    return %c0_i32, %c0_i32_0 : i32, i32
  }
  func.func @transform_4(%arg0: i32) -> (i32, i32) {
    %c0_i32 = arith.constant 0 : i32
    %c0_i32_0 = arith.constant 0 : i32
    return %arg0, %c0_i32 : i32, i32
  }
}

module attributes {stable_mosaic.version = 14 : i64} {
  func.func @_f_body(%arg0: i32, %arg1: memref<2x400x64xf32, #tpu.memory_space<vmem>>, %arg2: memref<400x64xf32, #tpu.memory_space<vmem>>, %arg3: memref<400x2xf32, #tpu.memory_space<vmem>>, %arg4: memref<1x64xf32, #tpu.memory_space<vmem>>, %arg5: memref<400x64xf32, #tpu.memory_space<vmem>>) attributes {dimension_semantics = [#tpu.dimension_semantics<arbitrary>], iteration_bounds = array<i64: 25>, scalar_prefetch = 0 : i64, scratch_operands = 0 : i64, tpu.core_type = #tpu.core_type<tc>, window_params = [{transform_indices = @transform_0, window_bounds = array<i64: 2, 400, 64>}, {transform_indices = @transform_1, window_bounds = array<i64: 400, 64>}, {transform_indices = @transform_2, window_bounds = array<i64: 400, 2>}, {pipeline_mode = #tpu.pipeline_mode<synchronous>, transform_indices = @transform_3, window_bounds = array<i64: 1, 64>}, {transform_indices = @transform_4, window_bounds = array<i64: 400, 64>}]} {
    %get3A = arith.constant 0 : index
    %get3A_0 = arith.constant 0 : index
    %get3A_1 = vector.load %arg3[%get3A, %get3A_0] : memref<400x2xf32, #tpu.memory_space<vmem>>, vector<400x2xf32>
    %slice3A = vector.extract_strided_slice %get3A_1 {offsets = [0, 0], sizes = [400, 1], strides = [1, 1]} : vector<400x2xf32> to vector<400x1xf32>
    %squeeze3A = vector.shape_cast %slice3A : vector<400x1xf32> to vector<400xf32>
    %slice3A_2 = vector.extract_strided_slice %get3A_1 {offsets = [0, 1], sizes = [400, 1], strides = [1, 1]} : vector<400x2xf32> to vector<400x1xf32>
    %squeeze3A_3 = vector.shape_cast %slice3A_2 : vector<400x1xf32> to vector<400xf32>
    %add3A = arith.addf %squeeze3A, %squeeze3A_3 : vector<400xf32>
    %add3A_4 = arith.constant 1.000000e+00 : f32
    %add3A_5 = vector.broadcast %add3A_4 : f32 to vector<400xf32>
    %add3A_6 = arith.addf %add3A, %add3A_5 : vector<400xf32>
    %rsqrt3A = math.rsqrt %add3A_6 : vector<400xf32>
    %get3A_7 = arith.constant 0 : index
    %get3A_8 = arith.constant 0 : index
    %get3A_9 = arith.constant 0 : index
    %get3A_10 = vector.load %arg1[%get3A_7, %get3A_8, %get3A_9] : memref<2x400x64xf32, #tpu.memory_space<vmem>>, vector<1x400x64xf32>
    %get3A_11 = vector.shape_cast %get3A_10 : vector<1x400x64xf32> to vector<400x64xf32>
    %get3A_12 = arith.constant 1 : index
    %get3A_13 = arith.constant 0 : index
    %get3A_14 = arith.constant 0 : index
    %get3A_15 = vector.load %arg1[%get3A_12, %get3A_13, %get3A_14] : memref<2x400x64xf32, #tpu.memory_space<vmem>>, vector<1x400x64xf32>
    %get3A_16 = vector.shape_cast %get3A_15 : vector<1x400x64xf32> to vector<400x64xf32>
    %add3A_17 = arith.addf %get3A_11, %get3A_16 : vector<400x64xf32>
    %get3A_18 = arith.constant 0 : index
    %get3A_19 = arith.constant 0 : index
    %get3A_20 = vector.load %arg2[%get3A_18, %get3A_19] : memref<400x64xf32, #tpu.memory_space<vmem>>, vector<400x64xf32>
    %sub3A = arith.subf %add3A_17, %get3A_20 : vector<400x64xf32>
    %broadcast_in_dim3A = vector.shape_cast %rsqrt3A : vector<400xf32> to vector<400x1xf32>
    %mul3A = vector.broadcast %broadcast_in_dim3A : vector<400x1xf32> to vector<400x64xf32>
    %mul3A_21 = arith.mulf %sub3A, %mul3A : vector<400x64xf32>
    %get3A_22 = arith.constant 0 : index
    %get3A_23 = arith.constant 0 : index
    %get3A_24 = vector.load %arg4[%get3A_22, %get3A_23] : memref<1x64xf32, #tpu.memory_space<vmem>>, vector<1x64xf32>
    %add3A_25 = vector.broadcast %get3A_24 : vector<1x64xf32> to vector<400x64xf32>
    %add3A_26 = arith.addf %mul3A_21, %add3A_25 : vector<400x64xf32>
    %swap3A = arith.constant 0 : index
    %swap3A_27 = arith.constant 0 : index
    %swap3A_28 = vector.load %arg5[%swap3A, %swap3A_27] : memref<400x64xf32, #tpu.memory_space<vmem>>, vector<400x64xf32>
    tpu.vector_store %arg5[%swap3A, %swap3A_27], %add3A_26 {strides = array<i32>} : memref<400x64xf32, #tpu.memory_space<vmem>>, vector<400x64xf32>,
    return
  }
  func.func @transform_0(%arg0: i32) -> (i32, i32, i32) {
    %c0_i32 = arith.constant 0 : i32
    %c0_i32_0 = arith.constant 0 : i32
    %c0_i32_1 = arith.constant 0 : i32
    return %c0_i32, %arg0, %c0_i32_0 : i32, i32, i32
  }
  func.func @transform_1(%arg0: i32) -> (i32, i32) {
    %c0_i32 = arith.constant 0 : i32
    %c0_i32_0 = arith.constant 0 : i32
    return %arg0, %c0_i32 : i32, i32
  }
  func.func @transform_2(%arg0: i32) -> (i32, i32) {
    %c0_i32 = arith.constant 0 : i32
    %c0_i32_0 = arith.constant 0 : i32
    return %arg0, %c0_i32 : i32, i32
  }
  func.func @transform_3(%arg0: i32) -> (i32, i32) {
    %c0_i32 = arith.constant 0 : i32
    %c0_i32_0 = arith.constant 0 : i32
    %c0_i32_1 = arith.constant 0 : i32
    return %c0_i32, %c0_i32_0 : i32, i32
  }
  func.func @transform_4(%arg0: i32) -> (i32, i32) {
    %c0_i32 = arith.constant 0 : i32
    %c0_i32_0 = arith.constant 0 : i32
    return %arg0, %c0_i32 : i32, i32
  }
}

</mosaic_0001>

<sc_bundles>
// kernel: kernel.11.cloned.1.call-start
scs
__scs_entry_jumppad:
0x0: {  	(pc) =	sbr.rel $0x88, $3  }
0x1: {  	(tag) =	ssettag $0x0;
	lr =	simm.s32 $0x1  }
0x2: {  	[smem:$0x3F9B] =	sst lr;
	_ =	strace $0xD0000000  }
0x3: {  	_ = 	snop  }
0x4: {  	_ = 	snop  }
0x5: {  	_ = 	snop  }
0x6: {  	_ = 	snop  }
0x7: {  	_ = 	snop  }
__scs_overlays_trampoline_lowered:
0x8: {  	[smem:$0x3FAA] =	sst s0  }
0x9: {  	[smem:$0x3FAB] =	sst s1  }
0xa: {  	[smem:$0x3FAC] =	sst s2  }
0xb: {  	[smem:$0x3FAD] =	sst s3  }
0xc: {  	[smem:$0x3FAE] =	sst s4  }
0xd: {  	[smem:$0x3FAF] =	sst s5  }
0xe: {  	[smem:$0x3FB0] =	sst s6  }
0xf: {  	[smem:$0x3FB1] =	sst s7  }
0x10: {  	[smem:$0x3FB2] =	sst s8  }
0x11: {  	[smem:$0x3FB3] =	sst s9;
	s0 =	simm.s32 @!p0 $0x0  }
0x12: {  	s1 =	sld [smem:$0x3F99];
	s0 =	simm.s32 @p0 $0x1  }
0x13: {  	[smem:$0x3FB4] =	sst s0;
	s0 =	simm.s32 @!p1 $0x0  }
0x14: {  	s2 =	sld [smem:$0x3F98];
	s0 =	simm.s32 @p1 $0x1  }
0x15: {  	[smem:$0x3FB5] =	sst s0;
	s0 =	simm.s32 @!p2 $0x0  }
0x16: {  	s3 =	sld [smem:$0x3FDB];
	s0 =	simm.s32 @p2 $0x1  }
0x17: {  	s4 =	simm.s32 $0x1BF5;
	[smem:$0x3FB7] =	sst s0  }
0x18: {  	s0 =	sld [smem:$0x3F9A];
	_ =	swait.ge [sflag:s4], $0x0  }
0x19: {  	s7 =	sld [smem:$0x3F9B]  }
0x1a: {  	s8 =	sadd.s32 $0xFFFFE003, lr  }
0x1b: {  	s9 =	sadd.s32 $0xFFFFFEF7, lr;
	s5 =	simm.s32 $0xFFFFFFFF;
	p2 =	slt.u32 s8, $0xFFFFF086  }
0x1c: {  	p1 =	slt.u32 s9, $0xF7A;
	s5 =	simm.s32 @!p2 $0x0  }
0x1d: {  	s5 =	simm.s32 @p1 $0x1;
	p0 =	seq.s32 s7, s2  }
0x1e: {  	s7 =	smul.u32 @!p0 $0xF7A, s2;
	p2 =	seq.s32 @!p0 s5, $0x0  }
0x1f: {  	s9 =	smul.u32 $0xF7A, s1;
	s8 =	simm.s32 @!p0 $0x1BF5;
	p2 =	por !p2, p0  }
0x20: {  	[sflag:s8] =	ssyncset.s32 @!p0 $0xFFFFF086;
	s6 =	sadd.s32 @!p0 s3, s7;
	s7 =	simm.s32 @!p0 $0x108  }
0x21: {  	s3 =	sadd.s32 s3, s9;
	s6 =	sadd.s32 @!p0 $0x88, s6;
	s7 =	simm.s32 @p2 $0x1082  }
0x22: {  	[simem:s7], [sflag:s8] =	dma.local @!p0 [hbm:s6], $0xF7A  }
0x23: {  	s9 =	sor.u32 $0xD0000000, s2;
	s6 =	simm.s32 $0x108;
	_ =	swait.ge @!p0 [sflag:s8], $0x0  }
0x24: {  	s3 =	sadd.s32 $0x88, s3;
	s6 =	simm.s32 @!p1 $0x1082;
	[sflag:s4] =	ssyncset.s32 $0xFFFFF086  }
0x25: {  	[simem:s6], [sflag:s4] =	dma.local [hbm:s3], $0xF7A  }
0x26: {  	[smem:$0x3F9B] =	sst s1;
	(tag) =	ssettag s2;
	_ =	strace s9  }
0x27: {  	s1 =	sld [smem:$0x3FAB]  }
0x28: {  	s2 =	sld [smem:$0x3FAC]  }
0x29: {  	s4 =	sld [smem:$0x3FAE]  }
0x2a: {  	p0 =	seq.s32 s5, $0x0;
	s5 =	sld [smem:$0x3FAF]  }
0x2b: {  	s6 =	sld [smem:$0x3FB0]  }
0x2c: {  	s7 =	sld [smem:$0x3FB1]  }
0x2d: {  	s3 =	simm.s32 $0x108;
	s8 =	sld [smem:$0x3FB2]  }
0x2e: {  	s3 =	simm.s32 @!p0 $0x1082;
	s9 =	sld [smem:$0x3FB3]  }
0x2f: {  	lr =	sadd.s32 s0, s3;
	s0 =	sld [smem:$0x3FAA]  }
0x30: {  	s3 =	sld [smem:$0x3FAD]  }
0x31: {  	[smem:$0x3FB6] =	sst s10  }
0x32: {  	s10 =	sld [smem:$0x3FB4];
	_ =	sdelay $0x3  }
0x33: {  	p0 =	seq.s32 s10, $0x1;
	s10 =	sld [smem:$0x3FB6];
	_ =	sdelay $0x3  }
0x34: {  	[smem:$0x3FB6] =	sst s10  }
0x35: {  	s10 =	sld [smem:$0x3FB5];
	_ =	sdelay $0x3  }
0x36: {  	p1 =	seq.s32 s10, $0x1;
	s10 =	sld [smem:$0x3FB6];
	_ =	sdelay $0x3  }
0x37: {  	[smem:$0x3FB6] =	sst s10  }
0x38: {  	s10 =	sld [smem:$0x3FB7]  }
0x39: {  	_ = 	snop;
	(pc) =	sbr.ind lr, $3  }
0x3a: {  	_ = 	snop  }
0x3b: {  	_ = 	snop  }
0x3c: {  	p2 =	seq.s32 s10, $0x1;
	s10 =	sld [smem:$0x3FB6]  }
0x3d: {  	_ =	shalt  }
0x3e: {  	_ =	shalt  }
0x3f: {  	_ =	shalt  }
0x40: {  	_ =	shalt  }
0x41: {  	_ =	shalt  }
0x42: {  	_ =	shalt  }
0x43: {  	_ =	shalt  }
0x44: {  	_ =	shalt  }
0x45: {  	_ =	shalt  }
0x46: {  	_ =	shalt  }
0x47: {  	_ =	shalt  }
0x48: {  	_ =	shalt  }
0x49: {  	_ =	shalt  }
0x4a: {  	_ =	shalt  }
0x4b: {  	_ =	shalt  }
0x4c: {  	_ =	shalt  }
0x4d: {  	_ =	shalt  }
0x4e: {  	_ =	shalt  }
0x4f: {  	_ =	shalt  }
0x50: {  	_ =	shalt  }
0x51: {  	_ =	shalt  }
0x52: {  	_ =	shalt  }
0x53: {  	_ =	shalt  }
0x54: {  	_ =	shalt  }
0x55: {  	_ =	shalt  }
0x56: {  	_ =	shalt  }
0x57: {  	_ =	shalt  }
0x58: {  	_ =	shalt  }
0x59: {  	_ =	shalt  }
0x5a: {  	_ =	shalt  }
0x5b: {  	_ =	shalt  }
0x5c: {  	_ =	shalt  }
0x5d: {  	_ =	shalt  }
0x5e: {  	_ =	shalt  }
0x5f: {  	_ =	shalt  }
0x60: {  	_ =	shalt  }
0x61: {  	_ =	shalt  }
0x62: {  	_ =	shalt  }
0x63: {  	_ =	shalt  }
0x64: {  	_ =	shalt  }
0x65: {  	_ =	shalt  }
0x66: {  	_ =	shalt  }
0x67: {  	_ =	shalt  }
0x68: {  	_ =	shalt  }
0x69: {  	_ =	shalt  }
0x6a: {  	_ =	shalt  }
0x6b: {  	_ =	shalt  }
0x6c: {  	_ =	shalt  }
0x6d: {  	_ =	shalt  }
0x6e: {  	_ =	shalt  }
0x6f: {  	_ =	shalt  }
0x70: {  	_ =	shalt  }
0x71: {  	_ =	shalt  }
0x72: {  	_ =	shalt  }
0x73: {  	_ =	shalt  }
0x74: {  	_ =	shalt  }
0x75: {  	_ =	shalt  }
0x76: {  	_ =	shalt  }
0x77: {  	_ =	shalt  }
0x78: {  	_ =	shalt  }
0x79: {  	_ =	shalt  }
0x7a: {  	_ =	shalt  }
0x7b: {  	_ =	shalt  }
0x7c: {  	_ =	shalt  }
0x7d: {  	_ =	shalt  }
0x7e: {  	_ =	shalt  }
0x7f: {  	_ =	shalt  }
0x80: {  	_ =	shalt  }
0x81: {  	_ =	shalt  }
0x82: {  	_ =	shalt  }
0x83: {  	_ =	shalt  }
0x84: {  	_ =	shalt  }
0x85: {  	_ =	shalt  }
0x86: {  	_ =	shalt  }
0x87: {  	_ =	shalt  }
.Lfunc_end0:
.L_simem_size_0:
called_computation.1_lowered:
.L_overlay_start_0:
0x88: {  	s2 =	sld [smem:$0x3FD9]  }
0x89: {  	s3 =	sld [smem:$0x3FFE];
	_ =	sdelay $0x1  }
0x8a: {  	s1 =	srdreg.scid  }
0x8b: {  	s0 =	sand.u32 $0x1, s1  }
0x8c: {  	s17 =	sshll.u32 s0, $0xA;
	s2 =	sadd.s32 s3, s2  }
0x8d: {  	s2 =	sadd.s32 s2, s17  }
0x8e: {  	[smem:$0x3FC2] =	sst s2  }
0x8f: {  	_ = 	snop  }
0x90: {  	s2 =	sld [smem:$0x3FD0];
	(tm) =	ssettm $0x1  }
0x91: {  	s18 =	sld [smem:$0x3FFB];
	_ =	sdelay $0x3  }
0x92: {  	_ =	strace s18  }
0x93: {  	s3 =	sld [smem:$0x3FFC];
	_ =	sdelay $0x3  }
0x94: {  	_ =	strace s3  }
0x95: {  	s3 =	sld [smem:$0x3FFD];
	_ =	sdelay $0x3  }
0x96: {  	_ =	strace s3  }
0x97: {  	_ =	strace $0x8FFFFFFF  }
0x98: {  	s19 =	sld [smem:$0x3FDB];
	_ =	sdelay $0x1  }
0x99: {  	s4 =	simm.s32 $_scs_section_size  }
0x9a: {  	s5 =	simm.s32 $_size__tile_overlayer_lowered;
	s6 =	simm.s32 $_tile_overlayer_lowered  }
0x9b: {  	s22 =	simm.s32 $0x1BFF;
	s21 =	sshll.u32 s6, $0x1;
	s3 =	sadd.s32 s4, s19  }
0x9c: {  	s7 =	simm.s32 $0x0;
	s20 =	sshll.u32 s5, $0x1;
	s5 =	sadd.s32 s21, s3  }
0x9d: {  	[timem:s7], [sflag:s22] =	dma.local [hbm:s5], s20  }
0x9e: {  	_ =	swait.ge [sflag:s22], s20  }
0x9f: {  	s4 =	ssub.s32 $0x0, s20;
	[sflag:s22] =	ssyncset.done $0x0  }
0xa0: {  	[sflag:s22] =	ssyncadd.s32 s4;
	_ =	sdelay $0x1  }
0xa1: {  	s23 =	simm.s32 $0x1B8B  }
0xa2: {  	_ =	swait.ge [sflag:s23], $0x1  }
0xa3: {  	[sflag:s23] =	ssyncset.done $0x0  }
0xa4: {  	s25 =	simm.s32 $0x1B8E;
	s24 =	sld [smem:$0x3FFE];
	[sflag:s23] =	ssyncadd.s32 $0xFFFFFFFF  }
0xa5: {  	s26 =	simm.s32 $execute0_lowered;
	[smem:$0x3FD2] =	sst s25  }
0xa6: {  	s5 =	sshll.u32 s26, $0x1;
	_ =	strace $0x80000049;
	[dreg:$0x1] =	wrdreg $0xFFFFFFFF  }
0xa7: {  	s28 =	simm.s32 $_size_execute0_lowered;
	s3 =	sadd.s32 s3, s5;
	[dreg:$0x0] =	wrdreg $0x0  }
0xa8: {  	s5 =	sshll.u32 s28, $0x1;
	[dreg:$0x2] =	wrdreg s3  }
0xa9: {  	[dreg:$0x3] =	wrdreg s5  }
0xaa: {  	[dreg:$0x4] =	wrdreg $0xC0  }
0xab: {  	_ =	task [dreg:s7], $0x5FFFF  }
0xac: {  	[dreg:$0x1] =	wrdreg $0xFFFFFFFF  }
0xad: {  	[dreg:$0x0] =	wrdreg $0x60  }
0xae: {  	[dreg:$0x2] =	wrdreg s24  }
0xaf: {  	[dreg:$0x3] =	wrdreg s2  }
0xb0: {  	[dreg:$0x4] =	wrdreg $0x90000  }
0xb1: {  	[dreg:$0x5] =	wrdreg $0x130000  }
0xb2: {  	[dreg:$0x6] =	wrdreg $0x9  }
0xb3: {  	_ =	task.clear_ibuf [dreg:s7], $0x7FFFF;
	_ =	strace $0x90000049  }
0xb4: {  	s29 =	simm.s32 $0x9;
	_ =	strace $0x8000004B  }
0xb5: {  	_ =	swait.ge [sflag:s29], $0x1  }
0xb6: {  	[sflag:s29] =	ssyncadd.s32 $0xFFFFFFFF  }
0xb7: {  	_ =	strace $0x9000004B  }
0xb8: {  	_ =	sfence  }
0xb9: {  	s30 =	sld [smem:$0x0];
	_ =	sdelay $0x2  }
0xba: {  	s31 =	sshll.u32 s1, $0xD;
	s1 =	sshrl.u32 s1, $0x2  }
0xbb: {  	s3 =	sand.u32 $0x4000, s31;
	s1 =	sadd.s32 s1, s30  }
0xbc: {  	s0 =	sor.u32 s3, s0;
	s1 =	sshll.u32 s1, $0x11  }
0xbd: {  	s0 =	sor.u32 s1, s0  }
0xbe: {  	s0 =	sadd.s32 $0x8F2B, s0  }
0xbf: {  	[sflag:s0] =	ssyncadd.remote.s32 $0x1  }
0xc0: {  	_ =	sfence.sel $0xFFFF  }
0xc1: {  	[dreg:$0x0] =	wrdreg $0xFFFFFFFF;
	(pc) =	sbr.abs _section_cstart, $3  }
0xc2: {  	[dreg:$0x1] =	wrdreg $0xFFFFFFFF  }
0xc3: {  	_ =	task.clear_ibuf [dreg:s7], $0x2FFFF;
	_ =	strace $0x9FFFFFFF  }
0xc4: {  	(tm) =	ssettm $0x7FFFFFFF  }
0xc5: {  	_ =	shalt  }
tec
execute0_lowered:
.L_overlay_start_1:
0x0: {  	(tag) =	ssettag $0x1  }
0x1: {  	s0 =	rddreg [dreg:$0x0]  }
0x2: {  	s1 =	rddreg [dreg:$0x1]  }
0x3: {  	s2 =	rddreg [dreg:$0x2];
	s4 =	srdreg.scid  }
0x4: {  	s3 =	rddreg [dreg:$0x3];
	s11 =	stileid.u32;
	s14 =	simm.s32 $0x1  }
0x5: {  	s15 =	simm.s32 $0x2;
	s16 =	simm.s32 $0x5;
	s17 =	simm.s32 $0x800  }
0x6: {  	s18 =	simm.s32 $0x100;
	s19 =	simm.s32 $0x1000;
	s28 =	simm.s32 $0xB00  }
0x7: {  	s29 =	simm.s32 $0x400;
	s30 =	simm.s32 $0x500;
	s7 =	smul.u32 $0xA000, s11  }
0x8: {  	s31 =	simm.s32 $0xC00;
	s5 =	sand.u32 $0x1, s4;
	s8 =	smul.u32 $0xA00, s11  }
0x9: {  	s4 =	simm.s32 $0x0;
	s11 =	sshll.u32 s11, $0x6;
	s6 =	smul.u32 $0xA0000, s5  }
0xa: {  	[smem:$0x7FF] =	sst s4;
	s5 =	ssub.s32 $0x2, s5;
	s22 =	sor.u32 $0x1C01, s11  }
0xb: {  	s26 =	sor.u32 $0x1C02, s11;
	_ =	strace $0x8000004A;
	[dreg:$0x8] =	wrdreg s22  }
0xc: {  	s9 =	sshrl.u32 s5, $0x1;
	s10 =	sadd.s32 s8, s0;
	[dreg:$0x7] =	wrdreg s11  }
0xd: {  	s20 =	sadd.s32 s7, s2;
	[dreg:$0xc] =	wrdreg s26;
	s22 =	simm.s32 $0x3  }
0xe: {  	s26 =	simm.s32 $0xA00;
	s6 =	sadd.s32 s7, s6;
	s5 =	ssub.s32 s5, s9  }
0xf: {  	s7 =	sadd.s32 s7, s3;
	s23 =	sadd.s32 $0x1E00, s10;
	s10 =	sadd.s32 s8, s1  }
0x10: {  	s25 =	sshrl.u32 s20, $0x3;
	s20 =	simm.s32 $0x5000;
	s1 =	simm.s32 $0x600  }
0x11: {  	s8 =	simm.s32 $0xE00;
	s9 =	simm.s32 $0xF00;
	[dreg:$0x5] =	wrdreg s23  }
0x12: {  	s6 =	sshrl.u32 s6, $0x3;
	s24 =	smax.u32 s5, $0x1;
	[dreg:$0xb] =	wrdreg s25  }
0x13: {  	s12 =	sshrl.u32 s7, $0x3;
	s23 =	simm.s32 $0x200;
	s25 =	simm.s32 $0x300  }
0x14: {  	s7 =	simm.s32 $0x700;
	s0 =	sadd.s32 s6, s0;
	[dreg:$0xa] =	wrdreg s24  }
0x15: {  	s24 =	simm.s32 $0x4;
	[dreg:$0xd] =	wrdreg s12;
	s21 =	sadd.s32 $0xBE00, s0  }
0x16: {  	s6 =	simm.s32 $0x0;
	s0 =	sadd.s32 $0x33E00, s0;
	[dreg:$0x6] =	wrdreg s21  }
0x17: {  	[dreg:$0x9] =	wrdreg s0;
	s21 =	simm.s32 $0x900;
	s0 =	simm.s32 $0xD00  }
.LBB2_1:
0x18: {  	[dreg:$0xe] =	wrdreg s6  }
0x19: {  	s5 =	rddreg [dreg:$0x6]  }
0x1a: {  	s13 =	rddreg [dreg:$0x8]  }
0x1b: {  	s11 =	rddreg [dreg:$0xb]  }
0x1c: {  	[spmem:s11], [sflag:s13] =	dma.local [hbm:s5], $0x1400  }
0x1d: {  	s6 =	rddreg [dreg:$0xc]  }
0x1e: {  	[spmem:s12], [sflag:s6] =	dma.local [hbm:s5], $0x1400  }
0x1f: {  	_ =	swait.ge [sflag:s14], $0x1400  }
0x20: {  	[sflag:s14] =	ssyncset.done $0x0  }
0x21: {  	[sflag:s14] =	ssyncadd.s32 $0xFFFFEC00  }
0x22: {  	_ =	swait.ge [sflag:s15], $0x1400  }
0x23: {  	[sflag:s15] =	ssyncset.done $0x0  }
0x24: {  	[sflag:s15] =	ssyncadd.s32 $0xFFFFEC00  }
0x25: {  	s12 =	sadd.s32 $0x0, s10;
	[bflag:$0x0] =	sbarrier.arrive $0xFFFF  }
0x26: {  	[tilespmem:s4], [sflag:$0x5] =	stream.linear.gather [hbm4b:s12+s4], $0x800, $0x38;
	[tilespmem:$0x1D000] =	vst v63  }
0x27: {  	_ =	swait.ge [sflag:s16], $0x800  }
0x28: {  	s13 =	rddreg [dreg:$0x5];
	[sflag:s16] =	ssyncset.done $0x0  }
0x29: {  	[sflag:s16] =	ssyncadd.s32 $0xFFFFF800;
	s5 =	sadd.s32 $0x0, s13  }
0x2a: {  	[tilespmem:s17], [sflag:$0x5] =	stream.linear.gather [hbm4b:s5+s4], $0x800, $0x38;
	[tilespmem:$0x1D000] =	vst v63  }
0x2b: {  	_ =	swait.ge [sflag:s16], $0x800  }
0x2c: {  	[sflag:s16] =	ssyncset.done $0x0  }
0x2d: {  	[sflag:s16] =	ssyncadd.s32 $0xFFFFF800  }
0x2e: {  	[tilespmem:s19], [sflag:$0x1] =	stream.indirect.gather [spmem:s2], $0x40, s4, s18, $0xb8;
	[tilespmem:$0x1D000] =	vst v63  }
0x2f: {  	_ = 	snop  }
0x30: {  	[tilespmem:s20], [sflag:$0x2] =	stream.indirect.gather [spmem:s2], $0x40, s18, s18, $0xb8;
	[tilespmem:$0x1D000] =	vst v63  }
0x31: {  	_ =	swait.ge [sflag:s14], $0x4000  }
0x32: {  	[sflag:s14] =	ssyncset.done $0x0  }
0x33: {  	[sflag:s14] =	ssyncadd.s32 $0xFFFFC000  }
0x34: {  	[spmem:s3] =	stream.indirect.scatter.add.f32 [tilespmem:s19], [sflag:$0x3], $0x40, s17, s18, $0xb8;
	[tilespmem:$0x1D000] =	vst v63  }
0x35: {  	_ =	swait.ge [sflag:s15], $0x4000  }
0x36: {  	[sflag:s15] =	ssyncset.done $0x0  }
0x37: {  	[sflag:s15] =	ssyncadd.s32 $0xFFFFC000  }
0x38: {  	[spmem:s3] =	stream.indirect.scatter.add.f32 [tilespmem:s20], [sflag:$0x4], $0x40, s21, s18, $0xb8;
	[tilespmem:$0x1D000] =	vst v63  }
0x39: {  	_ =	swait.ge [sflag:s22], $0x4000  }
0x3a: {  	[sflag:s22] =	ssyncset.done $0x0  }
0x3b: {  	[sflag:s22] =	ssyncadd.s32 $0xFFFFC000  }
0x3c: {  	[tilespmem:s19], [sflag:$0x1] =	stream.indirect.gather [spmem:s2], $0x40, s23, s18, $0xb8;
	[tilespmem:$0x1D000] =	vst v63  }
0x3d: {  	_ =	swait.ge [sflag:s24], $0x4000  }
0x3e: {  	[sflag:s24] =	ssyncset.done $0x0  }
0x3f: {  	[sflag:s24] =	ssyncadd.s32 $0xFFFFC000  }
0x40: {  	[tilespmem:s20], [sflag:$0x2] =	stream.indirect.gather [spmem:s2], $0x40, s25, s18, $0xb8;
	[tilespmem:$0x1D000] =	vst v63  }
0x41: {  	_ =	swait.ge [sflag:s14], $0x4000  }
0x42: {  	[sflag:s14] =	ssyncset.done $0x0  }
0x43: {  	[sflag:s14] =	ssyncadd.s32 $0xFFFFC000  }
0x44: {  	[spmem:s3] =	stream.indirect.scatter.add.f32 [tilespmem:s19], [sflag:$0x3], $0x40, s26, s18, $0xb8;
	[tilespmem:$0x1D000] =	vst v63  }
0x45: {  	_ =	swait.ge [sflag:s15], $0x4000  }
0x46: {  	[sflag:s15] =	ssyncset.done $0x0  }
0x47: {  	[sflag:s15] =	ssyncadd.s32 $0xFFFFC000  }
0x48: {  	[spmem:s3] =	stream.indirect.scatter.add.f32 [tilespmem:s20], [sflag:$0x4], $0x40, s28, s18, $0xb8;
	[tilespmem:$0x1D000] =	vst v63  }
0x49: {  	_ =	swait.ge [sflag:s22], $0x4000  }
0x4a: {  	[sflag:s22] =	ssyncset.done $0x0  }
0x4b: {  	[sflag:s22] =	ssyncadd.s32 $0xFFFFC000  }
0x4c: {  	[tilespmem:s19], [sflag:$0x1] =	stream.indirect.gather [spmem:s2], $0x40, s29, s18, $0xb8;
	[tilespmem:$0x1D000] =	vst v63  }
0x4d: {  	_ =	swait.ge [sflag:s24], $0x4000  }
0x4e: {  	[sflag:s24] =	ssyncset.done $0x0  }
0x4f: {  	[sflag:s24] =	ssyncadd.s32 $0xFFFFC000  }
0x50: {  	[tilespmem:s20], [sflag:$0x2] =	stream.indirect.gather [spmem:s2], $0x40, s30, s18, $0xb8;
	[tilespmem:$0x1D000] =	vst v63  }
0x51: {  	_ =	swait.ge [sflag:s14], $0x4000  }
0x52: {  	[sflag:s14] =	ssyncset.done $0x0  }
0x53: {  	[sflag:s14] =	ssyncadd.s32 $0xFFFFC000  }
0x54: {  	[spmem:s3] =	stream.indirect.scatter.add.f32 [tilespmem:s19], [sflag:$0x3], $0x40, s31, s18, $0xb8;
	[tilespmem:$0x1D000] =	vst v63  }
0x55: {  	_ =	swait.ge [sflag:s15], $0x4000  }
0x56: {  	[sflag:s15] =	ssyncset.done $0x0  }
0x57: {  	[sflag:s15] =	ssyncadd.s32 $0xFFFFC000  }
0x58: {  	[spmem:s3] =	stream.indirect.scatter.add.f32 [tilespmem:s20], [sflag:$0x4], $0x40, s0, s18, $0xb8;
	[tilespmem:$0x1D000] =	vst v63  }
0x59: {  	_ =	swait.ge [sflag:s22], $0x4000  }
0x5a: {  	[sflag:s22] =	ssyncset.done $0x0  }
0x5b: {  	[sflag:s22] =	ssyncadd.s32 $0xFFFFC000  }
0x5c: {  	[tilespmem:s19], [sflag:$0x1] =	stream.indirect.gather [spmem:s2], $0x40, s1, s18, $0xb8;
	[tilespmem:$0x1D000] =	vst v63  }
0x5d: {  	_ =	swait.ge [sflag:s24], $0x4000  }
0x5e: {  	[sflag:s24] =	ssyncset.done $0x0  }
0x5f: {  	[sflag:s24] =	ssyncadd.s32 $0xFFFFC000  }
0x60: {  	[tilespmem:s20], [sflag:$0x2] =	stream.indirect.gather [spmem:s2], $0x40, s7, s18, $0xb8;
	[tilespmem:$0x1D000] =	vst v63  }
0x61: {  	_ =	swait.ge [sflag:s14], $0x4000  }
0x62: {  	[sflag:s14] =	ssyncset.done $0x0  }
0x63: {  	[sflag:s14] =	ssyncadd.s32 $0xFFFFC000  }
0x64: {  	[spmem:s3] =	stream.indirect.scatter.add.f32 [tilespmem:s19], [sflag:$0x3], $0x40, s8, s18, $0xb8;
	[tilespmem:$0x1D000] =	vst v63  }
0x65: {  	_ =	swait.ge [sflag:s15], $0x4000  }
0x66: {  	[sflag:s15] =	ssyncset.done $0x0  }
0x67: {  	[sflag:s15] =	ssyncadd.s32 $0xFFFFC000  }
0x68: {  	[spmem:s3] =	stream.indirect.scatter.add.f32 [tilespmem:s20], [sflag:$0x4], $0x40, s9, s18, $0xb8;
	[tilespmem:$0x1D000] =	vst v63  }
0x69: {  	_ =	swait.ge [sflag:s22], $0x4000  }
0x6a: {  	[sflag:s22] =	ssyncset.done $0x0  }
0x6b: {  	[sflag:s22] =	ssyncadd.s32 $0xFFFFC000  }
0x6c: {  	_ =	swait.ge [sflag:s24], $0x4000  }
0x6d: {  	s6 =	simm.s32 $0x200;
	s12 =	simm.s32 $0x100;
	[sflag:s24] =	ssyncset.done $0x0  }
.LBB2_2:
0x6e: {  	s13 =	sadd.s32 s12, s10;
	[sflag:s24] =	ssyncadd.s32 $0xFFFFC000  }
0x6f: {  	[tilespmem:s4], [sflag:$0x5] =	stream.linear.gather [hbm4b:s13+s4], $0x800, $0x38;
	[tilespmem:$0x1D000] =	vst v63  }
0x70: {  	s11 =	smov.u32 s6;
	_ =	swait.ge [sflag:s16], $0x800  }
0x71: {  	s5 =	sadd.s32 $0x100, s6;
	s13 =	rddreg [dreg:$0x5];
	[sflag:s16] =	ssyncset.done $0x0  }
0x72: {  	p0 =	sne.s32 s6, $0x900;
	[sflag:s16] =	ssyncadd.s32 $0xFFFFF800;
	s6 =	sadd.s32 s12, s13  }
0x73: {  	[tilespmem:s17], [sflag:$0x5] =	stream.linear.gather [hbm4b:s6+s4], $0x800, $0x38;
	[tilespmem:$0x1D000] =	vst v63  }
0x74: {  	_ =	swait.ge [sflag:s16], $0x800  }
0x75: {  	[sflag:s16] =	ssyncset.done $0x0  }
0x76: {  	[sflag:s16] =	ssyncadd.s32 $0xFFFFF800  }
0x77: {  	[tilespmem:s19], [sflag:$0x1] =	stream.indirect.gather [spmem:s2], $0x40, s4, s18, $0xb8;
	[tilespmem:$0x1D000] =	vst v63  }
0x78: {  	_ = 	snop  }
0x79: {  	[tilespmem:s20], [sflag:$0x2] =	stream.indirect.gather [spmem:s2], $0x40, s18, s18, $0xb8;
	[tilespmem:$0x1D000] =	vst v63  }
0x7a: {  	_ =	swait.ge [sflag:s14], $0x4000  }
0x7b: {  	[sflag:s14] =	ssyncset.done $0x0  }
0x7c: {  	[sflag:s14] =	ssyncadd.s32 $0xFFFFC000  }
0x7d: {  	[spmem:s3] =	stream.indirect.scatter.add.f32 [tilespmem:s19], [sflag:$0x3], $0x40, s17, s18, $0xb8;
	[tilespmem:$0x1D000] =	vst v63  }
0x7e: {  	_ =	swait.ge [sflag:s15], $0x4000  }
0x7f: {  	[sflag:s15] =	ssyncset.done $0x0  }
0x80: {  	[sflag:s15] =	ssyncadd.s32 $0xFFFFC000  }
0x81: {  	[spmem:s3] =	stream.indirect.scatter.add.f32 [tilespmem:s20], [sflag:$0x4], $0x40, s21, s18, $0xb8;
	[tilespmem:$0x1D000] =	vst v63  }
0x82: {  	_ =	swait.ge [sflag:s22], $0x4000  }
0x83: {  	[sflag:s22] =	ssyncset.done $0x0  }
0x84: {  	[sflag:s22] =	ssyncadd.s32 $0xFFFFC000  }
0x85: {  	[tilespmem:s19], [sflag:$0x1] =	stream.indirect.gather [spmem:s2], $0x40, s23, s18, $0xb8;
	[tilespmem:$0x1D000] =	vst v63  }
0x86: {  	_ =	swait.ge [sflag:s24], $0x4000  }
0x87: {  	[sflag:s24] =	ssyncset.done $0x0  }
0x88: {  	[sflag:s24] =	ssyncadd.s32 $0xFFFFC000  }
0x89: {  	[tilespmem:s20], [sflag:$0x2] =	stream.indirect.gather [spmem:s2], $0x40, s25, s18, $0xb8;
	[tilespmem:$0x1D000] =	vst v63  }
0x8a: {  	_ =	swait.ge [sflag:s14], $0x4000  }
0x8b: {  	[sflag:s14] =	ssyncset.done $0x0  }
0x8c: {  	[sflag:s14] =	ssyncadd.s32 $0xFFFFC000  }
0x8d: {  	[spmem:s3] =	stream.indirect.scatter.add.f32 [tilespmem:s19], [sflag:$0x3], $0x40, s26, s18, $0xb8;
	[tilespmem:$0x1D000] =	vst v63  }
0x8e: {  	_ =	swait.ge [sflag:s15], $0x4000  }
0x8f: {  	[sflag:s15] =	ssyncset.done $0x0  }
0x90: {  	[sflag:s15] =	ssyncadd.s32 $0xFFFFC000  }
0x91: {  	[spmem:s3] =	stream.indirect.scatter.add.f32 [tilespmem:s20], [sflag:$0x4], $0x40, s28, s18, $0xb8;
	[tilespmem:$0x1D000] =	vst v63  }
0x92: {  	_ =	swait.ge [sflag:s22], $0x4000  }
0x93: {  	[sflag:s22] =	ssyncset.done $0x0  }
0x94: {  	[sflag:s22] =	ssyncadd.s32 $0xFFFFC000  }
0x95: {  	[tilespmem:s19], [sflag:$0x1] =	stream.indirect.gather [spmem:s2], $0x40, s29, s18, $0xb8;
	[tilespmem:$0x1D000] =	vst v63  }
0x96: {  	_ =	swait.ge [sflag:s24], $0x4000  }
0x97: {  	[sflag:s24] =	ssyncset.done $0x0  }
0x98: {  	[sflag:s24] =	ssyncadd.s32 $0xFFFFC000  }
0x99: {  	[tilespmem:s20], [sflag:$0x2] =	stream.indirect.gather [spmem:s2], $0x40, s30, s18, $0xb8;
	[tilespmem:$0x1D000] =	vst v63  }
0x9a: {  	_ =	swait.ge [sflag:s14], $0x4000  }
0x9b: {  	[sflag:s14] =	ssyncset.done $0x0  }
0x9c: {  	[sflag:s14] =	ssyncadd.s32 $0xFFFFC000  }
0x9d: {  	[spmem:s3] =	stream.indirect.scatter.add.f32 [tilespmem:s19], [sflag:$0x3], $0x40, s31, s18, $0xb8;
	[tilespmem:$0x1D000] =	vst v63  }
0x9e: {  	_ =	swait.ge [sflag:s15], $0x4000  }
0x9f: {  	[sflag:s15] =	ssyncset.done $0x0  }
0xa0: {  	[sflag:s15] =	ssyncadd.s32 $0xFFFFC000  }
0xa1: {  	[spmem:s3] =	stream.indirect.scatter.add.f32 [tilespmem:s20], [sflag:$0x4], $0x40, s0, s18, $0xb8;
	[tilespmem:$0x1D000] =	vst v63  }
0xa2: {  	_ =	swait.ge [sflag:s22], $0x4000  }
0xa3: {  	[sflag:s22] =	ssyncset.done $0x0  }
0xa4: {  	[sflag:s22] =	ssyncadd.s32 $0xFFFFC000  }
0xa5: {  	[tilespmem:s19], [sflag:$0x1] =	stream.indirect.gather [spmem:s2], $0x40, s1, s18, $0xb8;
	[tilespmem:$0x1D000] =	vst v63  }
0xa6: {  	_ =	swait.ge [sflag:s24], $0x4000  }
0xa7: {  	[sflag:s24] =	ssyncset.done $0x0  }
0xa8: {  	[sflag:s24] =	ssyncadd.s32 $0xFFFFC000  }
0xa9: {  	[tilespmem:s20], [sflag:$0x2] =	stream.indirect.gather [spmem:s2], $0x40, s7, s18, $0xb8;
	[tilespmem:$0x1D000] =	vst v63  }
0xaa: {  	_ =	swait.ge [sflag:s14], $0x4000  }
0xab: {  	[sflag:s14] =	ssyncset.done $0x0  }
0xac: {  	[sflag:s14] =	ssyncadd.s32 $0xFFFFC000  }
0xad: {  	[spmem:s3] =	stream.indirect.scatter.add.f32 [tilespmem:s19], [sflag:$0x3], $0x40, s8, s18, $0xb8;
	[tilespmem:$0x1D000] =	vst v63  }
0xae: {  	_ =	swait.ge [sflag:s15], $0x4000  }
0xaf: {  	[sflag:s15] =	ssyncset.done $0x0  }
0xb0: {  	[sflag:s15] =	ssyncadd.s32 $0xFFFFC000  }
0xb1: {  	[spmem:s3] =	stream.indirect.scatter.add.f32 [tilespmem:s20], [sflag:$0x4], $0x40, s9, s18, $0xb8;
	[tilespmem:$0x1D000] =	vst v63  }
.Ltmp0:
0xb2: {  	_ =	swait.ge [sflag:s22], $0x4000;
	(pc) =	sbr.rel @p0 .LBB2_2-.Ltmp0, $4  }
0xb3: {  	[sflag:s22] =	ssyncset.done $0x0  }
0xb4: {  	[sflag:s22] =	ssyncadd.s32 $0xFFFFC000  }
0xb5: {  	_ =	swait.ge [sflag:s24], $0x4000  }
0xb6: {  	s12 =	smov.u32 s11;
	s6 =	smov.u32 s5;
	[sflag:s24] =	ssyncset.done $0x0  }
0xb7: {  	s5 =	sadd.s32 s12, s10;
	[sflag:s24] =	ssyncadd.s32 $0xFFFFC000  }
0xb8: {  	[tilespmem:s4], [sflag:$0x5] =	stream.linear.gather [hbm4b:s5+s4], $0x800, $0x38;
	[tilespmem:$0x1D000] =	vst v63  }
0xb9: {  	_ =	swait.ge [sflag:s16], $0x800  }
0xba: {  	s13 =	rddreg [dreg:$0x5];
	[sflag:s16] =	ssyncset.done $0x0  }
0xbb: {  	s5 =	sadd.s32 s12, s13;
	[sflag:s16] =	ssyncadd.s32 $0xFFFFF800  }
0xbc: {  	[tilespmem:s17], [sflag:$0x5] =	stream.linear.gather [hbm4b:s5+s4], $0x800, $0x38;
	[tilespmem:$0x1D000] =	vst v63  }
0xbd: {  	_ =	swait.ge [sflag:s16], $0x800  }
0xbe: {  	[sflag:s16] =	ssyncset.done $0x0  }
0xbf: {  	[sflag:s16] =	ssyncadd.s32 $0xFFFFF800  }
0xc0: {  	[tilespmem:s19], [sflag:$0x1] =	stream.indirect.gather [spmem:s2], $0x40, s4, s18, $0xb8;
	[tilespmem:$0x1D000] =	vst v63  }
0xc1: {  	_ = 	snop  }
0xc2: {  	[tilespmem:s20], [sflag:$0x2] =	stream.indirect.gather [spmem:s2], $0x40, s18, s18, $0xb8;
	[tilespmem:$0x1D000] =	vst v63  }
0xc3: {  	_ =	swait.ge [sflag:s14], $0x4000  }
0xc4: {  	[sflag:s14] =	ssyncset.done $0x0  }
0xc5: {  	[sflag:s14] =	ssyncadd.s32 $0xFFFFC000  }
0xc6: {  	[spmem:s3] =	stream.indirect.scatter.add.f32 [tilespmem:s19], [sflag:$0x3], $0x40, s17, s18, $0xb8;
	[tilespmem:$0x1D000] =	vst v63  }
0xc7: {  	_ =	swait.ge [sflag:s15], $0x4000  }
0xc8: {  	[sflag:s15] =	ssyncset.done $0x0  }
0xc9: {  	[sflag:s15] =	ssyncadd.s32 $0xFFFFC000  }
0xca: {  	[spmem:s3] =	stream.indirect.scatter.add.f32 [tilespmem:s20], [sflag:$0x4], $0x40, s21, s18, $0xb8;
	[tilespmem:$0x1D000] =	vst v63  }
0xcb: {  	_ =	swait.ge [sflag:s22], $0x4000  }
0xcc: {  	[sflag:s22] =	ssyncset.done $0x0  }
0xcd: {  	[sflag:s22] =	ssyncadd.s32 $0xFFFFC000  }
0xce: {  	[tilespmem:s19], [sflag:$0x1] =	stream.indirect.gather [spmem:s2], $0x40, s23, s18, $0xb8;
	[tilespmem:$0x1D000] =	vst v63  }
0xcf: {  	_ =	swait.ge [sflag:s24], $0x4000  }
0xd0: {  	[sflag:s24] =	ssyncset.done $0x0  }
0xd1: {  	[sflag:s24] =	ssyncadd.s32 $0xFFFFC000  }
0xd2: {  	[tilespmem:s20], [sflag:$0x2] =	stream.indirect.gather [spmem:s2], $0x40, s25, s18, $0xb8;
	[tilespmem:$0x1D000] =	vst v63  }
0xd3: {  	_ =	swait.ge [sflag:s14], $0x4000  }
0xd4: {  	[sflag:s14] =	ssyncset.done $0x0  }
0xd5: {  	[sflag:s14] =	ssyncadd.s32 $0xFFFFC000  }
0xd6: {  	[spmem:s3] =	stream.indirect.scatter.add.f32 [tilespmem:s19], [sflag:$0x3], $0x40, s26, s18, $0xb8;
	[tilespmem:$0x1D000] =	vst v63  }
0xd7: {  	_ =	swait.ge [sflag:s15], $0x4000  }
0xd8: {  	[sflag:s15] =	ssyncset.done $0x0  }
0xd9: {  	[sflag:s15] =	ssyncadd.s32 $0xFFFFC000  }
0xda: {  	[spmem:s3] =	stream.indirect.scatter.add.f32 [tilespmem:s20], [sflag:$0x4], $0x40, s28, s18, $0xb8;
	[tilespmem:$0x1D000] =	vst v63  }
0xdb: {  	_ =	swait.ge [sflag:s22], $0x4000  }
0xdc: {  	[sflag:s22] =	ssyncset.done $0x0  }
0xdd: {  	[sflag:s22] =	ssyncadd.s32 $0xFFFFC000  }
0xde: {  	[tilespmem:s19], [sflag:$0x1] =	stream.indirect.gather [spmem:s2], $0x40, s29, s18, $0xb8;
	[tilespmem:$0x1D000] =	vst v63  }
0xdf: {  	_ =	swait.ge [sflag:s24], $0x4000  }
0xe0: {  	[sflag:s24] =	ssyncset.done $0x0  }
0xe1: {  	[sflag:s24] =	ssyncadd.s32 $0xFFFFC000  }
0xe2: {  	[tilespmem:s20], [sflag:$0x2] =	stream.indirect.gather [spmem:s2], $0x40, s30, s18, $0xb8;
	[tilespmem:$0x1D000] =	vst v63  }
0xe3: {  	_ =	swait.ge [sflag:s14], $0x4000  }
0xe4: {  	[sflag:s14] =	ssyncset.done $0x0  }
0xe5: {  	[sflag:s14] =	ssyncadd.s32 $0xFFFFC000  }
0xe6: {  	[spmem:s3] =	stream.indirect.scatter.add.f32 [tilespmem:s19], [sflag:$0x3], $0x40, s31, s18, $0xb8;
	[tilespmem:$0x1D000] =	vst v63  }
0xe7: {  	_ =	swait.ge [sflag:s15], $0x4000  }
0xe8: {  	[sflag:s15] =	ssyncset.done $0x0  }
0xe9: {  	[sflag:s15] =	ssyncadd.s32 $0xFFFFC000  }
0xea: {  	[spmem:s3] =	stream.indirect.scatter.add.f32 [tilespmem:s20], [sflag:$0x4], $0x40, s0, s18, $0xb8;
	[tilespmem:$0x1D000] =	vst v63  }
0xeb: {  	_ =	swait.ge [sflag:s22], $0x4000  }
0xec: {  	[sflag:s22] =	ssyncset.done $0x0  }
0xed: {  	[sflag:s22] =	ssyncadd.s32 $0xFFFFC000  }
0xee: {  	[tilespmem:s19], [sflag:$0x1] =	stream.indirect.gather [spmem:s2], $0x40, s1, s18, $0xb8;
	[tilespmem:$0x1D000] =	vst v63  }
0xef: {  	_ =	swait.ge [sflag:s24], $0x4000  }
0xf0: {  	[sflag:s24] =	ssyncset.done $0x0  }
0xf1: {  	[sflag:s24] =	ssyncadd.s32 $0xFFFFC000  }
0xf2: {  	[tilespmem:s20], [sflag:$0x2] =	stream.indirect.gather [spmem:s2], $0x40, s7, s18, $0xb8;
	[tilespmem:$0x1D000] =	vst v63  }
0xf3: {  	_ =	swait.ge [sflag:s14], $0x4000  }
0xf4: {  	[sflag:s14] =	ssyncset.done $0x0  }
0xf5: {  	[sflag:s14] =	ssyncadd.s32 $0xFFFFC000  }
0xf6: {  	[spmem:s3] =	stream.indirect.scatter.add.f32 [tilespmem:s19], [sflag:$0x3], $0x40, s8, s18, $0xb8;
	[tilespmem:$0x1D000] =	vst v63  }
0xf7: {  	_ =	swait.ge [sflag:s15], $0x4000  }
0xf8: {  	[sflag:s15] =	ssyncset.done $0x0  }
0xf9: {  	[sflag:s15] =	ssyncadd.s32 $0xFFFFC000  }
0xfa: {  	[spmem:s3] =	stream.indirect.scatter.add.f32 [tilespmem:s20], [sflag:$0x4], $0x40, s9, s18, $0xb8;
	[tilespmem:$0x1D000] =	vst v63  }
0xfb: {  	_ =	swait.ge [sflag:s22], $0x4000  }
0xfc: {  	[sflag:s22] =	ssyncset.done $0x0  }
0xfd: {  	[sflag:s22] =	ssyncadd.s32 $0xFFFFC000  }
0xfe: {  	_ =	swait.ge [sflag:s24], $0x4000  }
0xff: {  	[sflag:s24] =	ssyncset.done $0x0  }
0x100: {  	[sflag:s24] =	ssyncadd.s32 $0xFFFFC000  }
0x101: {  	[bflag:$0x0] =	sbarrier.arrive $0xFFFF  }
0x102: {  	s6 =	rddreg [dreg:$0x7]  }
0x103: {  	s12 =	rddreg [dreg:$0xd]  }
0x104: {  	s5 =	sor.u32 $0x1C05, s6;
	s6 =	rddreg [dreg:$0x9]  }
0x105: {  	[hbm:s6], [sflag:s5] =	dma.local [spmem:s12], $0x1400  }
0x106: {  	_ =	swait.ge [sflag:s16], $0x1400  }
0x107: {  	s11 =	rddreg [dreg:$0xe]  }
0x108: {  	s13 =	rddreg [dreg:$0xa];
	s6 =	sadd.s32 $0x1, s11  }
0x109: {  	p0 =	sne.s32 s6, s13  }
.Ltmp1:
0x10a: {  	_ = 	snop;
	(pc) =	sbr.rel @p0 .LBB2_1-.Ltmp1, $3  }
0x10b: {  	_ =	sdelay $0x1  }
0x10c: {  	[sflag:s16] =	ssyncset.done $0x0  }
0x10d: {  	[sflag:s16] =	ssyncadd.s32 $0xFFFFEC00  }
0x10e: {  	_ =	sfence.sel $0x180000  }
0x10f: {  	[bflag:$0x0] =	sbarrier.arrive $0xFFFF  }
0x110: {  	_ =	strace $0x9000004A  }
0x111: {  	s0 =	stileid.u32;
	[bflag:$0x2] =	sbarrier.arrive $0xFFFF  }
0x112: {  	p0 =	sne.s32 s0, $0x0;
	s0 =	rddreg [dreg:$0x4]  }
0x113: {  	s0 =	sadd.s32 @!p0 $0x100000, s0  }
0x114: {  	[sflag:s0] =	ssyncadd.tile.s32 @!p0 $0x1;
	_ =	shalt  }
.Lfunc_end2:
_tile_overlayer_lowered:
.L_overlay_start_2:
0x115: {  	(tag) =	ssettag $0x2  }
0x116: {  	s0 =	rddreg [dreg:$0x0];
	s2 =	stileid.u32  }
0x117: {  	s1 =	rddreg [dreg:$0x1];
	p0 =	sne.s32 s2, $0x0  }
0x118: {  	s3 =	rddreg [dreg:$0x2];
	[bflag:$0x3] =	sbarrier.arrive $0xFFFF;
	s2 =	simm.s32 @!p0 $0x1C05  }
0x119: {  	[timem:s3], [sflag:s2] =	dma.local @!p0 [hbm:s0], s1  }
0x11a: {  	s0 =	simm.s32 @!p0 $0x5  }
0x11b: {  	_ =	swait.ge @!p0 [sflag:s0], s1  }
0x11c: {  	s1 =	ssub.s32 @!p0 $0x0, s1;
	[sflag:s0] =	ssyncset.done @!p0 $0x0  }
0x11d: {  	[sflag:s0] =	ssyncadd.s32 @!p0 s1  }
0x11e: {  	[bflag:$0x3] =	sbarrier.arrive $0xFFFF  }
0x11f: {  	_ =	shalt  }

// kernel: kernel.14.cloned.1.call-start
scs
__scs_entry_jumppad:
0x0: {  	(pc) =	sbr.rel $0x88, $3  }
0x1: {  	(tag) =	ssettag $0x0;
	lr =	simm.s32 $0x1  }
0x2: {  	[smem:$0x3F9B] =	sst lr;
	_ =	strace $0xD0000000  }
0x3: {  	_ = 	snop  }
0x4: {  	_ = 	snop  }
0x5: {  	_ = 	snop  }
0x6: {  	_ = 	snop  }
0x7: {  	_ = 	snop  }
__scs_overlays_trampoline_lowered:
0x8: {  	[smem:$0x3FAA] =	sst s0  }
0x9: {  	[smem:$0x3FAB] =	sst s1  }
0xa: {  	[smem:$0x3FAC] =	sst s2  }
0xb: {  	[smem:$0x3FAD] =	sst s3  }
0xc: {  	[smem:$0x3FAE] =	sst s4  }
0xd: {  	[smem:$0x3FAF] =	sst s5  }
0xe: {  	[smem:$0x3FB0] =	sst s6  }
0xf: {  	[smem:$0x3FB1] =	sst s7  }
0x10: {  	[smem:$0x3FB2] =	sst s8  }
0x11: {  	[smem:$0x3FB3] =	sst s9;
	s0 =	simm.s32 @!p0 $0x0  }
0x12: {  	s1 =	sld [smem:$0x3F99];
	s0 =	simm.s32 @p0 $0x1  }
0x13: {  	[smem:$0x3FB4] =	sst s0;
	s0 =	simm.s32 @!p1 $0x0  }
0x14: {  	s2 =	sld [smem:$0x3F98];
	s0 =	simm.s32 @p1 $0x1  }
0x15: {  	[smem:$0x3FB5] =	sst s0;
	s0 =	simm.s32 @!p2 $0x0  }
0x16: {  	s3 =	sld [smem:$0x3FDB];
	s0 =	simm.s32 @p2 $0x1  }
0x17: {  	s4 =	simm.s32 $0x1BF5;
	[smem:$0x3FB7] =	sst s0  }
0x18: {  	s0 =	sld [smem:$0x3F9A];
	_ =	swait.ge [sflag:s4], $0x0  }
0x19: {  	s7 =	sld [smem:$0x3F9B]  }
0x1a: {  	s8 =	sadd.s32 $0xFFFFE003, lr  }
0x1b: {  	s9 =	sadd.s32 $0xFFFFFEF7, lr;
	s5 =	simm.s32 $0xFFFFFFFF;
	p2 =	slt.u32 s8, $0xFFFFF086  }
0x1c: {  	p1 =	slt.u32 s9, $0xF7A;
	s5 =	simm.s32 @!p2 $0x0  }
0x1d: {  	s5 =	simm.s32 @p1 $0x1;
	p0 =	seq.s32 s7, s2  }
0x1e: {  	s7 =	smul.u32 @!p0 $0xF7A, s2;
	p2 =	seq.s32 @!p0 s5, $0x0  }
0x1f: {  	s9 =	smul.u32 $0xF7A, s1;
	s8 =	simm.s32 @!p0 $0x1BF5;
	p2 =	por !p2, p0  }
0x20: {  	[sflag:s8] =	ssyncset.s32 @!p0 $0xFFFFF086;
	s6 =	sadd.s32 @!p0 s3, s7;
	s7 =	simm.s32 @!p0 $0x108  }
0x21: {  	s3 =	sadd.s32 s3, s9;
	s6 =	sadd.s32 @!p0 $0x88, s6;
	s7 =	simm.s32 @p2 $0x1082  }
0x22: {  	[simem:s7], [sflag:s8] =	dma.local @!p0 [hbm:s6], $0xF7A  }
0x23: {  	s9 =	sor.u32 $0xD0000000, s2;
	s6 =	simm.s32 $0x108;
	_ =	swait.ge @!p0 [sflag:s8], $0x0  }
0x24: {  	s3 =	sadd.s32 $0x88, s3;
	s6 =	simm.s32 @!p1 $0x1082;
	[sflag:s4] =	ssyncset.s32 $0xFFFFF086  }
0x25: {  	[simem:s6], [sflag:s4] =	dma.local [hbm:s3], $0xF7A  }
0x26: {  	[smem:$0x3F9B] =	sst s1;
	(tag) =	ssettag s2;
	_ =	strace s9  }
0x27: {  	s1 =	sld [smem:$0x3FAB]  }
0x28: {  	s2 =	sld [smem:$0x3FAC]  }
0x29: {  	s4 =	sld [smem:$0x3FAE]  }
0x2a: {  	p0 =	seq.s32 s5, $0x0;
	s5 =	sld [smem:$0x3FAF]  }
0x2b: {  	s6 =	sld [smem:$0x3FB0]  }
0x2c: {  	s7 =	sld [smem:$0x3FB1]  }
0x2d: {  	s3 =	simm.s32 $0x108;
	s8 =	sld [smem:$0x3FB2]  }
0x2e: {  	s3 =	simm.s32 @!p0 $0x1082;
	s9 =	sld [smem:$0x3FB3]  }
0x2f: {  	lr =	sadd.s32 s0, s3;
	s0 =	sld [smem:$0x3FAA]  }
0x30: {  	s3 =	sld [smem:$0x3FAD]  }
0x31: {  	[smem:$0x3FB6] =	sst s10  }
0x32: {  	s10 =	sld [smem:$0x3FB4];
	_ =	sdelay $0x3  }
0x33: {  	p0 =	seq.s32 s10, $0x1;
	s10 =	sld [smem:$0x3FB6];
	_ =	sdelay $0x3  }
0x34: {  	[smem:$0x3FB6] =	sst s10  }
0x35: {  	s10 =	sld [smem:$0x3FB5];
	_ =	sdelay $0x3  }
0x36: {  	p1 =	seq.s32 s10, $0x1;
	s10 =	sld [smem:$0x3FB6];
	_ =	sdelay $0x3  }
0x37: {  	[smem:$0x3FB6] =	sst s10  }
0x38: {  	s10 =	sld [smem:$0x3FB7]  }
0x39: {  	_ = 	snop;
	(pc) =	sbr.ind lr, $3  }
0x3a: {  	_ = 	snop  }
0x3b: {  	_ = 	snop  }
0x3c: {  	p2 =	seq.s32 s10, $0x1;
	s10 =	sld [smem:$0x3FB6]  }
0x3d: {  	_ =	shalt  }
0x3e: {  	_ =	shalt  }
0x3f: {  	_ =	shalt  }
0x40: {  	_ =	shalt  }
0x41: {  	_ =	shalt  }
0x42: {  	_ =	shalt  }
0x43: {  	_ =	shalt  }
0x44: {  	_ =	shalt  }
0x45: {  	_ =	shalt  }
0x46: {  	_ =	shalt  }
0x47: {  	_ =	shalt  }
0x48: {  	_ =	shalt  }
0x49: {  	_ =	shalt  }
0x4a: {  	_ =	shalt  }
0x4b: {  	_ =	shalt  }
0x4c: {  	_ =	shalt  }
0x4d: {  	_ =	shalt  }
0x4e: {  	_ =	shalt  }
0x4f: {  	_ =	shalt  }
0x50: {  	_ =	shalt  }
0x51: {  	_ =	shalt  }
0x52: {  	_ =	shalt  }
0x53: {  	_ =	shalt  }
0x54: {  	_ =	shalt  }
0x55: {  	_ =	shalt  }
0x56: {  	_ =	shalt  }
0x57: {  	_ =	shalt  }
0x58: {  	_ =	shalt  }
0x59: {  	_ =	shalt  }
0x5a: {  	_ =	shalt  }
0x5b: {  	_ =	shalt  }
0x5c: {  	_ =	shalt  }
0x5d: {  	_ =	shalt  }
0x5e: {  	_ =	shalt  }
0x5f: {  	_ =	shalt  }
0x60: {  	_ =	shalt  }
0x61: {  	_ =	shalt  }
0x62: {  	_ =	shalt  }
0x63: {  	_ =	shalt  }
0x64: {  	_ =	shalt  }
0x65: {  	_ =	shalt  }
0x66: {  	_ =	shalt  }
0x67: {  	_ =	shalt  }
0x68: {  	_ =	shalt  }
0x69: {  	_ =	shalt  }
0x6a: {  	_ =	shalt  }
0x6b: {  	_ =	shalt  }
0x6c: {  	_ =	shalt  }
0x6d: {  	_ =	shalt  }
0x6e: {  	_ =	shalt  }
0x6f: {  	_ =	shalt  }
0x70: {  	_ =	shalt  }
0x71: {  	_ =	shalt  }
0x72: {  	_ =	shalt  }
0x73: {  	_ =	shalt  }
0x74: {  	_ =	shalt  }
0x75: {  	_ =	shalt  }
0x76: {  	_ =	shalt  }
0x77: {  	_ =	shalt  }
0x78: {  	_ =	shalt  }
0x79: {  	_ =	shalt  }
0x7a: {  	_ =	shalt  }
0x7b: {  	_ =	shalt  }
0x7c: {  	_ =	shalt  }
0x7d: {  	_ =	shalt  }
0x7e: {  	_ =	shalt  }
0x7f: {  	_ =	shalt  }
0x80: {  	_ =	shalt  }
0x81: {  	_ =	shalt  }
0x82: {  	_ =	shalt  }
0x83: {  	_ =	shalt  }
0x84: {  	_ =	shalt  }
0x85: {  	_ =	shalt  }
0x86: {  	_ =	shalt  }
0x87: {  	_ =	shalt  }
.Lfunc_end0:
.L_simem_size_0:
called_computation.2_lowered:
.L_overlay_start_0:
0x88: {  	s2 =	sld [smem:$0x3FD9]  }
0x89: {  	s3 =	sld [smem:$0x3FFE];
	_ =	sdelay $0x1  }
0x8a: {  	s1 =	srdreg.scid  }
0x8b: {  	s0 =	sand.u32 $0x1, s1  }
0x8c: {  	s17 =	sshll.u32 s0, $0xA;
	s2 =	sadd.s32 s3, s2  }
0x8d: {  	s2 =	sadd.s32 s2, s17  }
0x8e: {  	[smem:$0x3FC2] =	sst s2  }
0x8f: {  	_ = 	snop  }
0x90: {  	s2 =	sld [smem:$0x3FD0];
	(tm) =	ssettm $0x1  }
0x91: {  	s18 =	sld [smem:$0x3FFB];
	_ =	sdelay $0x3  }
0x92: {  	_ =	strace s18  }
0x93: {  	s3 =	sld [smem:$0x3FFC];
	_ =	sdelay $0x3  }
0x94: {  	_ =	strace s3  }
0x95: {  	s3 =	sld [smem:$0x3FFD];
	_ =	sdelay $0x3  }
0x96: {  	_ =	strace s3  }
0x97: {  	_ =	strace $0x8FFFFFFF  }
0x98: {  	s19 =	sld [smem:$0x3FDB];
	_ =	sdelay $0x1  }
0x99: {  	s4 =	simm.s32 $_scs_section_size  }
0x9a: {  	s5 =	simm.s32 $_size__tile_overlayer_lowered;
	s6 =	simm.s32 $_tile_overlayer_lowered  }
0x9b: {  	s22 =	simm.s32 $0x1BFF;
	s21 =	sshll.u32 s6, $0x1;
	s3 =	sadd.s32 s4, s19  }
0x9c: {  	s7 =	simm.s32 $0x0;
	s20 =	sshll.u32 s5, $0x1;
	s5 =	sadd.s32 s21, s3  }
0x9d: {  	[timem:s7], [sflag:s22] =	dma.local [hbm:s5], s20  }
0x9e: {  	_ =	swait.ge [sflag:s22], s20  }
0x9f: {  	s4 =	ssub.s32 $0x0, s20;
	[sflag:s22] =	ssyncset.done $0x0  }
0xa0: {  	[sflag:s22] =	ssyncadd.s32 s4;
	_ =	sdelay $0x1  }
0xa1: {  	s23 =	simm.s32 $0x1B8B  }
0xa2: {  	_ =	swait.ge [sflag:s23], $0x1  }
0xa3: {  	[sflag:s23] =	ssyncset.done $0x0  }
0xa4: {  	s25 =	simm.s32 $0x1B8E;
	s24 =	sld [smem:$0x3FFE];
	[sflag:s23] =	ssyncadd.s32 $0xFFFFFFFF  }
0xa5: {  	s26 =	simm.s32 $execute0_lowered;
	[smem:$0x3FD2] =	sst s25  }
0xa6: {  	s5 =	sshll.u32 s26, $0x1;
	_ =	strace $0x8000004C;
	[dreg:$0x1] =	wrdreg $0xFFFFFFFF  }
0xa7: {  	s28 =	simm.s32 $_size_execute0_lowered;
	s3 =	sadd.s32 s3, s5;
	[dreg:$0x0] =	wrdreg $0x0  }
0xa8: {  	s5 =	sshll.u32 s28, $0x1;
	[dreg:$0x2] =	wrdreg s3  }
0xa9: {  	[dreg:$0x3] =	wrdreg s5  }
0xaa: {  	[dreg:$0x4] =	wrdreg $0xC0  }
0xab: {  	_ =	task [dreg:s7], $0x5FFFF  }
0xac: {  	[dreg:$0x1] =	wrdreg $0xFFFFFFFF  }
0xad: {  	[dreg:$0x0] =	wrdreg $0x60  }
0xae: {  	[dreg:$0x2] =	wrdreg s24  }
0xaf: {  	[dreg:$0x3] =	wrdreg s2  }
0xb0: {  	[dreg:$0x4] =	wrdreg $0x90000  }
0xb1: {  	[dreg:$0x5] =	wrdreg $0x130000  }
0xb2: {  	[dreg:$0x6] =	wrdreg $0x9  }
0xb3: {  	_ =	task.clear_ibuf [dreg:s7], $0x7FFFF;
	_ =	strace $0x9000004C  }
0xb4: {  	s29 =	simm.s32 $0x9;
	_ =	strace $0x8000004E  }
0xb5: {  	_ =	swait.ge [sflag:s29], $0x1  }
0xb6: {  	[sflag:s29] =	ssyncadd.s32 $0xFFFFFFFF  }
0xb7: {  	_ =	strace $0x9000004E  }
0xb8: {  	_ =	sfence  }
0xb9: {  	s30 =	sld [smem:$0x0];
	_ =	sdelay $0x2  }
0xba: {  	s31 =	sshll.u32 s1, $0xD;
	s1 =	sshrl.u32 s1, $0x2  }
0xbb: {  	s3 =	sand.u32 $0x4000, s31;
	s1 =	sadd.s32 s1, s30  }
0xbc: {  	s0 =	sor.u32 s3, s0;
	s1 =	sshll.u32 s1, $0x11  }
0xbd: {  	s0 =	sor.u32 s1, s0  }
0xbe: {  	s0 =	sadd.s32 $0x8F2B, s0  }
0xbf: {  	[sflag:s0] =	ssyncadd.remote.s32 $0x1  }
0xc0: {  	_ =	sfence.sel $0xFFFF  }
0xc1: {  	[dreg:$0x0] =	wrdreg $0xFFFFFFFF;
	(pc) =	sbr.abs _section_cstart, $3  }
0xc2: {  	[dreg:$0x1] =	wrdreg $0xFFFFFFFF  }
0xc3: {  	_ =	task.clear_ibuf [dreg:s7], $0x2FFFF;
	_ =	strace $0x9FFFFFFF  }
0xc4: {  	(tm) =	ssettm $0x7FFFFFFF  }
0xc5: {  	_ =	shalt  }
tec
execute0_lowered:
.L_overlay_start_1:
0x0: {  	(tag) =	ssettag $0x1  }
0x1: {  	s0 =	rddreg [dreg:$0x0]  }
0x2: {  	s1 =	rddreg [dreg:$0x1]  }
0x3: {  	s2 =	rddreg [dreg:$0x2]  }
0x4: {  	s3 =	rddreg [dreg:$0x3]  }
0x5: {  	s13 =	stileid.u32;
	s5 =	srdreg.scid;
	s4 =	simm.s32 $0x0  }
0x6: {  	s15 =	simm.s32 $0x1;
	s16 =	simm.s32 $0x2;
	s28 =	simm.s32 $0xA00  }
0x7: {  	s29 =	simm.s32 $0xB00;
	s30 =	simm.s32 $0x400;
	s6 =	smul.u32 $0xA000, s13  }
0x8: {  	s31 =	simm.s32 $0x500;
	s5 =	sand.u32 $0x1, s5;
	s9 =	smul.u32 $0x500, s13  }
0x9: {  	[smem:$0x7FF] =	sst s4;
	s18 =	sshll.u32 s13, $0x6;
	s7 =	smul.u32 $0xA0000, s5  }
0xa: {  	_ =	strace $0x8000004D;
	s10 =	ssub.s32 $0x2, s5;
	s20 =	sor.u32 $0x1C01, s18  }
0xb: {  	p0 =	seq.s32 s5, $0x1;
	[dreg:$0x8] =	wrdreg s18;
	s26 =	sor.u32 $0x1C02, s18  }
0xc: {  	s18 =	simm.s32 $0x800;
	s8 =	sshrl.u32 s6, $0x3;
	s11 =	sadd.s32 s9, s0  }
0xd: {  	s12 =	sshrl.u32 s10, $0x1;
	s19 =	sadd.s32 s6, s2;
	[dreg:$0xa] =	wrdreg s20  }
0xe: {  	s13 =	sadd.s32 s9, s1;
	[dreg:$0xe] =	wrdreg s26;
	s20 =	simm.s32 $0x1000  }
0xf: {  	s26 =	simm.s32 $0x300;
	s1 =	simm.s32 $0xD00;
	s9 =	simm.s32 $0xE00  }
0x10: {  	s8 =	sadd.s32 s8, s0;
	s7 =	sadd.s32 s6, s7;
	s17 =	ssub.s32 s10, s12  }
0x11: {  	s6 =	sadd.s32 s6, s3;
	s21 =	sadd.s32 $0x1E00, s11;
	s22 =	sadd.s32 $0x6E00, s11  }
0x12: {  	s24 =	sadd.s32 $0x5000, s13;
	s25 =	sshrl.u32 s19, $0x3;
	s19 =	simm.s32 $0x100  }
0x13: {  	s12 =	simm.s32 $0xF00;
	s10 =	simm.s32 $0x0;
	[dreg:$0x5] =	wrdreg s21  }
0x14: {  	s11 =	smov.u32 s13;
	s7 =	sshrl.u32 s7, $0x3;
	[dreg:$0x6] =	wrdreg s22  }
0x15: {  	s8 =	sadd.s32 $0xBE00, s8;
	s23 =	smax.u32 s17, $0x1;
	[dreg:$0x7] =	wrdreg s24  }
0x16: {  	[dreg:$0xd] =	wrdreg s25;
	s14 =	sshrl.u32 s6, $0x3;
	s17 =	simm.s32 $0x5  }
.Ltmp0:
0x17: {  	s21 =	simm.s32 $0x5000;
	s22 =	simm.s32 $0x900;
	(pc) =	sbr.rel .LBB2_1-.Ltmp0, $4  }
0x18: {  	s24 =	simm.s32 $0x200;
	s25 =	simm.s32 $0x4;
	[dreg:$0x9] =	wrdreg s8  }
0x19: {  	s0 =	sadd.s32 s7, s0;
	[dreg:$0xc] =	wrdreg s23;
	s23 =	simm.s32 $0x3  }
0x1a: {  	s7 =	simm.s32 $0x600;
	[dreg:$0xf] =	wrdreg s14;
	s0 =	sadd.s32 $0x1FE00, s0  }
0x1b: {  	s8 =	simm.s32 $0x700;
	[dreg:$0xb] =	wrdreg s0;
	s0 =	simm.s32 $0xC00  }
.LBB2_7:
0x1c: {  	s6 =	sadd.s32 s5, s6;
	[sflag:s25] =	ssyncadd.s32 $0xFFFFC000  }
0x1d: {  	[tilespmem:s4], [sflag:$0x5] =	stream.linear.gather [hbm4b:s6+s4], $0x800, $0x38;
	[tilespmem:$0x1D000] =	vst v63  }
0x1e: {  	_ =	swait.ge [sflag:s17], $0x800  }
0x1f: {  	s13 =	rddreg [dreg:$0x6];
	[sflag:s17] =	ssyncset.done $0x0  }
0x20: {  	s14 =	sadd.s32 s5, s13;
	[sflag:s17] =	ssyncadd.s32 $0xFFFFF800  }
0x21: {  	[tilespmem:s18], [sflag:$0x5] =	stream.linear.gather [hbm4b:s14+s4], $0x800, $0x38;
	[tilespmem:$0x1D000] =	vst v63  }
0x22: {  	_ =	swait.ge [sflag:s17], $0x800  }
0x23: {  	[sflag:s17] =	ssyncset.done $0x0  }
0x24: {  	[sflag:s17] =	ssyncadd.s32 $0xFFFFF800  }
0x25: {  	[tilespmem:s20], [sflag:$0x1] =	stream.indirect.gather [spmem:s2], $0x40, s4, s19, $0xb8;
	[tilespmem:$0x1D000] =	vst v63  }
0x26: {  	_ = 	snop  }
0x27: {  	[tilespmem:s21], [sflag:$0x2] =	stream.indirect.gather [spmem:s2], $0x40, s19, s19, $0xb8;
	[tilespmem:$0x1D000] =	vst v63  }
0x28: {  	_ =	swait.ge [sflag:s15], $0x4000  }
0x29: {  	[sflag:s15] =	ssyncset.done $0x0  }
0x2a: {  	[sflag:s15] =	ssyncadd.s32 $0xFFFFC000  }
0x2b: {  	[spmem:s3] =	stream.indirect.scatter.add.f32 [tilespmem:s20], [sflag:$0x3], $0x40, s18, s19, $0xb8;
	[tilespmem:$0x1D000] =	vst v63  }
0x2c: {  	_ =	swait.ge [sflag:s16], $0x4000  }
0x2d: {  	[sflag:s16] =	ssyncset.done $0x0  }
0x2e: {  	[sflag:s16] =	ssyncadd.s32 $0xFFFFC000  }
0x2f: {  	[spmem:s3] =	stream.indirect.scatter.add.f32 [tilespmem:s21], [sflag:$0x4], $0x40, s22, s19, $0xb8;
	[tilespmem:$0x1D000] =	vst v63  }
0x30: {  	_ =	swait.ge [sflag:s23], $0x4000  }
0x31: {  	[sflag:s23] =	ssyncset.done $0x0  }
0x32: {  	[sflag:s23] =	ssyncadd.s32 $0xFFFFC000  }
0x33: {  	[tilespmem:s20], [sflag:$0x1] =	stream.indirect.gather [spmem:s2], $0x40, s24, s19, $0xb8;
	[tilespmem:$0x1D000] =	vst v63  }
0x34: {  	_ =	swait.ge [sflag:s25], $0x4000  }
0x35: {  	[sflag:s25] =	ssyncset.done $0x0  }
0x36: {  	[sflag:s25] =	ssyncadd.s32 $0xFFFFC000  }
0x37: {  	[tilespmem:s21], [sflag:$0x2] =	stream.indirect.gather [spmem:s2], $0x40, s26, s19, $0xb8;
	[tilespmem:$0x1D000] =	vst v63  }
0x38: {  	_ =	swait.ge [sflag:s15], $0x4000  }
0x39: {  	[sflag:s15] =	ssyncset.done $0x0  }
0x3a: {  	[sflag:s15] =	ssyncadd.s32 $0xFFFFC000  }
0x3b: {  	[spmem:s3] =	stream.indirect.scatter.add.f32 [tilespmem:s20], [sflag:$0x3], $0x40, s28, s19, $0xb8;
	[tilespmem:$0x1D000] =	vst v63  }
0x3c: {  	_ =	swait.ge [sflag:s16], $0x4000  }
0x3d: {  	[sflag:s16] =	ssyncset.done $0x0  }
0x3e: {  	[sflag:s16] =	ssyncadd.s32 $0xFFFFC000  }
0x3f: {  	[spmem:s3] =	stream.indirect.scatter.add.f32 [tilespmem:s21], [sflag:$0x4], $0x40, s29, s19, $0xb8;
	[tilespmem:$0x1D000] =	vst v63  }
0x40: {  	_ =	swait.ge [sflag:s23], $0x4000  }
0x41: {  	[sflag:s23] =	ssyncset.done $0x0  }
0x42: {  	[sflag:s23] =	ssyncadd.s32 $0xFFFFC000  }
0x43: {  	[tilespmem:s20], [sflag:$0x1] =	stream.indirect.gather [spmem:s2], $0x40, s30, s19, $0xb8;
	[tilespmem:$0x1D000] =	vst v63  }
0x44: {  	_ =	swait.ge [sflag:s25], $0x4000  }
0x45: {  	[sflag:s25] =	ssyncset.done $0x0  }
0x46: {  	[sflag:s25] =	ssyncadd.s32 $0xFFFFC000  }
0x47: {  	[tilespmem:s21], [sflag:$0x2] =	stream.indirect.gather [spmem:s2], $0x40, s31, s19, $0xb8;
	[tilespmem:$0x1D000] =	vst v63  }
0x48: {  	_ =	swait.ge [sflag:s15], $0x4000  }
0x49: {  	[sflag:s15] =	ssyncset.done $0x0  }
0x4a: {  	[sflag:s15] =	ssyncadd.s32 $0xFFFFC000  }
0x4b: {  	[spmem:s3] =	stream.indirect.scatter.add.f32 [tilespmem:s20], [sflag:$0x3], $0x40, s0, s19, $0xb8;
	[tilespmem:$0x1D000] =	vst v63  }
0x4c: {  	_ =	swait.ge [sflag:s16], $0x4000  }
0x4d: {  	[sflag:s16] =	ssyncset.done $0x0  }
0x4e: {  	[sflag:s16] =	ssyncadd.s32 $0xFFFFC000  }
0x4f: {  	[spmem:s3] =	stream.indirect.scatter.add.f32 [tilespmem:s21], [sflag:$0x4], $0x40, s1, s19, $0xb8;
	[tilespmem:$0x1D000] =	vst v63  }
0x50: {  	_ =	swait.ge [sflag:s23], $0x4000  }
0x51: {  	[sflag:s23] =	ssyncset.done $0x0  }
0x52: {  	[sflag:s23] =	ssyncadd.s32 $0xFFFFC000  }
0x53: {  	[tilespmem:s20], [sflag:$0x1] =	stream.indirect.gather [spmem:s2], $0x40, s7, s19, $0xb8;
	[tilespmem:$0x1D000] =	vst v63  }
0x54: {  	_ =	swait.ge [sflag:s25], $0x4000  }
0x55: {  	[sflag:s25] =	ssyncset.done $0x0  }
0x56: {  	[sflag:s25] =	ssyncadd.s32 $0xFFFFC000  }
0x57: {  	[tilespmem:s21], [sflag:$0x2] =	stream.indirect.gather [spmem:s2], $0x40, s8, s19, $0xb8;
	[tilespmem:$0x1D000] =	vst v63  }
0x58: {  	_ =	swait.ge [sflag:s15], $0x4000  }
0x59: {  	[sflag:s15] =	ssyncset.done $0x0  }
0x5a: {  	[sflag:s15] =	ssyncadd.s32 $0xFFFFC000  }
0x5b: {  	[spmem:s3] =	stream.indirect.scatter.add.f32 [tilespmem:s20], [sflag:$0x3], $0x40, s9, s19, $0xb8;
	[tilespmem:$0x1D000] =	vst v63  }
0x5c: {  	_ =	swait.ge [sflag:s16], $0x4000  }
0x5d: {  	[sflag:s16] =	ssyncset.done $0x0  }
0x5e: {  	[sflag:s16] =	ssyncadd.s32 $0xFFFFC000  }
0x5f: {  	[spmem:s3] =	stream.indirect.scatter.add.f32 [tilespmem:s21], [sflag:$0x4], $0x40, s12, s19, $0xb8;
	[tilespmem:$0x1D000] =	vst v63  }
0x60: {  	_ =	swait.ge [sflag:s23], $0x4000  }
0x61: {  	[sflag:s23] =	ssyncset.done $0x0  }
0x62: {  	[sflag:s23] =	ssyncadd.s32 $0xFFFFC000  }
0x63: {  	_ =	swait.ge [sflag:s25], $0x4000  }
0x64: {  	[sflag:s25] =	ssyncset.done $0x0  }
0x65: {  	s13 =	smov.u32 s11;
	s10 =	rddreg [dreg:$0x10];
	[sflag:s25] =	ssyncadd.s32 $0xFFFFC000  }
.LBB2_8:
0x66: {  	[bflag:$0x0] =	sbarrier.arrive $0xFFFF  }
0x67: {  	s5 =	rddreg [dreg:$0x8]  }
0x68: {  	s6 =	rddreg [dreg:$0xb]  }
0x69: {  	s14 =	rddreg [dreg:$0xf];
	s5 =	sor.u32 $0x1C05, s5  }
0x6a: {  	[hbm:s6], [sflag:s5] =	dma.local [spmem:s14], $0x1400  }
0x6b: {  	_ =	swait.ge [sflag:s17], $0x1400  }
0x6c: {  	s10 =	sadd.s32 $0x1, s10;
	s6 =	rddreg [dreg:$0xc]  }
0x6d: {  	p1 =	sne.s32 s10, s6  }
.Ltmp1:
0x6e: {  	_ = 	snop;
	(pc) =	sbr.rel @!p1 .LBB2_9-.Ltmp1, $3  }
0x6f: {  	_ =	sdelay $0x1  }
0x70: {  	[sflag:s17] =	ssyncset.done $0x0  }
0x71: {  	[sflag:s17] =	ssyncadd.s32 $0xFFFFEC00  }
.LBB2_1:
0x72: {  	[dreg:$0x10] =	wrdreg s10  }
0x73: {  	s5 =	rddreg [dreg:$0x9]  }
0x74: {  	s6 =	rddreg [dreg:$0xa]  }
0x75: {  	s10 =	rddreg [dreg:$0xd]  }
0x76: {  	[spmem:s10], [sflag:s6] =	dma.local [hbm:s5], $0x1400  }
0x77: {  	s6 =	rddreg [dreg:$0xe]  }
0x78: {  	[spmem:s14], [sflag:s6] =	dma.local [hbm:s5], $0x1400  }
0x79: {  	_ =	swait.ge [sflag:s15], $0x1400  }
0x7a: {  	[sflag:s15] =	ssyncset.done $0x0  }
0x7b: {  	[sflag:s15] =	ssyncadd.s32 $0xFFFFEC00  }
.Ltmp2:
0x7c: {  	_ =	swait.ge [sflag:s16], $0x1400;
	(pc) =	sbr.rel @!p0 .LBB2_2-.Ltmp2, $3  }
0x7d: {  	[sflag:s16] =	ssyncset.done $0x0  }
0x7e: {  	[sflag:s16] =	ssyncadd.s32 $0xFFFFEC00  }
0x7f: {  	[bflag:$0x0] =	sbarrier.arrive $0xFFFF;
	_ =	sdelay $0x1  }
0x80: {  	s6 =	rddreg [dreg:$0x7]  }
0x81: {  	s5 =	sadd.s32 $0x0, s6  }
0x82: {  	[tilespmem:s4], [sflag:$0x5] =	stream.linear.gather [hbm4b:s5+s4], $0x800, $0x38;
	[tilespmem:$0x1D000] =	vst v63  }
0x83: {  	_ =	swait.ge [sflag:s17], $0x800  }
0x84: {  	s14 =	rddreg [dreg:$0x6];
	[sflag:s17] =	ssyncset.done $0x0  }
0x85: {  	[sflag:s17] =	ssyncadd.s32 $0xFFFFF800;
	s5 =	sadd.s32 $0x0, s14  }
0x86: {  	[tilespmem:s18], [sflag:$0x5] =	stream.linear.gather [hbm4b:s5+s4], $0x800, $0x38;
	[tilespmem:$0x1D000] =	vst v63  }
0x87: {  	_ =	swait.ge [sflag:s17], $0x800  }
0x88: {  	[sflag:s17] =	ssyncset.done $0x0  }
0x89: {  	[sflag:s17] =	ssyncadd.s32 $0xFFFFF800  }
0x8a: {  	[tilespmem:s20], [sflag:$0x1] =	stream.indirect.gather [spmem:s2], $0x40, s4, s19, $0xb8;
	[tilespmem:$0x1D000] =	vst v63  }
0x8b: {  	_ = 	snop  }
0x8c: {  	[tilespmem:s21], [sflag:$0x2] =	stream.indirect.gather [spmem:s2], $0x40, s19, s19, $0xb8;
	[tilespmem:$0x1D000] =	vst v63  }
0x8d: {  	_ =	swait.ge [sflag:s15], $0x4000  }
0x8e: {  	[sflag:s15] =	ssyncset.done $0x0  }
0x8f: {  	[sflag:s15] =	ssyncadd.s32 $0xFFFFC000  }
0x90: {  	[spmem:s3] =	stream.indirect.scatter.add.f32 [tilespmem:s20], [sflag:$0x3], $0x40, s18, s19, $0xb8;
	[tilespmem:$0x1D000] =	vst v63  }
0x91: {  	_ =	swait.ge [sflag:s16], $0x4000  }
0x92: {  	[sflag:s16] =	ssyncset.done $0x0  }
0x93: {  	[sflag:s16] =	ssyncadd.s32 $0xFFFFC000  }
0x94: {  	[spmem:s3] =	stream.indirect.scatter.add.f32 [tilespmem:s21], [sflag:$0x4], $0x40, s22, s19, $0xb8;
	[tilespmem:$0x1D000] =	vst v63  }
0x95: {  	_ =	swait.ge [sflag:s23], $0x4000  }
0x96: {  	[sflag:s23] =	ssyncset.done $0x0  }
0x97: {  	[sflag:s23] =	ssyncadd.s32 $0xFFFFC000  }
0x98: {  	[tilespmem:s20], [sflag:$0x1] =	stream.indirect.gather [spmem:s2], $0x40, s24, s19, $0xb8;
	[tilespmem:$0x1D000] =	vst v63  }
0x99: {  	_ =	swait.ge [sflag:s25], $0x4000  }
0x9a: {  	[sflag:s25] =	ssyncset.done $0x0  }
0x9b: {  	[sflag:s25] =	ssyncadd.s32 $0xFFFFC000  }
0x9c: {  	[tilespmem:s21], [sflag:$0x2] =	stream.indirect.gather [spmem:s2], $0x40, s26, s19, $0xb8;
	[tilespmem:$0x1D000] =	vst v63  }
0x9d: {  	_ =	swait.ge [sflag:s15], $0x4000  }
0x9e: {  	[sflag:s15] =	ssyncset.done $0x0  }
0x9f: {  	[sflag:s15] =	ssyncadd.s32 $0xFFFFC000  }
0xa0: {  	[spmem:s3] =	stream.indirect.scatter.add.f32 [tilespmem:s20], [sflag:$0x3], $0x40, s28, s19, $0xb8;
	[tilespmem:$0x1D000] =	vst v63  }
0xa1: {  	_ =	swait.ge [sflag:s16], $0x4000  }
0xa2: {  	[sflag:s16] =	ssyncset.done $0x0  }
0xa3: {  	[sflag:s16] =	ssyncadd.s32 $0xFFFFC000  }
0xa4: {  	[spmem:s3] =	stream.indirect.scatter.add.f32 [tilespmem:s21], [sflag:$0x4], $0x40, s29, s19, $0xb8;
	[tilespmem:$0x1D000] =	vst v63  }
0xa5: {  	_ =	swait.ge [sflag:s23], $0x4000  }
0xa6: {  	[sflag:s23] =	ssyncset.done $0x0  }
0xa7: {  	[sflag:s23] =	ssyncadd.s32 $0xFFFFC000  }
0xa8: {  	[tilespmem:s20], [sflag:$0x1] =	stream.indirect.gather [spmem:s2], $0x40, s30, s19, $0xb8;
	[tilespmem:$0x1D000] =	vst v63  }
0xa9: {  	_ =	swait.ge [sflag:s25], $0x4000  }
0xaa: {  	[sflag:s25] =	ssyncset.done $0x0  }
0xab: {  	[sflag:s25] =	ssyncadd.s32 $0xFFFFC000  }
0xac: {  	[tilespmem:s21], [sflag:$0x2] =	stream.indirect.gather [spmem:s2], $0x40, s31, s19, $0xb8;
	[tilespmem:$0x1D000] =	vst v63  }
0xad: {  	_ =	swait.ge [sflag:s15], $0x4000  }
0xae: {  	[sflag:s15] =	ssyncset.done $0x0  }
0xaf: {  	[sflag:s15] =	ssyncadd.s32 $0xFFFFC000  }
0xb0: {  	[spmem:s3] =	stream.indirect.scatter.add.f32 [tilespmem:s20], [sflag:$0x3], $0x40, s0, s19, $0xb8;
	[tilespmem:$0x1D000] =	vst v63  }
0xb1: {  	_ =	swait.ge [sflag:s16], $0x4000  }
0xb2: {  	[sflag:s16] =	ssyncset.done $0x0  }
0xb3: {  	[sflag:s16] =	ssyncadd.s32 $0xFFFFC000  }
0xb4: {  	[spmem:s3] =	stream.indirect.scatter.add.f32 [tilespmem:s21], [sflag:$0x4], $0x40, s1, s19, $0xb8;
	[tilespmem:$0x1D000] =	vst v63  }
0xb5: {  	_ =	swait.ge [sflag:s23], $0x4000  }
0xb6: {  	[sflag:s23] =	ssyncset.done $0x0  }
0xb7: {  	[sflag:s23] =	ssyncadd.s32 $0xFFFFC000  }
0xb8: {  	[tilespmem:s20], [sflag:$0x1] =	stream.indirect.gather [spmem:s2], $0x40, s7, s19, $0xb8;
	[tilespmem:$0x1D000] =	vst v63  }
0xb9: {  	_ =	swait.ge [sflag:s25], $0x4000  }
0xba: {  	[sflag:s25] =	ssyncset.done $0x0  }
0xbb: {  	[sflag:s25] =	ssyncadd.s32 $0xFFFFC000  }
0xbc: {  	[tilespmem:s21], [sflag:$0x2] =	stream.indirect.gather [spmem:s2], $0x40, s8, s19, $0xb8;
	[tilespmem:$0x1D000] =	vst v63  }
0xbd: {  	_ =	swait.ge [sflag:s15], $0x4000  }
0xbe: {  	[sflag:s15] =	ssyncset.done $0x0  }
0xbf: {  	[sflag:s15] =	ssyncadd.s32 $0xFFFFC000  }
0xc0: {  	[spmem:s3] =	stream.indirect.scatter.add.f32 [tilespmem:s20], [sflag:$0x3], $0x40, s9, s19, $0xb8;
	[tilespmem:$0x1D000] =	vst v63  }
0xc1: {  	_ =	swait.ge [sflag:s16], $0x4000  }
0xc2: {  	[sflag:s16] =	ssyncset.done $0x0  }
0xc3: {  	[sflag:s16] =	ssyncadd.s32 $0xFFFFC000  }
0xc4: {  	[spmem:s3] =	stream.indirect.scatter.add.f32 [tilespmem:s21], [sflag:$0x4], $0x40, s12, s19, $0xb8;
	[tilespmem:$0x1D000] =	vst v63  }
0xc5: {  	_ =	swait.ge [sflag:s23], $0x4000  }
0xc6: {  	[sflag:s23] =	ssyncset.done $0x0  }
0xc7: {  	[sflag:s23] =	ssyncadd.s32 $0xFFFFC000  }
0xc8: {  	_ =	swait.ge [sflag:s25], $0x4000  }
0xc9: {  	s14 =	simm.s32 $0x200;
	s5 =	simm.s32 $0x100;
	[sflag:s25] =	ssyncset.done $0x0  }
.LBB2_6:
0xca: {  	s10 =	sadd.s32 s5, s6;
	[sflag:s25] =	ssyncadd.s32 $0xFFFFC000  }
0xcb: {  	[tilespmem:s4], [sflag:$0x5] =	stream.linear.gather [hbm4b:s10+s4], $0x800, $0x38;
	[tilespmem:$0x1D000] =	vst v63  }
0xcc: {  	s13 =	smov.u32 s14;
	s6 =	sadd.s32 $0x100, s14;
	_ =	swait.ge [sflag:s17], $0x800  }
0xcd: {  	p1 =	sne.s32 s14, $0x400;
	s14 =	rddreg [dreg:$0x6];
	[sflag:s17] =	ssyncset.done $0x0  }
0xce: {  	[sflag:s17] =	ssyncadd.s32 $0xFFFFF800;
	s10 =	sadd.s32 s5, s14  }
0xcf: {  	[tilespmem:s18], [sflag:$0x5] =	stream.linear.gather [hbm4b:s10+s4], $0x800, $0x38;
	[tilespmem:$0x1D000] =	vst v63  }
0xd0: {  	_ =	swait.ge [sflag:s17], $0x800  }
0xd1: {  	[sflag:s17] =	ssyncset.done $0x0  }
0xd2: {  	[sflag:s17] =	ssyncadd.s32 $0xFFFFF800  }
0xd3: {  	[tilespmem:s20], [sflag:$0x1] =	stream.indirect.gather [spmem:s2], $0x40, s4, s19, $0xb8;
	[tilespmem:$0x1D000] =	vst v63  }
0xd4: {  	_ = 	snop  }
0xd5: {  	[tilespmem:s21], [sflag:$0x2] =	stream.indirect.gather [spmem:s2], $0x40, s19, s19, $0xb8;
	[tilespmem:$0x1D000] =	vst v63  }
0xd6: {  	_ =	swait.ge [sflag:s15], $0x4000  }
0xd7: {  	[sflag:s15] =	ssyncset.done $0x0  }
0xd8: {  	[sflag:s15] =	ssyncadd.s32 $0xFFFFC000  }
0xd9: {  	[spmem:s3] =	stream.indirect.scatter.add.f32 [tilespmem:s20], [sflag:$0x3], $0x40, s18, s19, $0xb8;
	[tilespmem:$0x1D000] =	vst v63  }
0xda: {  	_ =	swait.ge [sflag:s16], $0x4000  }
0xdb: {  	[sflag:s16] =	ssyncset.done $0x0  }
0xdc: {  	[sflag:s16] =	ssyncadd.s32 $0xFFFFC000  }
0xdd: {  	[spmem:s3] =	stream.indirect.scatter.add.f32 [tilespmem:s21], [sflag:$0x4], $0x40, s22, s19, $0xb8;
	[tilespmem:$0x1D000] =	vst v63  }
0xde: {  	_ =	swait.ge [sflag:s23], $0x4000  }
0xdf: {  	[sflag:s23] =	ssyncset.done $0x0  }
0xe0: {  	[sflag:s23] =	ssyncadd.s32 $0xFFFFC000  }
0xe1: {  	[tilespmem:s20], [sflag:$0x1] =	stream.indirect.gather [spmem:s2], $0x40, s24, s19, $0xb8;
	[tilespmem:$0x1D000] =	vst v63  }
0xe2: {  	_ =	swait.ge [sflag:s25], $0x4000  }
0xe3: {  	[sflag:s25] =	ssyncset.done $0x0  }
0xe4: {  	[sflag:s25] =	ssyncadd.s32 $0xFFFFC000  }
0xe5: {  	[tilespmem:s21], [sflag:$0x2] =	stream.indirect.gather [spmem:s2], $0x40, s26, s19, $0xb8;
	[tilespmem:$0x1D000] =	vst v63  }
0xe6: {  	_ =	swait.ge [sflag:s15], $0x4000  }
0xe7: {  	[sflag:s15] =	ssyncset.done $0x0  }
0xe8: {  	[sflag:s15] =	ssyncadd.s32 $0xFFFFC000  }
0xe9: {  	[spmem:s3] =	stream.indirect.scatter.add.f32 [tilespmem:s20], [sflag:$0x3], $0x40, s28, s19, $0xb8;
	[tilespmem:$0x1D000] =	vst v63  }
0xea: {  	_ =	swait.ge [sflag:s16], $0x4000  }
0xeb: {  	[sflag:s16] =	ssyncset.done $0x0  }
0xec: {  	[sflag:s16] =	ssyncadd.s32 $0xFFFFC000  }
0xed: {  	[spmem:s3] =	stream.indirect.scatter.add.f32 [tilespmem:s21], [sflag:$0x4], $0x40, s29, s19, $0xb8;
	[tilespmem:$0x1D000] =	vst v63  }
0xee: {  	_ =	swait.ge [sflag:s23], $0x4000  }
0xef: {  	[sflag:s23] =	ssyncset.done $0x0  }
0xf0: {  	[sflag:s23] =	ssyncadd.s32 $0xFFFFC000  }
0xf1: {  	[tilespmem:s20], [sflag:$0x1] =	stream.indirect.gather [spmem:s2], $0x40, s30, s19, $0xb8;
	[tilespmem:$0x1D000] =	vst v63  }
0xf2: {  	_ =	swait.ge [sflag:s25], $0x4000  }
0xf3: {  	[sflag:s25] =	ssyncset.done $0x0  }
0xf4: {  	[sflag:s25] =	ssyncadd.s32 $0xFFFFC000  }
0xf5: {  	[tilespmem:s21], [sflag:$0x2] =	stream.indirect.gather [spmem:s2], $0x40, s31, s19, $0xb8;
	[tilespmem:$0x1D000] =	vst v63  }
0xf6: {  	_ =	swait.ge [sflag:s15], $0x4000  }
0xf7: {  	[sflag:s15] =	ssyncset.done $0x0  }
0xf8: {  	[sflag:s15] =	ssyncadd.s32 $0xFFFFC000  }
0xf9: {  	[spmem:s3] =	stream.indirect.scatter.add.f32 [tilespmem:s20], [sflag:$0x3], $0x40, s0, s19, $0xb8;
	[tilespmem:$0x1D000] =	vst v63  }
0xfa: {  	_ =	swait.ge [sflag:s16], $0x4000  }
0xfb: {  	[sflag:s16] =	ssyncset.done $0x0  }
0xfc: {  	[sflag:s16] =	ssyncadd.s32 $0xFFFFC000  }
0xfd: {  	[spmem:s3] =	stream.indirect.scatter.add.f32 [tilespmem:s21], [sflag:$0x4], $0x40, s1, s19, $0xb8;
	[tilespmem:$0x1D000] =	vst v63  }
0xfe: {  	_ =	swait.ge [sflag:s23], $0x4000  }
0xff: {  	[sflag:s23] =	ssyncset.done $0x0  }
0x100: {  	[sflag:s23] =	ssyncadd.s32 $0xFFFFC000  }
0x101: {  	[tilespmem:s20], [sflag:$0x1] =	stream.indirect.gather [spmem:s2], $0x40, s7, s19, $0xb8;
	[tilespmem:$0x1D000] =	vst v63  }
0x102: {  	_ =	swait.ge [sflag:s25], $0x4000  }
0x103: {  	[sflag:s25] =	ssyncset.done $0x0  }
0x104: {  	[sflag:s25] =	ssyncadd.s32 $0xFFFFC000  }
0x105: {  	[tilespmem:s21], [sflag:$0x2] =	stream.indirect.gather [spmem:s2], $0x40, s8, s19, $0xb8;
	[tilespmem:$0x1D000] =	vst v63  }
0x106: {  	_ =	swait.ge [sflag:s15], $0x4000  }
0x107: {  	[sflag:s15] =	ssyncset.done $0x0  }
0x108: {  	[sflag:s15] =	ssyncadd.s32 $0xFFFFC000  }
0x109: {  	[spmem:s3] =	stream.indirect.scatter.add.f32 [tilespmem:s20], [sflag:$0x3], $0x40, s9, s19, $0xb8;
	[tilespmem:$0x1D000] =	vst v63  }
0x10a: {  	_ =	swait.ge [sflag:s16], $0x4000  }
0x10b: {  	[sflag:s16] =	ssyncset.done $0x0  }
0x10c: {  	[sflag:s16] =	ssyncadd.s32 $0xFFFFC000  }
0x10d: {  	[spmem:s3] =	stream.indirect.scatter.add.f32 [tilespmem:s21], [sflag:$0x4], $0x40, s12, s19, $0xb8;
	[tilespmem:$0x1D000] =	vst v63  }
.Ltmp3:
0x10e: {  	_ =	swait.ge [sflag:s23], $0x4000;
	(pc) =	sbr.rel @p1 .LBB2_6-.Ltmp3, $4  }
0x10f: {  	[sflag:s23] =	ssyncset.done $0x0  }
0x110: {  	[sflag:s23] =	ssyncadd.s32 $0xFFFFC000  }
0x111: {  	s5 =	smov.u32 s13;
	_ =	swait.ge [sflag:s25], $0x4000  }
0x112: {  	s14 =	smov.u32 s6;
	[sflag:s25] =	ssyncset.done $0x0;
	s6 =	rddreg [dreg:$0x7]  }
.Ltmp4:
0x113: {  	_ = 	snop;
	(pc) =	sbr.rel .LBB2_7-.Ltmp4, $1  }
0x114: {  	_ =	sdelay $0x3  }
.LBB2_2:
0x115: {  	s5 =	sadd.s32 $0x0, s13  }
0x116: {  	[tilespmem:s4], [sflag:$0x5] =	stream.linear.gather [hbm4b:s5+s4], $0x800, $0x38;
	[tilespmem:$0x1D000] =	vst v63  }
0x117: {  	_ =	swait.ge [sflag:s17], $0x800  }
0x118: {  	s14 =	rddreg [dreg:$0x5];
	[sflag:s17] =	ssyncset.done $0x0  }
0x119: {  	[sflag:s17] =	ssyncadd.s32 $0xFFFFF800;
	s5 =	sadd.s32 $0x0, s14  }
0x11a: {  	[tilespmem:s18], [sflag:$0x5] =	stream.linear.gather [hbm4b:s5+s4], $0x800, $0x38;
	[tilespmem:$0x1D000] =	vst v63  }
0x11b: {  	_ =	swait.ge [sflag:s17], $0x800  }
0x11c: {  	[sflag:s17] =	ssyncset.done $0x0  }
0x11d: {  	[sflag:s17] =	ssyncadd.s32 $0xFFFFF800  }
0x11e: {  	[tilespmem:s20], [sflag:$0x1] =	stream.indirect.gather [spmem:s2], $0x40, s4, s19, $0xb8;
	[tilespmem:$0x1D000] =	vst v63  }
0x11f: {  	_ = 	snop  }
0x120: {  	[tilespmem:s21], [sflag:$0x2] =	stream.indirect.gather [spmem:s2], $0x40, s19, s19, $0xb8;
	[tilespmem:$0x1D000] =	vst v63  }
0x121: {  	_ =	swait.ge [sflag:s15], $0x4000  }
0x122: {  	[sflag:s15] =	ssyncset.done $0x0  }
0x123: {  	[sflag:s15] =	ssyncadd.s32 $0xFFFFC000  }
0x124: {  	[spmem:s3] =	stream.indirect.scatter.add.f32 [tilespmem:s20], [sflag:$0x3], $0x40, s18, s19, $0xb8;
	[tilespmem:$0x1D000] =	vst v63  }
0x125: {  	_ =	swait.ge [sflag:s16], $0x4000  }
0x126: {  	[sflag:s16] =	ssyncset.done $0x0  }
0x127: {  	[sflag:s16] =	ssyncadd.s32 $0xFFFFC000  }
0x128: {  	[spmem:s3] =	stream.indirect.scatter.add.f32 [tilespmem:s21], [sflag:$0x4], $0x40, s22, s19, $0xb8;
	[tilespmem:$0x1D000] =	vst v63  }
0x129: {  	_ =	swait.ge [sflag:s23], $0x4000  }
0x12a: {  	[sflag:s23] =	ssyncset.done $0x0  }
0x12b: {  	[sflag:s23] =	ssyncadd.s32 $0xFFFFC000  }
0x12c: {  	[tilespmem:s20], [sflag:$0x1] =	stream.indirect.gather [spmem:s2], $0x40, s24, s19, $0xb8;
	[tilespmem:$0x1D000] =	vst v63  }
0x12d: {  	_ =	swait.ge [sflag:s25], $0x4000  }
0x12e: {  	[sflag:s25] =	ssyncset.done $0x0  }
0x12f: {  	[sflag:s25] =	ssyncadd.s32 $0xFFFFC000  }
0x130: {  	[tilespmem:s21], [sflag:$0x2] =	stream.indirect.gather [spmem:s2], $0x40, s26, s19, $0xb8;
	[tilespmem:$0x1D000] =	vst v63  }
0x131: {  	_ =	swait.ge [sflag:s15], $0x4000  }
0x132: {  	[sflag:s15] =	ssyncset.done $0x0  }
0x133: {  	[sflag:s15] =	ssyncadd.s32 $0xFFFFC000  }
0x134: {  	[spmem:s3] =	stream.indirect.scatter.add.f32 [tilespmem:s20], [sflag:$0x3], $0x40, s28, s19, $0xb8;
	[tilespmem:$0x1D000] =	vst v63  }
0x135: {  	_ =	swait.ge [sflag:s16], $0x4000  }
0x136: {  	[sflag:s16] =	ssyncset.done $0x0  }
0x137: {  	[sflag:s16] =	ssyncadd.s32 $0xFFFFC000  }
0x138: {  	[spmem:s3] =	stream.indirect.scatter.add.f32 [tilespmem:s21], [sflag:$0x4], $0x40, s29, s19, $0xb8;
	[tilespmem:$0x1D000] =	vst v63  }
0x139: {  	_ =	swait.ge [sflag:s23], $0x4000  }
0x13a: {  	[sflag:s23] =	ssyncset.done $0x0  }
0x13b: {  	[sflag:s23] =	ssyncadd.s32 $0xFFFFC000  }
0x13c: {  	[tilespmem:s20], [sflag:$0x1] =	stream.indirect.gather [spmem:s2], $0x40, s30, s19, $0xb8;
	[tilespmem:$0x1D000] =	vst v63  }
0x13d: {  	_ =	swait.ge [sflag:s25], $0x4000  }
0x13e: {  	[sflag:s25] =	ssyncset.done $0x0  }
0x13f: {  	[sflag:s25] =	ssyncadd.s32 $0xFFFFC000  }
0x140: {  	[tilespmem:s21], [sflag:$0x2] =	stream.indirect.gather [spmem:s2], $0x40, s31, s19, $0xb8;
	[tilespmem:$0x1D000] =	vst v63  }
0x141: {  	_ =	swait.ge [sflag:s15], $0x4000  }
0x142: {  	[sflag:s15] =	ssyncset.done $0x0  }
0x143: {  	[sflag:s15] =	ssyncadd.s32 $0xFFFFC000  }
0x144: {  	[spmem:s3] =	stream.indirect.scatter.add.f32 [tilespmem:s20], [sflag:$0x3], $0x40, s0, s19, $0xb8;
	[tilespmem:$0x1D000] =	vst v63  }
0x145: {  	_ =	swait.ge [sflag:s16], $0x4000  }
0x146: {  	[sflag:s16] =	ssyncset.done $0x0  }
0x147: {  	[sflag:s16] =	ssyncadd.s32 $0xFFFFC000  }
0x148: {  	[spmem:s3] =	stream.indirect.scatter.add.f32 [tilespmem:s21], [sflag:$0x4], $0x40, s1, s19, $0xb8;
	[tilespmem:$0x1D000] =	vst v63  }
0x149: {  	_ =	swait.ge [sflag:s23], $0x4000  }
0x14a: {  	[sflag:s23] =	ssyncset.done $0x0  }
0x14b: {  	[sflag:s23] =	ssyncadd.s32 $0xFFFFC000  }
0x14c: {  	[tilespmem:s20], [sflag:$0x1] =	stream.indirect.gather [spmem:s2], $0x40, s7, s19, $0xb8;
	[tilespmem:$0x1D000] =	vst v63  }
0x14d: {  	_ =	swait.ge [sflag:s25], $0x4000  }
0x14e: {  	[sflag:s25] =	ssyncset.done $0x0  }
0x14f: {  	[sflag:s25] =	ssyncadd.s32 $0xFFFFC000  }
0x150: {  	[tilespmem:s21], [sflag:$0x2] =	stream.indirect.gather [spmem:s2], $0x40, s8, s19, $0xb8;
	[tilespmem:$0x1D000] =	vst v63  }
0x151: {  	_ =	swait.ge [sflag:s15], $0x4000  }
0x152: {  	[sflag:s15] =	ssyncset.done $0x0  }
0x153: {  	[sflag:s15] =	ssyncadd.s32 $0xFFFFC000  }
0x154: {  	[spmem:s3] =	stream.indirect.scatter.add.f32 [tilespmem:s20], [sflag:$0x3], $0x40, s9, s19, $0xb8;
	[tilespmem:$0x1D000] =	vst v63  }
0x155: {  	_ =	swait.ge [sflag:s16], $0x4000  }
0x156: {  	[sflag:s16] =	ssyncset.done $0x0  }
0x157: {  	[sflag:s16] =	ssyncadd.s32 $0xFFFFC000  }
0x158: {  	[spmem:s3] =	stream.indirect.scatter.add.f32 [tilespmem:s21], [sflag:$0x4], $0x40, s12, s19, $0xb8;
	[tilespmem:$0x1D000] =	vst v63  }
0x159: {  	_ =	swait.ge [sflag:s23], $0x4000  }
0x15a: {  	[sflag:s23] =	ssyncset.done $0x0  }
0x15b: {  	[sflag:s23] =	ssyncadd.s32 $0xFFFFC000  }
0x15c: {  	_ =	swait.ge [sflag:s25], $0x4000  }
0x15d: {  	s6 =	simm.s32 $0x200;
	s5 =	simm.s32 $0x100;
	[sflag:s25] =	ssyncset.done $0x0  }
.LBB2_3:
0x15e: {  	s13 =	sadd.s32 s5, s11;
	[sflag:s25] =	ssyncadd.s32 $0xFFFFC000  }
0x15f: {  	[tilespmem:s4], [sflag:$0x5] =	stream.linear.gather [hbm4b:s13+s4], $0x800, $0x38;
	[tilespmem:$0x1D000] =	vst v63  }
0x160: {  	s10 =	smov.u32 s6;
	_ =	swait.ge [sflag:s17], $0x800  }
0x161: {  	s14 =	sadd.s32 $0x100, s6;
	s13 =	rddreg [dreg:$0x5];
	[sflag:s17] =	ssyncset.done $0x0  }
0x162: {  	p1 =	seq.s32 s6, $0x400;
	[sflag:s17] =	ssyncadd.s32 $0xFFFFF800;
	s6 =	sadd.s32 s5, s13  }
0x163: {  	[tilespmem:s18], [sflag:$0x5] =	stream.linear.gather [hbm4b:s6+s4], $0x800, $0x38;
	[tilespmem:$0x1D000] =	vst v63  }
0x164: {  	_ =	swait.ge [sflag:s17], $0x800  }
0x165: {  	[sflag:s17] =	ssyncset.done $0x0  }
0x166: {  	[sflag:s17] =	ssyncadd.s32 $0xFFFFF800  }
0x167: {  	[tilespmem:s20], [sflag:$0x1] =	stream.indirect.gather [spmem:s2], $0x40, s4, s19, $0xb8;
	[tilespmem:$0x1D000] =	vst v63  }
0x168: {  	_ = 	snop  }
0x169: {  	[tilespmem:s21], [sflag:$0x2] =	stream.indirect.gather [spmem:s2], $0x40, s19, s19, $0xb8;
	[tilespmem:$0x1D000] =	vst v63  }
0x16a: {  	_ =	swait.ge [sflag:s15], $0x4000  }
0x16b: {  	[sflag:s15] =	ssyncset.done $0x0  }
0x16c: {  	[sflag:s15] =	ssyncadd.s32 $0xFFFFC000  }
0x16d: {  	[spmem:s3] =	stream.indirect.scatter.add.f32 [tilespmem:s20], [sflag:$0x3], $0x40, s18, s19, $0xb8;
	[tilespmem:$0x1D000] =	vst v63  }
0x16e: {  	_ =	swait.ge [sflag:s16], $0x4000  }
0x16f: {  	[sflag:s16] =	ssyncset.done $0x0  }
0x170: {  	[sflag:s16] =	ssyncadd.s32 $0xFFFFC000  }
0x171: {  	[spmem:s3] =	stream.indirect.scatter.add.f32 [tilespmem:s21], [sflag:$0x4], $0x40, s22, s19, $0xb8;
	[tilespmem:$0x1D000] =	vst v63  }
0x172: {  	_ =	swait.ge [sflag:s23], $0x4000  }
0x173: {  	[sflag:s23] =	ssyncset.done $0x0  }
0x174: {  	[sflag:s23] =	ssyncadd.s32 $0xFFFFC000  }
0x175: {  	[tilespmem:s20], [sflag:$0x1] =	stream.indirect.gather [spmem:s2], $0x40, s24, s19, $0xb8;
	[tilespmem:$0x1D000] =	vst v63  }
0x176: {  	_ =	swait.ge [sflag:s25], $0x4000  }
0x177: {  	[sflag:s25] =	ssyncset.done $0x0  }
0x178: {  	[sflag:s25] =	ssyncadd.s32 $0xFFFFC000  }
0x179: {  	[tilespmem:s21], [sflag:$0x2] =	stream.indirect.gather [spmem:s2], $0x40, s26, s19, $0xb8;
	[tilespmem:$0x1D000] =	vst v63  }
0x17a: {  	_ =	swait.ge [sflag:s15], $0x4000  }
0x17b: {  	[sflag:s15] =	ssyncset.done $0x0  }
0x17c: {  	[sflag:s15] =	ssyncadd.s32 $0xFFFFC000  }
0x17d: {  	[spmem:s3] =	stream.indirect.scatter.add.f32 [tilespmem:s20], [sflag:$0x3], $0x40, s28, s19, $0xb8;
	[tilespmem:$0x1D000] =	vst v63  }
0x17e: {  	_ =	swait.ge [sflag:s16], $0x4000  }
0x17f: {  	[sflag:s16] =	ssyncset.done $0x0  }
0x180: {  	[sflag:s16] =	ssyncadd.s32 $0xFFFFC000  }
0x181: {  	[spmem:s3] =	stream.indirect.scatter.add.f32 [tilespmem:s21], [sflag:$0x4], $0x40, s29, s19, $0xb8;
	[tilespmem:$0x1D000] =	vst v63  }
0x182: {  	_ =	swait.ge [sflag:s23], $0x4000  }
0x183: {  	[sflag:s23] =	ssyncset.done $0x0  }
0x184: {  	[sflag:s23] =	ssyncadd.s32 $0xFFFFC000  }
0x185: {  	[tilespmem:s20], [sflag:$0x1] =	stream.indirect.gather [spmem:s2], $0x40, s30, s19, $0xb8;
	[tilespmem:$0x1D000] =	vst v63  }
0x186: {  	_ =	swait.ge [sflag:s25], $0x4000  }
0x187: {  	[sflag:s25] =	ssyncset.done $0x0  }
0x188: {  	[sflag:s25] =	ssyncadd.s32 $0xFFFFC000  }
0x189: {  	[tilespmem:s21], [sflag:$0x2] =	stream.indirect.gather [spmem:s2], $0x40, s31, s19, $0xb8;
	[tilespmem:$0x1D000] =	vst v63  }
0x18a: {  	_ =	swait.ge [sflag:s15], $0x4000  }
0x18b: {  	[sflag:s15] =	ssyncset.done $0x0  }
0x18c: {  	[sflag:s15] =	ssyncadd.s32 $0xFFFFC000  }
0x18d: {  	[spmem:s3] =	stream.indirect.scatter.add.f32 [tilespmem:s20], [sflag:$0x3], $0x40, s0, s19, $0xb8;
	[tilespmem:$0x1D000] =	vst v63  }
0x18e: {  	_ =	swait.ge [sflag:s16], $0x4000  }
0x18f: {  	[sflag:s16] =	ssyncset.done $0x0  }
0x190: {  	[sflag:s16] =	ssyncadd.s32 $0xFFFFC000  }
0x191: {  	[spmem:s3] =	stream.indirect.scatter.add.f32 [tilespmem:s21], [sflag:$0x4], $0x40, s1, s19, $0xb8;
	[tilespmem:$0x1D000] =	vst v63  }
0x192: {  	_ =	swait.ge [sflag:s23], $0x4000  }
0x193: {  	[sflag:s23] =	ssyncset.done $0x0  }
0x194: {  	[sflag:s23] =	ssyncadd.s32 $0xFFFFC000  }
0x195: {  	[tilespmem:s20], [sflag:$0x1] =	stream.indirect.gather [spmem:s2], $0x40, s7, s19, $0xb8;
	[tilespmem:$0x1D000] =	vst v63  }
0x196: {  	_ =	swait.ge [sflag:s25], $0x4000  }
0x197: {  	[sflag:s25] =	ssyncset.done $0x0  }
0x198: {  	[sflag:s25] =	ssyncadd.s32 $0xFFFFC000  }
0x199: {  	[tilespmem:s21], [sflag:$0x2] =	stream.indirect.gather [spmem:s2], $0x40, s8, s19, $0xb8;
	[tilespmem:$0x1D000] =	vst v63  }
0x19a: {  	_ =	swait.ge [sflag:s15], $0x4000  }
0x19b: {  	[sflag:s15] =	ssyncset.done $0x0  }
0x19c: {  	[sflag:s15] =	ssyncadd.s32 $0xFFFFC000  }
0x19d: {  	[spmem:s3] =	stream.indirect.scatter.add.f32 [tilespmem:s20], [sflag:$0x3], $0x40, s9, s19, $0xb8;
	[tilespmem:$0x1D000] =	vst v63  }
0x19e: {  	_ =	swait.ge [sflag:s16], $0x4000  }
0x19f: {  	[sflag:s16] =	ssyncset.done $0x0  }
0x1a0: {  	[sflag:s16] =	ssyncadd.s32 $0xFFFFC000  }
0x1a1: {  	[spmem:s3] =	stream.indirect.scatter.add.f32 [tilespmem:s21], [sflag:$0x4], $0x40, s12, s19, $0xb8;
	[tilespmem:$0x1D000] =	vst v63  }
.Ltmp5:
0x1a2: {  	_ =	swait.ge [sflag:s23], $0x4000;
	(pc) =	sbr.rel @!p1 .LBB2_3-.Ltmp5, $4  }
0x1a3: {  	[sflag:s23] =	ssyncset.done $0x0  }
0x1a4: {  	[sflag:s23] =	ssyncadd.s32 $0xFFFFC000  }
0x1a5: {  	_ =	swait.ge [sflag:s25], $0x4000  }
0x1a6: {  	s5 =	smov.u32 s10;
	s6 =	smov.u32 s14;
	[sflag:s25] =	ssyncset.done $0x0  }
0x1a7: {  	s6 =	sadd.s32 s5, s11;
	[sflag:s25] =	ssyncadd.s32 $0xFFFFC000  }
0x1a8: {  	[tilespmem:s4], [sflag:$0x5] =	stream.linear.gather [hbm4b:s6+s4], $0x800, $0x38;
	[tilespmem:$0x1D000] =	vst v63  }
0x1a9: {  	_ =	swait.ge [sflag:s17], $0x800  }
0x1aa: {  	s10 =	rddreg [dreg:$0x5];
	[sflag:s17] =	ssyncset.done $0x0  }
0x1ab: {  	s14 =	sadd.s32 s5, s10;
	[sflag:s17] =	ssyncadd.s32 $0xFFFFF800  }
0x1ac: {  	[tilespmem:s18], [sflag:$0x5] =	stream.linear.gather [hbm4b:s14+s4], $0x800, $0x38;
	[tilespmem:$0x1D000] =	vst v63  }
0x1ad: {  	_ =	swait.ge [sflag:s17], $0x800  }
0x1ae: {  	[sflag:s17] =	ssyncset.done $0x0  }
0x1af: {  	[sflag:s17] =	ssyncadd.s32 $0xFFFFF800  }
0x1b0: {  	[tilespmem:s20], [sflag:$0x1] =	stream.indirect.gather [spmem:s2], $0x40, s4, s19, $0xb8;
	[tilespmem:$0x1D000] =	vst v63  }
0x1b1: {  	_ = 	snop  }
0x1b2: {  	[tilespmem:s21], [sflag:$0x2] =	stream.indirect.gather [spmem:s2], $0x40, s19, s19, $0xb8;
	[tilespmem:$0x1D000] =	vst v63  }
0x1b3: {  	_ =	swait.ge [sflag:s15], $0x4000  }
0x1b4: {  	[sflag:s15] =	ssyncset.done $0x0  }
0x1b5: {  	[sflag:s15] =	ssyncadd.s32 $0xFFFFC000  }
0x1b6: {  	[spmem:s3] =	stream.indirect.scatter.add.f32 [tilespmem:s20], [sflag:$0x3], $0x40, s18, s19, $0xb8;
	[tilespmem:$0x1D000] =	vst v63  }
0x1b7: {  	_ =	swait.ge [sflag:s16], $0x4000  }
0x1b8: {  	[sflag:s16] =	ssyncset.done $0x0  }
0x1b9: {  	[sflag:s16] =	ssyncadd.s32 $0xFFFFC000  }
0x1ba: {  	[spmem:s3] =	stream.indirect.scatter.add.f32 [tilespmem:s21], [sflag:$0x4], $0x40, s22, s19, $0xb8;
	[tilespmem:$0x1D000] =	vst v63  }
0x1bb: {  	_ =	swait.ge [sflag:s23], $0x4000  }
0x1bc: {  	[sflag:s23] =	ssyncset.done $0x0  }
0x1bd: {  	[sflag:s23] =	ssyncadd.s32 $0xFFFFC000  }
0x1be: {  	[tilespmem:s20], [sflag:$0x1] =	stream.indirect.gather [spmem:s2], $0x40, s24, s19, $0xb8;
	[tilespmem:$0x1D000] =	vst v63  }
0x1bf: {  	_ =	swait.ge [sflag:s25], $0x4000  }
0x1c0: {  	[sflag:s25] =	ssyncset.done $0x0  }
0x1c1: {  	[sflag:s25] =	ssyncadd.s32 $0xFFFFC000  }
0x1c2: {  	[tilespmem:s21], [sflag:$0x2] =	stream.indirect.gather [spmem:s2], $0x40, s26, s19, $0xb8;
	[tilespmem:$0x1D000] =	vst v63  }
0x1c3: {  	_ =	swait.ge [sflag:s15], $0x4000  }
0x1c4: {  	[sflag:s15] =	ssyncset.done $0x0  }
0x1c5: {  	[sflag:s15] =	ssyncadd.s32 $0xFFFFC000  }
0x1c6: {  	[spmem:s3] =	stream.indirect.scatter.add.f32 [tilespmem:s20], [sflag:$0x3], $0x40, s28, s19, $0xb8;
	[tilespmem:$0x1D000] =	vst v63  }
0x1c7: {  	_ =	swait.ge [sflag:s16], $0x4000  }
0x1c8: {  	[sflag:s16] =	ssyncset.done $0x0  }
0x1c9: {  	[sflag:s16] =	ssyncadd.s32 $0xFFFFC000  }
0x1ca: {  	[spmem:s3] =	stream.indirect.scatter.add.f32 [tilespmem:s21], [sflag:$0x4], $0x40, s29, s19, $0xb8;
	[tilespmem:$0x1D000] =	vst v63  }
0x1cb: {  	_ =	swait.ge [sflag:s23], $0x4000  }
0x1cc: {  	[sflag:s23] =	ssyncset.done $0x0  }
0x1cd: {  	[sflag:s23] =	ssyncadd.s32 $0xFFFFC000  }
0x1ce: {  	[tilespmem:s20], [sflag:$0x1] =	stream.indirect.gather [spmem:s2], $0x40, s30, s19, $0xb8;
	[tilespmem:$0x1D000] =	vst v63  }
0x1cf: {  	_ =	swait.ge [sflag:s25], $0x4000  }
0x1d0: {  	[sflag:s25] =	ssyncset.done $0x0  }
0x1d1: {  	[sflag:s25] =	ssyncadd.s32 $0xFFFFC000  }
0x1d2: {  	[tilespmem:s21], [sflag:$0x2] =	stream.indirect.gather [spmem:s2], $0x40, s31, s19, $0xb8;
	[tilespmem:$0x1D000] =	vst v63  }
0x1d3: {  	_ =	swait.ge [sflag:s15], $0x4000  }
0x1d4: {  	[sflag:s15] =	ssyncset.done $0x0  }
0x1d5: {  	[sflag:s15] =	ssyncadd.s32 $0xFFFFC000  }
0x1d6: {  	[spmem:s3] =	stream.indirect.scatter.add.f32 [tilespmem:s20], [sflag:$0x3], $0x40, s0, s19, $0xb8;
	[tilespmem:$0x1D000] =	vst v63  }
0x1d7: {  	_ =	swait.ge [sflag:s16], $0x4000  }
0x1d8: {  	[sflag:s16] =	ssyncset.done $0x0  }
0x1d9: {  	[sflag:s16] =	ssyncadd.s32 $0xFFFFC000  }
0x1da: {  	[spmem:s3] =	stream.indirect.scatter.add.f32 [tilespmem:s21], [sflag:$0x4], $0x40, s1, s19, $0xb8;
	[tilespmem:$0x1D000] =	vst v63  }
0x1db: {  	_ =	swait.ge [sflag:s23], $0x4000  }
0x1dc: {  	[sflag:s23] =	ssyncset.done $0x0  }
0x1dd: {  	[sflag:s23] =	ssyncadd.s32 $0xFFFFC000  }
0x1de: {  	[tilespmem:s20], [sflag:$0x1] =	stream.indirect.gather [spmem:s2], $0x40, s7, s19, $0xb8;
	[tilespmem:$0x1D000] =	vst v63  }
0x1df: {  	_ =	swait.ge [sflag:s25], $0x4000  }
0x1e0: {  	[sflag:s25] =	ssyncset.done $0x0  }
0x1e1: {  	[sflag:s25] =	ssyncadd.s32 $0xFFFFC000  }
0x1e2: {  	[tilespmem:s21], [sflag:$0x2] =	stream.indirect.gather [spmem:s2], $0x40, s8, s19, $0xb8;
	[tilespmem:$0x1D000] =	vst v63  }
0x1e3: {  	_ =	swait.ge [sflag:s15], $0x4000  }
0x1e4: {  	[sflag:s15] =	ssyncset.done $0x0  }
0x1e5: {  	[sflag:s15] =	ssyncadd.s32 $0xFFFFC000  }
0x1e6: {  	[spmem:s3] =	stream.indirect.scatter.add.f32 [tilespmem:s20], [sflag:$0x3], $0x40, s9, s19, $0xb8;
	[tilespmem:$0x1D000] =	vst v63  }
0x1e7: {  	_ =	swait.ge [sflag:s16], $0x4000  }
0x1e8: {  	[sflag:s16] =	ssyncset.done $0x0  }
0x1e9: {  	[sflag:s16] =	ssyncadd.s32 $0xFFFFC000  }
0x1ea: {  	[spmem:s3] =	stream.indirect.scatter.add.f32 [tilespmem:s21], [sflag:$0x4], $0x40, s12, s19, $0xb8;
	[tilespmem:$0x1D000] =	vst v63  }
0x1eb: {  	_ =	swait.ge [sflag:s23], $0x4000  }
.Ltmp6:
0x1ec: {  	[sflag:s23] =	ssyncset.done $0x0;
	(pc) =	sbr.rel .LBB2_8-.Ltmp6, $4  }
0x1ed: {  	[sflag:s23] =	ssyncadd.s32 $0xFFFFC000  }
0x1ee: {  	_ =	swait.ge [sflag:s25], $0x4000  }
0x1ef: {  	[sflag:s25] =	ssyncset.done $0x0  }
0x1f0: {  	s13 =	smov.u32 s11;
	s10 =	rddreg [dreg:$0x10];
	[sflag:s25] =	ssyncadd.s32 $0xFFFFC000  }
.LBB2_9:
0x1f1: {  	_ =	sfence.sel $0x180000  }
0x1f2: {  	[bflag:$0x0] =	sbarrier.arrive $0xFFFF  }
0x1f3: {  	_ =	strace $0x9000004D  }
0x1f4: {  	s0 =	stileid.u32;
	[bflag:$0x2] =	sbarrier.arrive $0xFFFF  }
0x1f5: {  	p0 =	sne.s32 s0, $0x0;
	s0 =	rddreg [dreg:$0x4]  }
0x1f6: {  	s0 =	sadd.s32 @!p0 $0x100000, s0  }
0x1f7: {  	[sflag:s0] =	ssyncadd.tile.s32 @!p0 $0x1;
	_ =	shalt  }
.Lfunc_end2:
_tile_overlayer_lowered:
.L_overlay_start_2:
0x1f8: {  	(tag) =	ssettag $0x2  }
0x1f9: {  	s0 =	rddreg [dreg:$0x0];
	s2 =	stileid.u32  }
0x1fa: {  	s1 =	rddreg [dreg:$0x1];
	p0 =	sne.s32 s2, $0x0  }
0x1fb: {  	s3 =	rddreg [dreg:$0x2];
	[bflag:$0x3] =	sbarrier.arrive $0xFFFF;
	s2 =	simm.s32 @!p0 $0x1C05  }
0x1fc: {  	[timem:s3], [sflag:s2] =	dma.local @!p0 [hbm:s0], s1  }
0x1fd: {  	s0 =	simm.s32 @!p0 $0x5  }
0x1fe: {  	_ =	swait.ge @!p0 [sflag:s0], s1  }
0x1ff: {  	s1 =	ssub.s32 @!p0 $0x0, s1;
	[sflag:s0] =	ssyncset.done @!p0 $0x0  }
0x200: {  	[sflag:s0] =	ssyncadd.s32 @!p0 s1  }
0x201: {  	[bflag:$0x3] =	sbarrier.arrive $0xFFFF  }
0x202: {  	_ =	shalt  }

// kernel: kernel.8.cloned.1.call-start
scs
__scs_entry_jumppad:
0x0: {  	(pc) =	sbr.rel $0x88, $3  }
0x1: {  	(tag) =	ssettag $0x0;
	lr =	simm.s32 $0x1  }
0x2: {  	[smem:$0x3F9B] =	sst lr;
	_ =	strace $0xD0000000  }
0x3: {  	_ = 	snop  }
0x4: {  	_ = 	snop  }
0x5: {  	_ = 	snop  }
0x6: {  	_ = 	snop  }
0x7: {  	_ = 	snop  }
__scs_overlays_trampoline_lowered:
0x8: {  	[smem:$0x3FAA] =	sst s0  }
0x9: {  	[smem:$0x3FAB] =	sst s1  }
0xa: {  	[smem:$0x3FAC] =	sst s2  }
0xb: {  	[smem:$0x3FAD] =	sst s3  }
0xc: {  	[smem:$0x3FAE] =	sst s4  }
0xd: {  	[smem:$0x3FAF] =	sst s5  }
0xe: {  	[smem:$0x3FB0] =	sst s6  }
0xf: {  	[smem:$0x3FB1] =	sst s7  }
0x10: {  	[smem:$0x3FB2] =	sst s8  }
0x11: {  	[smem:$0x3FB3] =	sst s9;
	s0 =	simm.s32 @!p0 $0x0  }
0x12: {  	s1 =	sld [smem:$0x3F99];
	s0 =	simm.s32 @p0 $0x1  }
0x13: {  	[smem:$0x3FB4] =	sst s0;
	s0 =	simm.s32 @!p1 $0x0  }
0x14: {  	s2 =	sld [smem:$0x3F98];
	s0 =	simm.s32 @p1 $0x1  }
0x15: {  	[smem:$0x3FB5] =	sst s0;
	s0 =	simm.s32 @!p2 $0x0  }
0x16: {  	s3 =	sld [smem:$0x3FDB];
	s0 =	simm.s32 @p2 $0x1  }
0x17: {  	s4 =	simm.s32 $0x1BF5;
	[smem:$0x3FB7] =	sst s0  }
0x18: {  	s0 =	sld [smem:$0x3F9A];
	_ =	swait.ge [sflag:s4], $0x0  }
0x19: {  	s7 =	sld [smem:$0x3F9B]  }
0x1a: {  	s8 =	sadd.s32 $0xFFFFE003, lr  }
0x1b: {  	s9 =	sadd.s32 $0xFFFFFEF7, lr;
	s5 =	simm.s32 $0xFFFFFFFF;
	p2 =	slt.u32 s8, $0xFFFFF086  }
0x1c: {  	p1 =	slt.u32 s9, $0xF7A;
	s5 =	simm.s32 @!p2 $0x0  }
0x1d: {  	s5 =	simm.s32 @p1 $0x1;
	p0 =	seq.s32 s7, s2  }
0x1e: {  	s7 =	smul.u32 @!p0 $0xF7A, s2;
	p2 =	seq.s32 @!p0 s5, $0x0  }
0x1f: {  	s9 =	smul.u32 $0xF7A, s1;
	s8 =	simm.s32 @!p0 $0x1BF5;
	p2 =	por !p2, p0  }
0x20: {  	[sflag:s8] =	ssyncset.s32 @!p0 $0xFFFFF086;
	s6 =	sadd.s32 @!p0 s3, s7;
	s7 =	simm.s32 @!p0 $0x108  }
0x21: {  	s3 =	sadd.s32 s3, s9;
	s6 =	sadd.s32 @!p0 $0x88, s6;
	s7 =	simm.s32 @p2 $0x1082  }
0x22: {  	[simem:s7], [sflag:s8] =	dma.local @!p0 [hbm:s6], $0xF7A  }
0x23: {  	s9 =	sor.u32 $0xD0000000, s2;
	s6 =	simm.s32 $0x108;
	_ =	swait.ge @!p0 [sflag:s8], $0x0  }
0x24: {  	s3 =	sadd.s32 $0x88, s3;
	s6 =	simm.s32 @!p1 $0x1082;
	[sflag:s4] =	ssyncset.s32 $0xFFFFF086  }
0x25: {  	[simem:s6], [sflag:s4] =	dma.local [hbm:s3], $0xF7A  }
0x26: {  	[smem:$0x3F9B] =	sst s1;
	(tag) =	ssettag s2;
	_ =	strace s9  }
0x27: {  	s1 =	sld [smem:$0x3FAB]  }
0x28: {  	s2 =	sld [smem:$0x3FAC]  }
0x29: {  	s4 =	sld [smem:$0x3FAE]  }
0x2a: {  	p0 =	seq.s32 s5, $0x0;
	s5 =	sld [smem:$0x3FAF]  }
0x2b: {  	s6 =	sld [smem:$0x3FB0]  }
0x2c: {  	s7 =	sld [smem:$0x3FB1]  }
0x2d: {  	s3 =	simm.s32 $0x108;
	s8 =	sld [smem:$0x3FB2]  }
0x2e: {  	s3 =	simm.s32 @!p0 $0x1082;
	s9 =	sld [smem:$0x3FB3]  }
0x2f: {  	lr =	sadd.s32 s0, s3;
	s0 =	sld [smem:$0x3FAA]  }
0x30: {  	s3 =	sld [smem:$0x3FAD]  }
0x31: {  	[smem:$0x3FB6] =	sst s10  }
0x32: {  	s10 =	sld [smem:$0x3FB4];
	_ =	sdelay $0x3  }
0x33: {  	p0 =	seq.s32 s10, $0x1;
	s10 =	sld [smem:$0x3FB6];
	_ =	sdelay $0x3  }
0x34: {  	[smem:$0x3FB6] =	sst s10  }
0x35: {  	s10 =	sld [smem:$0x3FB5];
	_ =	sdelay $0x3  }
0x36: {  	p1 =	seq.s32 s10, $0x1;
	s10 =	sld [smem:$0x3FB6];
	_ =	sdelay $0x3  }
0x37: {  	[smem:$0x3FB6] =	sst s10  }
0x38: {  	s10 =	sld [smem:$0x3FB7]  }
0x39: {  	_ = 	snop;
	(pc) =	sbr.ind lr, $3  }
0x3a: {  	_ = 	snop  }
0x3b: {  	_ = 	snop  }
0x3c: {  	p2 =	seq.s32 s10, $0x1;
	s10 =	sld [smem:$0x3FB6]  }
0x3d: {  	_ =	shalt  }
0x3e: {  	_ =	shalt  }
0x3f: {  	_ =	shalt  }
0x40: {  	_ =	shalt  }
0x41: {  	_ =	shalt  }
0x42: {  	_ =	shalt  }
0x43: {  	_ =	shalt  }
0x44: {  	_ =	shalt  }
0x45: {  	_ =	shalt  }
0x46: {  	_ =	shalt  }
0x47: {  	_ =	shalt  }
0x48: {  	_ =	shalt  }
0x49: {  	_ =	shalt  }
0x4a: {  	_ =	shalt  }
0x4b: {  	_ =	shalt  }
0x4c: {  	_ =	shalt  }
0x4d: {  	_ =	shalt  }
0x4e: {  	_ =	shalt  }
0x4f: {  	_ =	shalt  }
0x50: {  	_ =	shalt  }
0x51: {  	_ =	shalt  }
0x52: {  	_ =	shalt  }
0x53: {  	_ =	shalt  }
0x54: {  	_ =	shalt  }
0x55: {  	_ =	shalt  }
0x56: {  	_ =	shalt  }
0x57: {  	_ =	shalt  }
0x58: {  	_ =	shalt  }
0x59: {  	_ =	shalt  }
0x5a: {  	_ =	shalt  }
0x5b: {  	_ =	shalt  }
0x5c: {  	_ =	shalt  }
0x5d: {  	_ =	shalt  }
0x5e: {  	_ =	shalt  }
0x5f: {  	_ =	shalt  }
0x60: {  	_ =	shalt  }
0x61: {  	_ =	shalt  }
0x62: {  	_ =	shalt  }
0x63: {  	_ =	shalt  }
0x64: {  	_ =	shalt  }
0x65: {  	_ =	shalt  }
0x66: {  	_ =	shalt  }
0x67: {  	_ =	shalt  }
0x68: {  	_ =	shalt  }
0x69: {  	_ =	shalt  }
0x6a: {  	_ =	shalt  }
0x6b: {  	_ =	shalt  }
0x6c: {  	_ =	shalt  }
0x6d: {  	_ =	shalt  }
0x6e: {  	_ =	shalt  }
0x6f: {  	_ =	shalt  }
0x70: {  	_ =	shalt  }
0x71: {  	_ =	shalt  }
0x72: {  	_ =	shalt  }
0x73: {  	_ =	shalt  }
0x74: {  	_ =	shalt  }
0x75: {  	_ =	shalt  }
0x76: {  	_ =	shalt  }
0x77: {  	_ =	shalt  }
0x78: {  	_ =	shalt  }
0x79: {  	_ =	shalt  }
0x7a: {  	_ =	shalt  }
0x7b: {  	_ =	shalt  }
0x7c: {  	_ =	shalt  }
0x7d: {  	_ =	shalt  }
0x7e: {  	_ =	shalt  }
0x7f: {  	_ =	shalt  }
0x80: {  	_ =	shalt  }
0x81: {  	_ =	shalt  }
0x82: {  	_ =	shalt  }
0x83: {  	_ =	shalt  }
0x84: {  	_ =	shalt  }
0x85: {  	_ =	shalt  }
0x86: {  	_ =	shalt  }
0x87: {  	_ =	shalt  }
.Lfunc_end0:
.L_simem_size_0:
called_computation_lowered:
.L_overlay_start_0:
0x88: {  	s2 =	sld [smem:$0x3FD9]  }
0x89: {  	s3 =	sld [smem:$0x3FFE];
	_ =	sdelay $0x1  }
0x8a: {  	s1 =	srdreg.scid  }
0x8b: {  	s0 =	sand.u32 $0x1, s1  }
0x8c: {  	s16 =	sshll.u32 s0, $0xA;
	s2 =	sadd.s32 s3, s2  }
0x8d: {  	s2 =	sadd.s32 s2, s16  }
0x8e: {  	[smem:$0x3FC2] =	sst s2  }
0x8f: {  	_ = 	snop  }
0x90: {  	(tm) =	ssettm $0x1  }
0x91: {  	s17 =	sld [smem:$0x3FFB];
	_ =	sdelay $0x3  }
0x92: {  	_ =	strace s17  }
0x93: {  	s2 =	sld [smem:$0x3FFC];
	_ =	sdelay $0x3  }
0x94: {  	_ =	strace s2  }
0x95: {  	s2 =	sld [smem:$0x3FFD];
	_ =	sdelay $0x3  }
0x96: {  	_ =	strace s2  }
0x97: {  	_ =	strace $0x8FFFFFFF  }
0x98: {  	s18 =	sld [smem:$0x3FDB];
	_ =	sdelay $0x1  }
0x99: {  	s19 =	simm.s32 $_scs_section_size  }
0x9a: {  	s4 =	simm.s32 $_size__tile_overlayer_lowered;
	s5 =	simm.s32 $_tile_overlayer_lowered  }
0x9b: {  	s22 =	simm.s32 $0x1BFF;
	s21 =	sshll.u32 s5, $0x1;
	s2 =	sadd.s32 s19, s18  }
0x9c: {  	s6 =	simm.s32 $0x0;
	s20 =	sshll.u32 s4, $0x1;
	s4 =	sadd.s32 s21, s2  }
0x9d: {  	[timem:s6], [sflag:s22] =	dma.local [hbm:s4], s20  }
0x9e: {  	_ =	swait.ge [sflag:s22], s20  }
0x9f: {  	s3 =	ssub.s32 $0x0, s20;
	[sflag:s22] =	ssyncset.done $0x0  }
0xa0: {  	[sflag:s22] =	ssyncadd.s32 s3;
	_ =	sdelay $0x1  }
0xa1: {  	s23 =	simm.s32 $0x1B8B  }
0xa2: {  	_ =	swait.ge [sflag:s23], $0x1  }
0xa3: {  	[sflag:s23] =	ssyncset.done $0x0  }
0xa4: {  	s25 =	simm.s32 $0x1B8E;
	s24 =	sld [smem:$0x3FFE];
	[sflag:s23] =	ssyncadd.s32 $0xFFFFFFFF  }
0xa5: {  	s26 =	simm.s32 $execute0_lowered;
	[smem:$0x3FD2] =	sst s25  }
0xa6: {  	s4 =	sshll.u32 s26, $0x1;
	_ =	strace $0x80000046;
	[dreg:$0x1] =	wrdreg $0xFFFFFFFF  }
0xa7: {  	s28 =	simm.s32 $_size_execute0_lowered;
	s2 =	sadd.s32 s2, s4;
	[dreg:$0x0] =	wrdreg $0x0  }
0xa8: {  	s4 =	sshll.u32 s28, $0x1;
	[dreg:$0x2] =	wrdreg s2  }
0xa9: {  	[dreg:$0x3] =	wrdreg s4  }
0xaa: {  	[dreg:$0x4] =	wrdreg $0xC0  }
0xab: {  	_ =	task [dreg:s6], $0x5FFFF  }
0xac: {  	[dreg:$0x1] =	wrdreg $0xFFFFFFFF  }
0xad: {  	[dreg:$0x0] =	wrdreg $0x60  }
0xae: {  	[dreg:$0x2] =	wrdreg s24  }
0xaf: {  	[dreg:$0x3] =	wrdreg $0x2B800  }
0xb0: {  	[dreg:$0x4] =	wrdreg $0x9  }
0xb1: {  	_ =	task.clear_ibuf [dreg:s6], $0x5FFFF;
	_ =	strace $0x90000046  }
0xb2: {  	s29 =	simm.s32 $0x9;
	_ =	strace $0x80000048  }
0xb3: {  	_ =	swait.ge [sflag:s29], $0x1  }
0xb4: {  	[sflag:s29] =	ssyncadd.s32 $0xFFFFFFFF  }
0xb5: {  	_ =	strace $0x90000048  }
0xb6: {  	_ =	sfence  }
0xb7: {  	s30 =	sld [smem:$0x0];
	_ =	sdelay $0x2  }
0xb8: {  	s31 =	sshll.u32 s1, $0xD;
	s1 =	sshrl.u32 s1, $0x2  }
0xb9: {  	s3 =	sand.u32 $0x4000, s31;
	s1 =	sadd.s32 s1, s30  }
0xba: {  	s0 =	sor.u32 s3, s0;
	s1 =	sshll.u32 s1, $0x11  }
0xbb: {  	s0 =	sor.u32 s1, s0  }
0xbc: {  	s0 =	sadd.s32 $0x8F2B, s0  }
0xbd: {  	[sflag:s0] =	ssyncadd.remote.s32 $0x1  }
0xbe: {  	_ =	sfence.sel $0xFFFF  }
0xbf: {  	[dreg:$0x0] =	wrdreg $0xFFFFFFFF;
	(pc) =	sbr.abs _section_cstart, $3  }
0xc0: {  	[dreg:$0x1] =	wrdreg $0xFFFFFFFF  }
0xc1: {  	_ =	task.clear_ibuf [dreg:s6], $0x2FFFF;
	_ =	strace $0x9FFFFFFF  }
0xc2: {  	(tm) =	ssettm $0x7FFFFFFF  }
0xc3: {  	_ =	shalt  }
tec
execute0_lowered:
.L_overlay_start_1:
0x0: {  	(tag) =	ssettag $0x1  }
0x1: {  	s1 =	srdreg.scid;
	s4 =	rddreg [dreg:$0x0]  }
0x2: {  	s0 =	stileid.u32;
	s2 =	rddreg [dreg:$0x1];
	s3 =	simm.s32 $0x0  }
0x3: {  	s10 =	simm.s32 $0x100;
	s11 =	simm.s32 $0x2800;
	s12 =	simm.s32 $0x1  }
0x4: {  	s13 =	simm.s32 $0x2;
	s5 =	sand.u32 $0x1, s1;
	s1 =	rddreg [dreg:$0x2]  }
0x5: {  	s16 =	simm.s32 $0x0;
	s6 =	smul.u32 $0x280, s0;
	[smem:$0x7FF] =	sst s3  }
0x6: {  	s14 =	sshll.u32 s0, $0x6;
	s7 =	sshll.u32 s5, $0x4;
	s8 =	smul.u32 $0x2800, s5  }
0x7: {  	_ =	strace $0x80000047;
	s5 =	ssub.s32 $0x2, s5;
	s7 =	sor.u32 s0, s7  }
0x8: {  	s31 =	sshrl.u32 s5, $0x1;
	s7 =	smul.u32 $0x500, s7;
	s8 =	sadd.s32 s6, s8  }
0x9: {  	s14 =	sor.u32 $0x1C03, s14;
	s9 =	ssub.s32 s5, s31;
	s8 =	sshrl.u32 s8, $0x3  }
0xa: {  	s7 =	sadd.s32 s7, s4;
	s8 =	sadd.s32 s8, s4;
	s4 =	sadd.s32 s6, s2  }
0xb: {  	s5 =	sadd.s32 $0x1E00, s7;
	s6 =	sadd.s32 $0xBE00, s8;
	s7 =	smax.u32 s9, $0x1  }
0xc: {  	v0 =	vimm.f32 $1.000000000e+00;
	v1 =	vimm.f32 $0.0e+00;
	s8 =	simm.s32 $0x2900;
	s9 =	simm.s32 $0x3;
	s15 =	sshrl.u32 s4, $0x3  }
.LBB2_1:
0xd: {  	[tilespmem:$0x2800] =	vst v0  }
0xe: {  	[tilespmem:$0x2810] =	vst v0  }
0xf: {  	[tilespmem:$0x2820] =	vst v0  }
0x10: {  	[tilespmem:$0x2830] =	vst v0  }
0x11: {  	[tilespmem:$0x2840] =	vst v0  }
0x12: {  	[tilespmem:$0x2850] =	vst v0  }
0x13: {  	[tilespmem:$0x2860] =	vst v0  }
0x14: {  	[tilespmem:$0x2870] =	vst v0  }
0x15: {  	[tilespmem:$0x2880] =	vst v0  }
0x16: {  	[tilespmem:$0x2890] =	vst v0  }
0x17: {  	[tilespmem:$0x28A0] =	vst v0  }
0x18: {  	[tilespmem:$0x28B0] =	vst v0  }
0x19: {  	[tilespmem:$0x28C0] =	vst v0  }
0x1a: {  	[tilespmem:$0x28D0] =	vst v0  }
0x1b: {  	[tilespmem:$0x28E0] =	vst v0  }
0x1c: {  	[tilespmem:$0x28F0] =	vst v0  }
0x1d: {  	[tilespmem:$0x2900] =	vst v1  }
0x1e: {  	[tilespmem:$0x2910] =	vst v1  }
0x1f: {  	[tilespmem:$0x2920] =	vst v1  }
0x20: {  	[tilespmem:$0x2930] =	vst v1  }
0x21: {  	[tilespmem:$0x2940] =	vst v1  }
0x22: {  	[tilespmem:$0x2950] =	vst v1  }
0x23: {  	[tilespmem:$0x2960] =	vst v1  }
0x24: {  	[tilespmem:$0x2970] =	vst v1  }
0x25: {  	[tilespmem:$0x2980] =	vst v1  }
0x26: {  	[tilespmem:$0x2990] =	vst v1  }
0x27: {  	[tilespmem:$0x29A0] =	vst v1  }
0x28: {  	[tilespmem:$0x29B0] =	vst v1  }
0x29: {  	[tilespmem:$0x29C0] =	vst v1  }
0x2a: {  	[tilespmem:$0x29D0] =	vst v1  }
0x2b: {  	[tilespmem:$0x29E0] =	vst v1  }
0x2c: {  	[tilespmem:$0x29F0] =	vst v1  }
0x2d: {  	[tilespmem:$0x2A00] =	vst v1  }
0x2e: {  	[tilespmem:$0x2A10] =	vst v1  }
0x2f: {  	[tilespmem:$0x2A20] =	vst v1  }
0x30: {  	[tilespmem:$0x2A30] =	vst v1  }
0x31: {  	[tilespmem:$0x2A40] =	vst v1  }
0x32: {  	[tilespmem:$0x2A50] =	vst v1  }
0x33: {  	[tilespmem:$0x2A60] =	vst v1  }
0x34: {  	[tilespmem:$0x2A70] =	vst v1  }
0x35: {  	[tilespmem:$0x2A80] =	vst v1  }
0x36: {  	[tilespmem:$0x2A90] =	vst v1  }
0x37: {  	[tilespmem:$0x2AA0] =	vst v1  }
0x38: {  	[tilespmem:$0x2AB0] =	vst v1  }
0x39: {  	[tilespmem:$0x2AC0] =	vst v1  }
0x3a: {  	[tilespmem:$0x2AD0] =	vst v1  }
0x3b: {  	[tilespmem:$0x2AE0] =	vst v1  }
0x3c: {  	[tilespmem:$0x2AF0] =	vst v1  }
0x3d: {  	[tilespmem:$0x2B00] =	vst v1  }
0x3e: {  	[tilespmem:$0x2B10] =	vst v1  }
0x3f: {  	[tilespmem:$0x2B20] =	vst v1  }
0x40: {  	[tilespmem:$0x2B30] =	vst v1  }
0x41: {  	[tilespmem:$0x2B40] =	vst v1  }
0x42: {  	[tilespmem:$0x2B50] =	vst v1  }
0x43: {  	[tilespmem:$0x2B60] =	vst v1  }
0x44: {  	[tilespmem:$0x2B70] =	vst v1  }
0x45: {  	[spmem:s4] =	stream.linear.scatter [tilespmem:s8], [sflag:$0x3], $0x280, $0x38;
	[tilespmem:$0x2E00] =	vst v63  }
0x46: {  	_ =	swait.ge [sflag:s9], $0x280  }
0x47: {  	[sflag:s9] =	ssyncset.done $0x0  }
0x48: {  	[sflag:s9] =	ssyncadd.s32 $0xFFFFFD80  }
0x49: {  	[tilespmem:s3], [sflag:$0x3] =	stream.linear.gather [hbm4b:s5+s3], $0x2800, $0x38;
	[tilespmem:$0x2E00] =	vst v63  }
0x4a: {  	_ =	swait.ge [sflag:s9], $0x2800  }
0x4b: {  	[sflag:s9] =	ssyncset.done $0x0  }
0x4c: {  	[sflag:s9] =	ssyncadd.s32 $0xFFFFD800  }
0x4d: {  	s17 =	simm.s32 $0x0;
	[bflag:$0x0] =	sbarrier.arrive $0xFFFF  }
0x4e: {  	[spmem:s2] =	stream.indirect.scatter.add.f32 [tilespmem:s11], [sflag:$0x1], $0x1, s17, s10, $0xb8;
	[tilespmem:$0x2E00] =	vst v63  }
0x4f: {  	s31 =	simm.s32 $0x100  }
0x50: {  	[spmem:s2] =	stream.indirect.scatter.add.f32 [tilespmem:s11], [sflag:$0x2], $0x1, s31, s10, $0xb8;
	[tilespmem:$0x2E00] =	vst v63  }
0x51: {  	_ =	swait.ge [sflag:s12], $0x100  }
0x52: {  	[sflag:s12] =	ssyncset.done $0x0  }
0x53: {  	[sflag:s12] =	ssyncadd.s32 $0xFFFFFF00  }
0x54: {  	_ =	swait.ge [sflag:s13], $0x100  }
0x55: {  	s18 =	simm.s32 $0x1000;
	s17 =	simm.s32 $0x800;
	[sflag:s13] =	ssyncset.done $0x0  }
.LBB2_2:
0x56: {  	s19 =	sshra.s32 s17, $0x2  }
0x57: {  	[sflag:s13] =	ssyncadd.s32 $0xFFFFFF00;
	s17 =	smov.u32 s18;
	s20 =	sadd.s32 $0x800, s18  }
0x58: {  	[spmem:s2] =	stream.indirect.scatter.add.f32 [tilespmem:s11], [sflag:$0x1], $0x1, s19, s10, $0xb8;
	[tilespmem:$0x2E00] =	vst v63  }
0x59: {  	p0 =	sne.s32 s18, $0x9800;
	s18 =	sadd.s32 $0x100, s19  }
0x5a: {  	[spmem:s2] =	stream.indirect.scatter.add.f32 [tilespmem:s11], [sflag:$0x2], $0x1, s18, s10, $0xb8;
	[tilespmem:$0x2E00] =	vst v63  }
.Ltmp0:
0x5b: {  	_ =	swait.ge [sflag:s12], $0x100;
	(pc) =	sbr.rel @p0 .LBB2_2-.Ltmp0, $4  }
0x5c: {  	[sflag:s12] =	ssyncset.done $0x0  }
0x5d: {  	[sflag:s12] =	ssyncadd.s32 $0xFFFFFF00  }
0x5e: {  	_ =	swait.ge [sflag:s13], $0x100  }
0x5f: {  	s18 =	smov.u32 s20;
	[sflag:s13] =	ssyncset.done $0x0  }
0x60: {  	s17 =	sshra.s32 s17, $0x2;
	[sflag:s13] =	ssyncadd.s32 $0xFFFFFF00  }
0x61: {  	[spmem:s2] =	stream.indirect.scatter.add.f32 [tilespmem:s11], [sflag:$0x1], $0x1, s17, s10, $0xb8;
	[tilespmem:$0x2E00] =	vst v63  }
0x62: {  	s17 =	sadd.s32 $0x100, s17  }
0x63: {  	[spmem:s2] =	stream.indirect.scatter.add.f32 [tilespmem:s11], [sflag:$0x2], $0x1, s17, s10, $0xb8;
	[tilespmem:$0x2E00] =	vst v63  }
0x64: {  	_ =	swait.ge [sflag:s12], $0x100  }
0x65: {  	[sflag:s12] =	ssyncset.done $0x0  }
0x66: {  	[sflag:s12] =	ssyncadd.s32 $0xFFFFFF00  }
0x67: {  	_ =	swait.ge [sflag:s13], $0x100  }
0x68: {  	s16 =	sadd.s32 $0x1, s16;
	[sflag:s13] =	ssyncset.done $0x0  }
0x69: {  	p0 =	sne.s32 s16, s7;
	[sflag:s13] =	ssyncadd.s32 $0xFFFFFF00  }
.Ltmp1:
0x6a: {  	[bflag:$0x0] =	sbarrier.arrive $0xFFFF;
	(pc) =	sbr.rel @p0 .LBB2_1-.Ltmp1, $4  }
0x6b: {  	[hbm:s6], [sflag:s14] =	dma.local [spmem:s15], $0x50  }
0x6c: {  	_ =	swait.ge [sflag:s9], $0x50  }
0x6d: {  	[sflag:s9] =	ssyncset.done $0x0  }
0x6e: {  	[sflag:s9] =	ssyncadd.s32 $0xFFFFFFB0  }
0x6f: {  	_ =	sfence.sel $0x180000  }
0x70: {  	[bflag:$0x0] =	sbarrier.arrive $0xFFFF  }
0x71: {  	p0 =	sne.s32 s0, $0x0;
	_ =	strace $0x90000047  }
0x72: {  	s0 =	sadd.s32 @!p0 $0x100000, s1;
	[bflag:$0x2] =	sbarrier.arrive $0xFFFF  }
0x73: {  	[sflag:s0] =	ssyncadd.tile.s32 @!p0 $0x1;
	_ =	shalt  }
.Lfunc_end2:
_tile_overlayer_lowered:
.L_overlay_start_2:
0x74: {  	(tag) =	ssettag $0x2  }
0x75: {  	s0 =	rddreg [dreg:$0x0];
	s2 =	stileid.u32  }
0x76: {  	s1 =	rddreg [dreg:$0x1];
	p0 =	sne.s32 s2, $0x0  }
0x77: {  	s3 =	rddreg [dreg:$0x2];
	[bflag:$0x3] =	sbarrier.arrive $0xFFFF;
	s2 =	simm.s32 @!p0 $0x1C03  }
0x78: {  	[timem:s3], [sflag:s2] =	dma.local @!p0 [hbm:s0], s1  }
0x79: {  	s0 =	simm.s32 @!p0 $0x3  }
0x7a: {  	_ =	swait.ge @!p0 [sflag:s0], s1  }
0x7b: {  	s1 =	ssub.s32 @!p0 $0x0, s1;
	[sflag:s0] =	ssyncset.done @!p0 $0x0  }
0x7c: {  	[sflag:s0] =	ssyncadd.s32 @!p0 s1  }
0x7d: {  	[bflag:$0x3] =	sbarrier.arrive $0xFFFF  }
0x7e: {  	_ =	shalt  }

</sc_bundles>
